<compile_context>
chip_gen: v7x
topology: tpu7x:2x2x1
jax: 0.10.2.dev20260603
libtpu: 0.0.44.dev20260713+nightly
codegen_flags: <defaults>
</compile_context>

<pallas_src>
import functools

import jax
import jax.numpy as jnp
from jax import lax
from jax.experimental import pallas as pl
from jax.experimental.pallas import tpu as pltpu
from jax.experimental.pallas import tpu_sc as plsc

B, L, C = 4096, 200, 128
VOCAB = 262
HALF = C // 2

NC, NS, LANES = 2, 16, 16
NW = NC * NS
BL = B * L
PER_W = BL // NW
CHUNK = 128
NCHUNK = PER_W // CHUNK

VPAD = 512
ROWS_W = VPAD // NW

_MESH = plsc.VectorSubcoreMesh(core_axis_name="c", subcore_axis_name="s")


@functools.partial(
    pl.kernel,
    out_type=jax.ShapeDtypeStruct((VPAD, HALF), jnp.float32),
    mesh=_MESH,
    scratch_types=[
        pltpu.VMEM((ROWS_W * C,), jnp.float32),
        pltpu.VMEM((ROWS_W, HALF), jnp.float32),
    ],
    compiler_params=pltpu.CompilerParams(needs_layout_passes=False),
)
def _pool_table(tab_hbm, ptab_hbm, tab_v, ptab_v):
    wid = lax.axis_index("s") * NC + lax.axis_index("c")
    base = wid * ROWS_W
    for r in range(ROWS_W):
        pltpu.sync_copy(tab_hbm.at[base + r], tab_v.at[pl.ds(r * C, C)])
    lanes = lax.iota(jnp.int32, LANES)
    for r in range(ROWS_W):
        for j in range(HALF // LANES):
            flat = r * C + (j * LANES + lanes) * 2
            even = plsc.load_gather(tab_v, [flat])
            odd = plsc.load_gather(tab_v, [flat + 1])
            ptab_v[r, pl.ds(j * LANES, LANES)] = jnp.maximum(even, odd)
    pltpu.sync_copy(ptab_v, ptab_hbm.at[pl.ds(base, ROWS_W)])


@functools.partial(
    pl.kernel,
    out_type=(
        jax.ShapeDtypeStruct((BL, C), jnp.float32),
        jax.ShapeDtypeStruct((BL, HALF), jnp.float32),
    ),
    mesh=_MESH,
    scratch_types=[
        pltpu.VMEM((PER_W,), jnp.int32),
        pltpu.VMEM((CHUNK, C), jnp.float32),
        pltpu.VMEM((CHUNK, HALF), jnp.float32),
        pltpu.SemaphoreType.DMA,
        pltpu.SemaphoreType.DMA,
    ],
    compiler_params=pltpu.CompilerParams(use_tc_tiling_on_sc=False),
)
def _gather(tab_hbm, ptab_hbm, idx_hbm, outx_hbm, outp_hbm,
            idx_v, x_v, p_v, sem_x, sem_p):
    wid = lax.axis_index("s") * NC + lax.axis_index("c")
    base = wid * PER_W
    pltpu.sync_copy(idx_hbm.at[pl.ds(base, PER_W)], idx_v)

    def chunk(i, carry):
        row0 = base + i * CHUNK
        ids = idx_v.at[pl.ds(i * CHUNK, CHUNK)]
        cx = pltpu.async_copy(tab_hbm.at[ids], x_v, sem_x)
        cp = pltpu.async_copy(ptab_hbm.at[ids], p_v, sem_p)
        cx.wait()
        cp.wait()
        pltpu.sync_copy(x_v, outx_hbm.at[pl.ds(row0, CHUNK)])
        pltpu.sync_copy(p_v, outp_hbm.at[pl.ds(row0, CHUNK)])
        return carry

    lax.fori_loop(0, NCHUNK, chunk, 0)


def kernel(inputs, table):
    idx_flat = inputs.astype(jnp.int32).reshape(BL)
    tab_pad = jnp.pad(table, ((0, VPAD - VOCAB), (0, 0)))
    ptab = _pool_table(tab_pad)
    x_flat, p_flat = _gather(table, ptab, idx_flat)
    return x_flat.reshape(B, L, C), p_flat.reshape(B, L, HALF)

# --- scband reference (transcript-rebuilt; emitter-appended) ---
"""Pipeline reference for scband-text-encoder-block-28475633172751 (READ-ONLY COPY).

The authoritative reference and input builder live on the scoring server;
editing this copy changes nothing except your own understanding.
"""

import jax, jax.numpy as jnp
import numpy as np

B, L, C = 4096, 200, 128
VOCAB = 262

def setup_inputs(seed: int = 0) -> dict:
    key = jax.random.key(seed)
    k1, k2 = jax.random.split(key)
    inputs = jax.random.randint(k1, (B, L), 0, VOCAB, dtype=jnp.int64 if jax.config.jax_enable_x64 else jnp.int32)
    table = jax.random.normal(k2, (VOCAB, C), dtype=jnp.float32)
    return {"inputs": inputs, "table": table}

def reference(inputs, table):
    # x = self.embeddings(inputs): gather rows -> [B, L, C]
    x = jnp.take(table, inputs, axis=0)
    # p = self.pool(x): nn.MaxPool1d(2) pools along the LAST dim of a [N, C, L] tensor.
    # Here x is [B, L, C], so pooling is over the embedding dim -> [B, L, C//2]
    p = x.reshape(B, L, C // 2, 2).max(axis=-1)
    return (x, p)

if __name__ == "__main__":
    import jax
    _d = setup_inputs()
    print(jax.jit(kernel)(*tuple(_d.values())))

</pallas_src>

<mosaic_0001>
#map = affine_map<(d0, d1) -> (0, 0)>
module attributes {stable_mosaic.version = 14 : i64} {
  func.func @_pool_table(%arg0: i32, %arg1: i32, %arg2: memref<512x128xf32, #tpu.memory_space<hbm>>, %arg3: memref<512x64xf32, #tpu.memory_space<hbm>>, %arg4: memref<2048xf32, #tpu.memory_space<vmem>>, %arg5: memref<16x64xf32, #tpu.memory_space<vmem>>) attributes {dimension_semantics = [#tpu.dimension_semantics<core_parallel>, #tpu.dimension_semantics<subcore_parallel>], iteration_bounds = array<i64: 2, 16>, scalar_prefetch = 0 : i64, scratch_operands = 2 : i64, tpu.core_type = #tpu.core_type<sc_vector_subcore>, window_params = [{transform_indices = #map}, {transform_indices = #map}]} {
    %mul3A = arith.constant 2 : i32
    %mul3A_0 = arith.muli %arg1, %mul3A : i32
    %add3A = arith.addi %mul3A_0, %arg0 : i32
    %mul3A_1 = arith.constant 16 : i32
    %mul3A_2 = arith.muli %add3A, %mul3A_1 : i32
    %add3A_3 = arith.constant 0 : i32
    %add3A_4 = arith.addi %mul3A_2, %add3A_3 : i32
    "tpu.region"() ({
      %run_scoped3A = tpu.sem_alloc : memref<!tpu.dma_semaphore, #tpu.memory_space<semaphore_mem>>
      %dma_start3A = arith.constant 0 : i32
      %dma_start3A_1248 = tpu.memref_slice %arg4[%dma_start3A] : memref<2048xf32, #tpu.memory_space<vmem>> -> memref<128xf32, #tpu.memory_space<vmem>>
      %dma_start3A_1249 = arith.constant 0 : i32
      %dma_start3A_1250 = tpu.memref_slice %arg2[%add3A_4, %dma_start3A_1249] : memref<512x128xf32, #tpu.memory_space<hbm>> -> memref<1x128xf32, #tpu.memory_space<hbm>>
      %dma_start3A_1251 = tpu.memref_squeeze %dma_start3A_1250 : memref<1x128xf32, #tpu.memory_space<hbm>> -> memref<128xf32, #tpu.memory_space<hbm>>
      %dma_start3A_1252 = arith.constant 0 : i32
      %dma_start3A_1253 = tpu.memref_slice %arg4[%dma_start3A_1252] : memref<2048xf32, #tpu.memory_space<vmem>> -> memref<128xf32, #tpu.memory_space<vmem>>
      %dma_start3A_1254 = arith.constant 0 : i32
      %dma_start3A_1255 = tpu.memref_slice %arg2[%add3A_4, %dma_start3A_1254] : memref<512x128xf32, #tpu.memory_space<hbm>> -> memref<1x128xf32, #tpu.memory_space<hbm>>
      %dma_start3A_1256 = tpu.memref_squeeze %dma_start3A_1255 : memref<1x128xf32, #tpu.memory_space<hbm>> -> memref<128xf32, #tpu.memory_space<hbm>>
      tpu.enqueue_dma source(%dma_start3A_1256 : memref<128xf32, #tpu.memory_space<hbm>>) target(%dma_start3A_1253 : memref<128xf32, #tpu.memory_space<vmem>>) target_semaphore(%run_scoped3A : memref<!tpu.dma_semaphore, #tpu.memory_space<semaphore_mem>>)
      %dma_wait3A = arith.constant 0 : i32
      %dma_wait3A_1257 = tpu.memref_slice %arg4[%dma_wait3A] : memref<2048xf32, #tpu.memory_space<vmem>> -> memref<128xf32, #tpu.memory_space<vmem>>
      %dma_wait3A_1258 = arith.constant 0 : i32
      %dma_wait3A_1259 = tpu.memref_slice %arg2[%add3A_4, %dma_wait3A_1258] : memref<512x128xf32, #tpu.memory_space<hbm>> -> memref<1x128xf32, #tpu.memory_space<hbm>>
      %dma_wait3A_1260 = tpu.memref_squeeze %dma_wait3A_1259 : memref<1x128xf32, #tpu.memory_space<hbm>> -> memref<128xf32, #tpu.memory_space<hbm>>
      %dma_wait3A_1261 = arith.constant 0 : i32
      %dma_wait3A_1262 = tpu.memref_slice %arg4[%dma_wait3A_1261] : memref<2048xf32, #tpu.memory_space<vmem>> -> memref<128xf32, #tpu.memory_space<vmem>>
      %dma_wait3A_1263 = arith.constant 0 : i32
      %dma_wait3A_1264 = tpu.memref_slice %arg2[%add3A_4, %dma_wait3A_1263] : memref<512x128xf32, #tpu.memory_space<hbm>> -> memref<1x128xf32, #tpu.memory_space<hbm>>
      %dma_wait3A_1265 = tpu.memref_squeeze %dma_wait3A_1264 : memref<1x128xf32, #tpu.memory_space<hbm>> -> memref<128xf32, #tpu.memory_space<hbm>>
      tpu.wait_dma2 semaphore(%run_scoped3A : memref<!tpu.dma_semaphore, #tpu.memory_space<semaphore_mem>>) src(%dma_wait3A_1265 : memref<128xf32, #tpu.memory_space<hbm>>) dst(%dma_wait3A_1262 : memref<128xf32, #tpu.memory_space<vmem>>)
      tpu.yield
    }) : () -> ()
    %add3A_5 = arith.constant 1 : i32
    %add3A_6 = arith.addi %mul3A_2, %add3A_5 : i32
    "tpu.region"() ({
      %run_scoped3A = tpu.sem_alloc : memref<!tpu.dma_semaphore, #tpu.memory_space<semaphore_mem>>
      %dma_start3A = arith.constant 128 : i32
      %dma_start3A_1248 = tpu.memref_slice %arg4[%dma_start3A] : memref<2048xf32, #tpu.memory_space<vmem>> -> memref<128xf32, #tpu.memory_space<vmem>>
      %dma_start3A_1249 = arith.constant 0 : i32
      %dma_start3A_1250 = tpu.memref_slice %arg2[%add3A_6, %dma_start3A_1249] : memref<512x128xf32, #tpu.memory_space<hbm>> -> memref<1x128xf32, #tpu.memory_space<hbm>>
      %dma_start3A_1251 = tpu.memref_squeeze %dma_start3A_1250 : memref<1x128xf32, #tpu.memory_space<hbm>> -> memref<128xf32, #tpu.memory_space<hbm>>
      %dma_start3A_1252 = arith.constant 128 : i32
      %dma_start3A_1253 = tpu.memref_slice %arg4[%dma_start3A_1252] : memref<2048xf32, #tpu.memory_space<vmem>> -> memref<128xf32, #tpu.memory_space<vmem>>
      %dma_start3A_1254 = arith.constant 0 : i32
      %dma_start3A_1255 = tpu.memref_slice %arg2[%add3A_6, %dma_start3A_1254] : memref<512x128xf32, #tpu.memory_space<hbm>> -> memref<1x128xf32, #tpu.memory_space<hbm>>
      %dma_start3A_1256 = tpu.memref_squeeze %dma_start3A_1255 : memref<1x128xf32, #tpu.memory_space<hbm>> -> memref<128xf32, #tpu.memory_space<hbm>>
      tpu.enqueue_dma source(%dma_start3A_1256 : memref<128xf32, #tpu.memory_space<hbm>>) target(%dma_start3A_1253 : memref<128xf32, #tpu.memory_space<vmem>>) target_semaphore(%run_scoped3A : memref<!tpu.dma_semaphore, #tpu.memory_space<semaphore_mem>>)
      %dma_wait3A = arith.constant 128 : i32
      %dma_wait3A_1257 = tpu.memref_slice %arg4[%dma_wait3A] : memref<2048xf32, #tpu.memory_space<vmem>> -> memref<128xf32, #tpu.memory_space<vmem>>
      %dma_wait3A_1258 = arith.constant 0 : i32
      %dma_wait3A_1259 = tpu.memref_slice %arg2[%add3A_6, %dma_wait3A_1258] : memref<512x128xf32, #tpu.memory_space<hbm>> -> memref<1x128xf32, #tpu.memory_space<hbm>>
      %dma_wait3A_1260 = tpu.memref_squeeze %dma_wait3A_1259 : memref<1x128xf32, #tpu.memory_space<hbm>> -> memref<128xf32, #tpu.memory_space<hbm>>
      %dma_wait3A_1261 = arith.constant 128 : i32
      %dma_wait3A_1262 = tpu.memref_slice %arg4[%dma_wait3A_1261] : memref<2048xf32, #tpu.memory_space<vmem>> -> memref<128xf32, #tpu.memory_space<vmem>>
      %dma_wait3A_1263 = arith.constant 0 : i32
      %dma_wait3A_1264 = tpu.memref_slice %arg2[%add3A_6, %dma_wait3A_1263] : memref<512x128xf32, #tpu.memory_space<hbm>> -> memref<1x128xf32, #tpu.memory_space<hbm>>
      %dma_wait3A_1265 = tpu.memref_squeeze %dma_wait3A_1264 : memref<1x128xf32, #tpu.memory_space<hbm>> -> memref<128xf32, #tpu.memory_space<hbm>>
      tpu.wait_dma2 semaphore(%run_scoped3A : memref<!tpu.dma_semaphore, #tpu.memory_space<semaphore_mem>>) src(%dma_wait3A_1265 : memref<128xf32, #tpu.memory_space<hbm>>) dst(%dma_wait3A_1262 : memref<128xf32, #tpu.memory_space<vmem>>)
      tpu.yield
    }) : () -> ()
    %add3A_7 = arith.constant 2 : i32
    %add3A_8 = arith.addi %mul3A_2, %add3A_7 : i32
    "tpu.region"() ({
      %run_scoped3A = tpu.sem_alloc : memref<!tpu.dma_semaphore, #tpu.memory_space<semaphore_mem>>
      %dma_start3A = arith.constant 256 : i32
      %dma_start3A_1248 = tpu.memref_slice %arg4[%dma_start3A] : memref<2048xf32, #tpu.memory_space<vmem>> -> memref<128xf32, #tpu.memory_space<vmem>>
      %dma_start3A_1249 = arith.constant 0 : i32
      %dma_start3A_1250 = tpu.memref_slice %arg2[%add3A_8, %dma_start3A_1249] : memref<512x128xf32, #tpu.memory_space<hbm>> -> memref<1x128xf32, #tpu.memory_space<hbm>>
      %dma_start3A_1251 = tpu.memref_squeeze %dma_start3A_1250 : memref<1x128xf32, #tpu.memory_space<hbm>> -> memref<128xf32, #tpu.memory_space<hbm>>
      %dma_start3A_1252 = arith.constant 256 : i32
      %dma_start3A_1253 = tpu.memref_slice %arg4[%dma_start3A_1252] : memref<2048xf32, #tpu.memory_space<vmem>> -> memref<128xf32, #tpu.memory_space<vmem>>
      %dma_start3A_1254 = arith.constant 0 : i32
      %dma_start3A_1255 = tpu.memref_slice %arg2[%add3A_8, %dma_start3A_1254] : memref<512x128xf32, #tpu.memory_space<hbm>> -> memref<1x128xf32, #tpu.memory_space<hbm>>
      %dma_start3A_1256 = tpu.memref_squeeze %dma_start3A_1255 : memref<1x128xf32, #tpu.memory_space<hbm>> -> memref<128xf32, #tpu.memory_space<hbm>>
      tpu.enqueue_dma source(%dma_start3A_1256 : memref<128xf32, #tpu.memory_space<hbm>>) target(%dma_start3A_1253 : memref<128xf32, #tpu.memory_space<vmem>>) target_semaphore(%run_scoped3A : memref<!tpu.dma_semaphore, #tpu.memory_space<semaphore_mem>>)
      %dma_wait3A = arith.constant 256 : i32
      %dma_wait3A_1257 = tpu.memref_slice %arg4[%dma_wait3A] : memref<2048xf32, #tpu.memory_space<vmem>> -> memref<128xf32, #tpu.memory_space<vmem>>
      %dma_wait3A_1258 = arith.constant 0 : i32
      %dma_wait3A_1259 = tpu.memref_slice %arg2[%add3A_8, %dma_wait3A_1258] : memref<512x128xf32, #tpu.memory_space<hbm>> -> memref<1x128xf32, #tpu.memory_space<hbm>>
      %dma_wait3A_1260 = tpu.memref_squeeze %dma_wait3A_1259 : memref<1x128xf32, #tpu.memory_space<hbm>> -> memref<128xf32, #tpu.memory_space<hbm>>
      %dma_wait3A_1261 = arith.constant 256 : i32
      %dma_wait3A_1262 = tpu.memref_slice %arg4[%dma_wait3A_1261] : memref<2048xf32, #tpu.memory_space<vmem>> -> memref<128xf32, #tpu.memory_space<vmem>>
      %dma_wait3A_1263 = arith.constant 0 : i32
      %dma_wait3A_1264 = tpu.memref_slice %arg2[%add3A_8, %dma_wait3A_1263] : memref<512x128xf32, #tpu.memory_space<hbm>> -> memref<1x128xf32, #tpu.memory_space<hbm>>
      %dma_wait3A_1265 = tpu.memref_squeeze %dma_wait3A_1264 : memref<1x128xf32, #tpu.memory_space<hbm>> -> memref<128xf32, #tpu.memory_space<hbm>>
      tpu.wait_dma2 semaphore(%run_scoped3A : memref<!tpu.dma_semaphore, #tpu.memory_space<semaphore_mem>>) src(%dma_wait3A_1265 : memref<128xf32, #tpu.memory_space<hbm>>) dst(%dma_wait3A_1262 : memref<128xf32, #tpu.memory_space<vmem>>)
      tpu.yield
    }) : () -> ()
    %add3A_9 = arith.constant 3 : i32
    %add3A_10 = arith.addi %mul3A_2, %add3A_9 : i32
    "tpu.region"() ({
      %run_scoped3A = tpu.sem_alloc : memref<!tpu.dma_semaphore, #tpu.memory_space<semaphore_mem>>
      %dma_start3A = arith.constant 384 : i32
      %dma_start3A_1248 = tpu.memref_slice %arg4[%dma_start3A] : memref<2048xf32, #tpu.memory_space<vmem>> -> memref<128xf32, #tpu.memory_space<vmem>>
      %dma_start3A_1249 = arith.constant 0 : i32
      %dma_start3A_1250 = tpu.memref_slice %arg2[%add3A_10, %dma_start3A_1249] : memref<512x128xf32, #tpu.memory_space<hbm>> -> memref<1x128xf32, #tpu.memory_space<hbm>>
      %dma_start3A_1251 = tpu.memref_squeeze %dma_start3A_1250 : memref<1x128xf32, #tpu.memory_space<hbm>> -> memref<128xf32, #tpu.memory_space<hbm>>
      %dma_start3A_1252 = arith.constant 384 : i32
      %dma_start3A_1253 = tpu.memref_slice %arg4[%dma_start3A_1252] : memref<2048xf32, #tpu.memory_space<vmem>> -> memref<128xf32, #tpu.memory_space<vmem>>
      %dma_start3A_1254 = arith.constant 0 : i32
      %dma_start3A_1255 = tpu.memref_slice %arg2[%add3A_10, %dma_start3A_1254] : memref<512x128xf32, #tpu.memory_space<hbm>> -> memref<1x128xf32, #tpu.memory_space<hbm>>
      %dma_start3A_1256 = tpu.memref_squeeze %dma_start3A_1255 : memref<1x128xf32, #tpu.memory_space<hbm>> -> memref<128xf32, #tpu.memory_space<hbm>>
      tpu.enqueue_dma source(%dma_start3A_1256 : memref<128xf32, #tpu.memory_space<hbm>>) target(%dma_start3A_1253 : memref<128xf32, #tpu.memory_space<vmem>>) target_semaphore(%run_scoped3A : memref<!tpu.dma_semaphore, #tpu.memory_space<semaphore_mem>>)
      %dma_wait3A = arith.constant 384 : i32
      %dma_wait3A_1257 = tpu.memref_slice %arg4[%dma_wait3A] : memref<2048xf32, #tpu.memory_space<vmem>> -> memref<128xf32, #tpu.memory_space<vmem>>
      %dma_wait3A_1258 = arith.constant 0 : i32
      %dma_wait3A_1259 = tpu.memref_slice %arg2[%add3A_10, %dma_wait3A_1258] : memref<512x128xf32, #tpu.memory_space<hbm>> -> memref<1x128xf32, #tpu.memory_space<hbm>>
      %dma_wait3A_1260 = tpu.memref_squeeze %dma_wait3A_1259 : memref<1x128xf32, #tpu.memory_space<hbm>> -> memref<128xf32, #tpu.memory_space<hbm>>
      %dma_wait3A_1261 = arith.constant 384 : i32
      %dma_wait3A_1262 = tpu.memref_slice %arg4[%dma_wait3A_1261] : memref<2048xf32, #tpu.memory_space<vmem>> -> memref<128xf32, #tpu.memory_space<vmem>>
      %dma_wait3A_1263 = arith.constant 0 : i32
      %dma_wait3A_1264 = tpu.memref_slice %arg2[%add3A_10, %dma_wait3A_1263] : memref<512x128xf32, #tpu.memory_space<hbm>> -> memref<1x128xf32, #tpu.memory_space<hbm>>
      %dma_wait3A_1265 = tpu.memref_squeeze %dma_wait3A_1264 : memref<1x128xf32, #tpu.memory_space<hbm>> -> memref<128xf32, #tpu.memory_space<hbm>>
      tpu.wait_dma2 semaphore(%run_scoped3A : memref<!tpu.dma_semaphore, #tpu.memory_space<semaphore_mem>>) src(%dma_wait3A_1265 : memref<128xf32, #tpu.memory_space<hbm>>) dst(%dma_wait3A_1262 : memref<128xf32, #tpu.memory_space<vmem>>)
      tpu.yield
    }) : () -> ()
    %add3A_11 = arith.constant 4 : i32
    %add3A_12 = arith.addi %mul3A_2, %add3A_11 : i32
    "tpu.region"() ({
      %run_scoped3A = tpu.sem_alloc : memref<!tpu.dma_semaphore, #tpu.memory_space<semaphore_mem>>
      %dma_start3A = arith.constant 512 : i32
      %dma_start3A_1248 = tpu.memref_slice %arg4[%dma_start3A] : memref<2048xf32, #tpu.memory_space<vmem>> -> memref<128xf32, #tpu.memory_space<vmem>>
      %dma_start3A_1249 = arith.constant 0 : i32
      %dma_start3A_1250 = tpu.memref_slice %arg2[%add3A_12, %dma_start3A_1249] : memref<512x128xf32, #tpu.memory_space<hbm>> -> memref<1x128xf32, #tpu.memory_space<hbm>>
      %dma_start3A_1251 = tpu.memref_squeeze %dma_start3A_1250 : memref<1x128xf32, #tpu.memory_space<hbm>> -> memref<128xf32, #tpu.memory_space<hbm>>
      %dma_start3A_1252 = arith.constant 512 : i32
      %dma_start3A_1253 = tpu.memref_slice %arg4[%dma_start3A_1252] : memref<2048xf32, #tpu.memory_space<vmem>> -> memref<128xf32, #tpu.memory_space<vmem>>
      %dma_start3A_1254 = arith.constant 0 : i32
      %dma_start3A_1255 = tpu.memref_slice %arg2[%add3A_12, %dma_start3A_1254] : memref<512x128xf32, #tpu.memory_space<hbm>> -> memref<1x128xf32, #tpu.memory_space<hbm>>
      %dma_start3A_1256 = tpu.memref_squeeze %dma_start3A_1255 : memref<1x128xf32, #tpu.memory_space<hbm>> -> memref<128xf32, #tpu.memory_space<hbm>>
      tpu.enqueue_dma source(%dma_start3A_1256 : memref<128xf32, #tpu.memory_space<hbm>>) target(%dma_start3A_1253 : memref<128xf32, #tpu.memory_space<vmem>>) target_semaphore(%run_scoped3A : memref<!tpu.dma_semaphore, #tpu.memory_space<semaphore_mem>>)
      %dma_wait3A = arith.constant 512 : i32
      %dma_wait3A_1257 = tpu.memref_slice %arg4[%dma_wait3A] : memref<2048xf32, #tpu.memory_space<vmem>> -> memref<128xf32, #tpu.memory_space<vmem>>
      %dma_wait3A_1258 = arith.constant 0 : i32
      %dma_wait3A_1259 = tpu.memref_slice %arg2[%add3A_12, %dma_wait3A_1258] : memref<512x128xf32, #tpu.memory_space<hbm>> -> memref<1x128xf32, #tpu.memory_space<hbm>>
      %dma_wait3A_1260 = tpu.memref_squeeze %dma_wait3A_1259 : memref<1x128xf32, #tpu.memory_space<hbm>> -> memref<128xf32, #tpu.memory_space<hbm>>
      %dma_wait3A_1261 = arith.constant 512 : i32
      %dma_wait3A_1262 = tpu.memref_slice %arg4[%dma_wait3A_1261] : memref<2048xf32, #tpu.memory_space<vmem>> -> memref<128xf32, #tpu.memory_space<vmem>>
      %dma_wait3A_1263 = arith.constant 0 : i32
      %dma_wait3A_1264 = tpu.memref_slice %arg2[%add3A_12, %dma_wait3A_1263] : memref<512x128xf32, #tpu.memory_space<hbm>> -> memref<1x128xf32, #tpu.memory_space<hbm>>
      %dma_wait3A_1265 = tpu.memref_squeeze %dma_wait3A_1264 : memref<1x128xf32, #tpu.memory_space<hbm>> -> memref<128xf32, #tpu.memory_space<hbm>>
      tpu.wait_dma2 semaphore(%run_scoped3A : memref<!tpu.dma_semaphore, #tpu.memory_space<semaphore_mem>>) src(%dma_wait3A_1265 : memref<128xf32, #tpu.memory_space<hbm>>) dst(%dma_wait3A_1262 : memref<128xf32, #tpu.memory_space<vmem>>)
      tpu.yield
    }) : () -> ()
    %add3A_13 = arith.constant 5 : i32
    %add3A_14 = arith.addi %mul3A_2, %add3A_13 : i32
    "tpu.region"() ({
      %run_scoped3A = tpu.sem_alloc : memref<!tpu.dma_semaphore, #tpu.memory_space<semaphore_mem>>
      %dma_start3A = arith.constant 640 : i32
      %dma_start3A_1248 = tpu.memref_slice %arg4[%dma_start3A] : memref<2048xf32, #tpu.memory_space<vmem>> -> memref<128xf32, #tpu.memory_space<vmem>>
      %dma_start3A_1249 = arith.constant 0 : i32
      %dma_start3A_1250 = tpu.memref_slice %arg2[%add3A_14, %dma_start3A_1249] : memref<512x128xf32, #tpu.memory_space<hbm>> -> memref<1x128xf32, #tpu.memory_space<hbm>>
      %dma_start3A_1251 = tpu.memref_squeeze %dma_start3A_1250 : memref<1x128xf32, #tpu.memory_space<hbm>> -> memref<128xf32, #tpu.memory_space<hbm>>
      %dma_start3A_1252 = arith.constant 640 : i32
      %dma_start3A_1253 = tpu.memref_slice %arg4[%dma_start3A_1252] : memref<2048xf32, #tpu.memory_space<vmem>> -> memref<128xf32, #tpu.memory_space<vmem>>
      %dma_start3A_1254 = arith.constant 0 : i32
      %dma_start3A_1255 = tpu.memref_slice %arg2[%add3A_14, %dma_start3A_1254] : memref<512x128xf32, #tpu.memory_space<hbm>> -> memref<1x128xf32, #tpu.memory_space<hbm>>
      %dma_start3A_1256 = tpu.memref_squeeze %dma_start3A_1255 : memref<1x128xf32, #tpu.memory_space<hbm>> -> memref<128xf32, #tpu.memory_space<hbm>>
      tpu.enqueue_dma source(%dma_start3A_1256 : memref<128xf32, #tpu.memory_space<hbm>>) target(%dma_start3A_1253 : memref<128xf32, #tpu.memory_space<vmem>>) target_semaphore(%run_scoped3A : memref<!tpu.dma_semaphore, #tpu.memory_space<semaphore_mem>>)
      %dma_wait3A = arith.constant 640 : i32
      %dma_wait3A_1257 = tpu.memref_slice %arg4[%dma_wait3A] : memref<2048xf32, #tpu.memory_space<vmem>> -> memref<128xf32, #tpu.memory_space<vmem>>
      %dma_wait3A_1258 = arith.constant 0 : i32
      %dma_wait3A_1259 = tpu.memref_slice %arg2[%add3A_14, %dma_wait3A_1258] : memref<512x128xf32, #tpu.memory_space<hbm>> -> memref<1x128xf32, #tpu.memory_space<hbm>>
      %dma_wait3A_1260 = tpu.memref_squeeze %dma_wait3A_1259 : memref<1x128xf32, #tpu.memory_space<hbm>> -> memref<128xf32, #tpu.memory_space<hbm>>
      %dma_wait3A_1261 = arith.constant 640 : i32
      %dma_wait3A_1262 = tpu.memref_slice %arg4[%dma_wait3A_1261] : memref<2048xf32, #tpu.memory_space<vmem>> -> memref<128xf32, #tpu.memory_space<vmem>>
      %dma_wait3A_1263 = arith.constant 0 : i32
      %dma_wait3A_1264 = tpu.memref_slice %arg2[%add3A_14, %dma_wait3A_1263] : memref<512x128xf32, #tpu.memory_space<hbm>> -> memref<1x128xf32, #tpu.memory_space<hbm>>
      %dma_wait3A_1265 = tpu.memref_squeeze %dma_wait3A_1264 : memref<1x128xf32, #tpu.memory_space<hbm>> -> memref<128xf32, #tpu.memory_space<hbm>>
      tpu.wait_dma2 semaphore(%run_scoped3A : memref<!tpu.dma_semaphore, #tpu.memory_space<semaphore_mem>>) src(%dma_wait3A_1265 : memref<128xf32, #tpu.memory_space<hbm>>) dst(%dma_wait3A_1262 : memref<128xf32, #tpu.memory_space<vmem>>)
      tpu.yield
    }) : () -> ()
    %add3A_15 = arith.constant 6 : i32
    %add3A_16 = arith.addi %mul3A_2, %add3A_15 : i32
    "tpu.region"() ({
      %run_scoped3A = tpu.sem_alloc : memref<!tpu.dma_semaphore, #tpu.memory_space<semaphore_mem>>
      %dma_start3A = arith.constant 768 : i32
      %dma_start3A_1248 = tpu.memref_slice %arg4[%dma_start3A] : memref<2048xf32, #tpu.memory_space<vmem>> -> memref<128xf32, #tpu.memory_space<vmem>>
      %dma_start3A_1249 = arith.constant 0 : i32
      %dma_start3A_1250 = tpu.memref_slice %arg2[%add3A_16, %dma_start3A_1249] : memref<512x128xf32, #tpu.memory_space<hbm>> -> memref<1x128xf32, #tpu.memory_space<hbm>>
      %dma_start3A_1251 = tpu.memref_squeeze %dma_start3A_1250 : memref<1x128xf32, #tpu.memory_space<hbm>> -> memref<128xf32, #tpu.memory_space<hbm>>
      %dma_start3A_1252 = arith.constant 768 : i32
      %dma_start3A_1253 = tpu.memref_slice %arg4[%dma_start3A_1252] : memref<2048xf32, #tpu.memory_space<vmem>> -> memref<128xf32, #tpu.memory_space<vmem>>
      %dma_start3A_1254 = arith.constant 0 : i32
      %dma_start3A_1255 = tpu.memref_slice %arg2[%add3A_16, %dma_start3A_1254] : memref<512x128xf32, #tpu.memory_space<hbm>> -> memref<1x128xf32, #tpu.memory_space<hbm>>
      %dma_start3A_1256 = tpu.memref_squeeze %dma_start3A_1255 : memref<1x128xf32, #tpu.memory_space<hbm>> -> memref<128xf32, #tpu.memory_space<hbm>>
      tpu.enqueue_dma source(%dma_start3A_1256 : memref<128xf32, #tpu.memory_space<hbm>>) target(%dma_start3A_1253 : memref<128xf32, #tpu.memory_space<vmem>>) target_semaphore(%run_scoped3A : memref<!tpu.dma_semaphore, #tpu.memory_space<semaphore_mem>>)
      %dma_wait3A = arith.constant 768 : i32
      %dma_wait3A_1257 = tpu.memref_slice %arg4[%dma_wait3A] : memref<2048xf32, #tpu.memory_space<vmem>> -> memref<128xf32, #tpu.memory_space<vmem>>
      %dma_wait3A_1258 = arith.constant 0 : i32
      %dma_wait3A_1259 = tpu.memref_slice %arg2[%add3A_16, %dma_wait3A_1258] : memref<512x128xf32, #tpu.memory_space<hbm>> -> memref<1x128xf32, #tpu.memory_space<hbm>>
      %dma_wait3A_1260 = tpu.memref_squeeze %dma_wait3A_1259 : memref<1x128xf32, #tpu.memory_space<hbm>> -> memref<128xf32, #tpu.memory_space<hbm>>
      %dma_wait3A_1261 = arith.constant 768 : i32
      %dma_wait3A_1262 = tpu.memref_slice %arg4[%dma_wait3A_1261] : memref<2048xf32, #tpu.memory_space<vmem>> -> memref<128xf32, #tpu.memory_space<vmem>>
      %dma_wait3A_1263 = arith.constant 0 : i32
      %dma_wait3A_1264 = tpu.memref_slice %arg2[%add3A_16, %dma_wait3A_1263] : memref<512x128xf32, #tpu.memory_space<hbm>> -> memref<1x128xf32, #tpu.memory_space<hbm>>
      %dma_wait3A_1265 = tpu.memref_squeeze %dma_wait3A_1264 : memref<1x128xf32, #tpu.memory_space<hbm>> -> memref<128xf32, #tpu.memory_space<hbm>>
      tpu.wait_dma2 semaphore(%run_scoped3A : memref<!tpu.dma_semaphore, #tpu.memory_space<semaphore_mem>>) src(%dma_wait3A_1265 : memref<128xf32, #tpu.memory_space<hbm>>) dst(%dma_wait3A_1262 : memref<128xf32, #tpu.memory_space<vmem>>)
      tpu.yield
    }) : () -> ()
    %add3A_17 = arith.constant 7 : i32
    %add3A_18 = arith.addi %mul3A_2, %add3A_17 : i32
    "tpu.region"() ({
      %run_scoped3A = tpu.sem_alloc : memref<!tpu.dma_semaphore, #tpu.memory_space<semaphore_mem>>
      %dma_start3A = arith.constant 896 : i32
      %dma_start3A_1248 = tpu.memref_slice %arg4[%dma_start3A] : memref<2048xf32, #tpu.memory_space<vmem>> -> memref<128xf32, #tpu.memory_space<vmem>>
      %dma_start3A_1249 = arith.constant 0 : i32
      %dma_start3A_1250 = tpu.memref_slice %arg2[%add3A_18, %dma_start3A_1249] : memref<512x128xf32, #tpu.memory_space<hbm>> -> memref<1x128xf32, #tpu.memory_space<hbm>>
      %dma_start3A_1251 = tpu.memref_squeeze %dma_start3A_1250 : memref<1x128xf32, #tpu.memory_space<hbm>> -> memref<128xf32, #tpu.memory_space<hbm>>
      %dma_start3A_1252 = arith.constant 896 : i32
      %dma_start3A_1253 = tpu.memref_slice %arg4[%dma_start3A_1252] : memref<2048xf32, #tpu.memory_space<vmem>> -> memref<128xf32, #tpu.memory_space<vmem>>
      %dma_start3A_1254 = arith.constant 0 : i32
      %dma_start3A_1255 = tpu.memref_slice %arg2[%add3A_18, %dma_start3A_1254] : memref<512x128xf32, #tpu.memory_space<hbm>> -> memref<1x128xf32, #tpu.memory_space<hbm>>
      %dma_start3A_1256 = tpu.memref_squeeze %dma_start3A_1255 : memref<1x128xf32, #tpu.memory_space<hbm>> -> memref<128xf32, #tpu.memory_space<hbm>>
      tpu.enqueue_dma source(%dma_start3A_1256 : memref<128xf32, #tpu.memory_space<hbm>>) target(%dma_start3A_1253 : memref<128xf32, #tpu.memory_space<vmem>>) target_semaphore(%run_scoped3A : memref<!tpu.dma_semaphore, #tpu.memory_space<semaphore_mem>>)
      %dma_wait3A = arith.constant 896 : i32
      %dma_wait3A_1257 = tpu.memref_slice %arg4[%dma_wait3A] : memref<2048xf32, #tpu.memory_space<vmem>> -> memref<128xf32, #tpu.memory_space<vmem>>
      %dma_wait3A_1258 = arith.constant 0 : i32
      %dma_wait3A_1259 = tpu.memref_slice %arg2[%add3A_18, %dma_wait3A_1258] : memref<512x128xf32, #tpu.memory_space<hbm>> -> memref<1x128xf32, #tpu.memory_space<hbm>>
      %dma_wait3A_1260 = tpu.memref_squeeze %dma_wait3A_1259 : memref<1x128xf32, #tpu.memory_space<hbm>> -> memref<128xf32, #tpu.memory_space<hbm>>
      %dma_wait3A_1261 = arith.constant 896 : i32
      %dma_wait3A_1262 = tpu.memref_slice %arg4[%dma_wait3A_1261] : memref<2048xf32, #tpu.memory_space<vmem>> -> memref<128xf32, #tpu.memory_space<vmem>>
      %dma_wait3A_1263 = arith.constant 0 : i32
      %dma_wait3A_1264 = tpu.memref_slice %arg2[%add3A_18, %dma_wait3A_1263] : memref<512x128xf32, #tpu.memory_space<hbm>> -> memref<1x128xf32, #tpu.memory_space<hbm>>
      %dma_wait3A_1265 = tpu.memref_squeeze %dma_wait3A_1264 : memref<1x128xf32, #tpu.memory_space<hbm>> -> memref<128xf32, #tpu.memory_space<hbm>>
      tpu.wait_dma2 semaphore(%run_scoped3A : memref<!tpu.dma_semaphore, #tpu.memory_space<semaphore_mem>>) src(%dma_wait3A_1265 : memref<128xf32, #tpu.memory_space<hbm>>) dst(%dma_wait3A_1262 : memref<128xf32, #tpu.memory_space<vmem>>)
      tpu.yield
    }) : () -> ()
    %add3A_19 = arith.constant 8 : i32
    %add3A_20 = arith.addi %mul3A_2, %add3A_19 : i32
    "tpu.region"() ({
      %run_scoped3A = tpu.sem_alloc : memref<!tpu.dma_semaphore, #tpu.memory_space<semaphore_mem>>
      %dma_start3A = arith.constant 1024 : i32
      %dma_start3A_1248 = tpu.memref_slice %arg4[%dma_start3A] : memref<2048xf32, #tpu.memory_space<vmem>> -> memref<128xf32, #tpu.memory_space<vmem>>
      %dma_start3A_1249 = arith.constant 0 : i32
      %dma_start3A_1250 = tpu.memref_slice %arg2[%add3A_20, %dma_start3A_1249] : memref<512x128xf32, #tpu.memory_space<hbm>> -> memref<1x128xf32, #tpu.memory_space<hbm>>
      %dma_start3A_1251 = tpu.memref_squeeze %dma_start3A_1250 : memref<1x128xf32, #tpu.memory_space<hbm>> -> memref<128xf32, #tpu.memory_space<hbm>>
      %dma_start3A_1252 = arith.constant 1024 : i32
      %dma_start3A_1253 = tpu.memref_slice %arg4[%dma_start3A_1252] : memref<2048xf32, #tpu.memory_space<vmem>> -> memref<128xf32, #tpu.memory_space<vmem>>
      %dma_start3A_1254 = arith.constant 0 : i32
      %dma_start3A_1255 = tpu.memref_slice %arg2[%add3A_20, %dma_start3A_1254] : memref<512x128xf32, #tpu.memory_space<hbm>> -> memref<1x128xf32, #tpu.memory_space<hbm>>
      %dma_start3A_1256 = tpu.memref_squeeze %dma_start3A_1255 : memref<1x128xf32, #tpu.memory_space<hbm>> -> memref<128xf32, #tpu.memory_space<hbm>>
      tpu.enqueue_dma source(%dma_start3A_1256 : memref<128xf32, #tpu.memory_space<hbm>>) target(%dma_start3A_1253 : memref<128xf32, #tpu.memory_space<vmem>>) target_semaphore(%run_scoped3A : memref<!tpu.dma_semaphore, #tpu.memory_space<semaphore_mem>>)
      %dma_wait3A = arith.constant 1024 : i32
      %dma_wait3A_1257 = tpu.memref_slice %arg4[%dma_wait3A] : memref<2048xf32, #tpu.memory_space<vmem>> -> memref<128xf32, #tpu.memory_space<vmem>>
      %dma_wait3A_1258 = arith.constant 0 : i32
      %dma_wait3A_1259 = tpu.memref_slice %arg2[%add3A_20, %dma_wait3A_1258] : memref<512x128xf32, #tpu.memory_space<hbm>> -> memref<1x128xf32, #tpu.memory_space<hbm>>
      %dma_wait3A_1260 = tpu.memref_squeeze %dma_wait3A_1259 : memref<1x128xf32, #tpu.memory_space<hbm>> -> memref<128xf32, #tpu.memory_space<hbm>>
      %dma_wait3A_1261 = arith.constant 1024 : i32
      %dma_wait3A_1262 = tpu.memref_slice %arg4[%dma_wait3A_1261] : memref<2048xf32, #tpu.memory_space<vmem>> -> memref<128xf32, #tpu.memory_space<vmem>>
      %dma_wait3A_1263 = arith.constant 0 : i32
      %dma_wait3A_1264 = tpu.memref_slice %arg2[%add3A_20, %dma_wait3A_1263] : memref<512x128xf32, #tpu.memory_space<hbm>> -> memref<1x128xf32, #tpu.memory_space<hbm>>
      %dma_wait3A_1265 = tpu.memref_squeeze %dma_wait3A_1264 : memref<1x128xf32, #tpu.memory_space<hbm>> -> memref<128xf32, #tpu.memory_space<hbm>>
      tpu.wait_dma2 semaphore(%run_scoped3A : memref<!tpu.dma_semaphore, #tpu.memory_space<semaphore_mem>>) src(%dma_wait3A_1265 : memref<128xf32, #tpu.memory_space<hbm>>) dst(%dma_wait3A_1262 : memref<128xf32, #tpu.memory_space<vmem>>)
      tpu.yield
    }) : () -> ()
    %add3A_21 = arith.constant 9 : i32
    %add3A_22 = arith.addi %mul3A_2, %add3A_21 : i32
    "tpu.region"() ({
      %run_scoped3A = tpu.sem_alloc : memref<!tpu.dma_semaphore, #tpu.memory_space<semaphore_mem>>
      %dma_start3A = arith.constant 1152 : i32
      %dma_start3A_1248 = tpu.memref_slice %arg4[%dma_start3A] : memref<2048xf32, #tpu.memory_space<vmem>> -> memref<128xf32, #tpu.memory_space<vmem>>
      %dma_start3A_1249 = arith.constant 0 : i32
      %dma_start3A_1250 = tpu.memref_slice %arg2[%add3A_22, %dma_start3A_1249] : memref<512x128xf32, #tpu.memory_space<hbm>> -> memref<1x128xf32, #tpu.memory_space<hbm>>
      %dma_start3A_1251 = tpu.memref_squeeze %dma_start3A_1250 : memref<1x128xf32, #tpu.memory_space<hbm>> -> memref<128xf32, #tpu.memory_space<hbm>>
      %dma_start3A_1252 = arith.constant 1152 : i32
      %dma_start3A_1253 = tpu.memref_slice %arg4[%dma_start3A_1252] : memref<2048xf32, #tpu.memory_space<vmem>> -> memref<128xf32, #tpu.memory_space<vmem>>
      %dma_start3A_1254 = arith.constant 0 : i32
      %dma_start3A_1255 = tpu.memref_slice %arg2[%add3A_22, %dma_start3A_1254] : memref<512x128xf32, #tpu.memory_space<hbm>> -> memref<1x128xf32, #tpu.memory_space<hbm>>
      %dma_start3A_1256 = tpu.memref_squeeze %dma_start3A_1255 : memref<1x128xf32, #tpu.memory_space<hbm>> -> memref<128xf32, #tpu.memory_space<hbm>>
      tpu.enqueue_dma source(%dma_start3A_1256 : memref<128xf32, #tpu.memory_space<hbm>>) target(%dma_start3A_1253 : memref<128xf32, #tpu.memory_space<vmem>>) target_semaphore(%run_scoped3A : memref<!tpu.dma_semaphore, #tpu.memory_space<semaphore_mem>>)
      %dma_wait3A = arith.constant 1152 : i32
      %dma_wait3A_1257 = tpu.memref_slice %arg4[%dma_wait3A] : memref<2048xf32, #tpu.memory_space<vmem>> -> memref<128xf32, #tpu.memory_space<vmem>>
      %dma_wait3A_1258 = arith.constant 0 : i32
      %dma_wait3A_1259 = tpu.memref_slice %arg2[%add3A_22, %dma_wait3A_1258] : memref<512x128xf32, #tpu.memory_space<hbm>> -> memref<1x128xf32, #tpu.memory_space<hbm>>
      %dma_wait3A_1260 = tpu.memref_squeeze %dma_wait3A_1259 : memref<1x128xf32, #tpu.memory_space<hbm>> -> memref<128xf32, #tpu.memory_space<hbm>>
      %dma_wait3A_1261 = arith.constant 1152 : i32
      %dma_wait3A_1262 = tpu.memref_slice %arg4[%dma_wait3A_1261] : memref<2048xf32, #tpu.memory_space<vmem>> -> memref<128xf32, #tpu.memory_space<vmem>>
      %dma_wait3A_1263 = arith.constant 0 : i32
      %dma_wait3A_1264 = tpu.memref_slice %arg2[%add3A_22, %dma_wait3A_1263] : memref<512x128xf32, #tpu.memory_space<hbm>> -> memref<1x128xf32, #tpu.memory_space<hbm>>
      %dma_wait3A_1265 = tpu.memref_squeeze %dma_wait3A_1264 : memref<1x128xf32, #tpu.memory_space<hbm>> -> memref<128xf32, #tpu.memory_space<hbm>>
      tpu.wait_dma2 semaphore(%run_scoped3A : memref<!tpu.dma_semaphore, #tpu.memory_space<semaphore_mem>>) src(%dma_wait3A_1265 : memref<128xf32, #tpu.memory_space<hbm>>) dst(%dma_wait3A_1262 : memref<128xf32, #tpu.memory_space<vmem>>)
      tpu.yield
    }) : () -> ()
    %add3A_23 = arith.constant 10 : i32
    %add3A_24 = arith.addi %mul3A_2, %add3A_23 : i32
    "tpu.region"() ({
      %run_scoped3A = tpu.sem_alloc : memref<!tpu.dma_semaphore, #tpu.memory_space<semaphore_mem>>
      %dma_start3A = arith.constant 1280 : i32
      %dma_start3A_1248 = tpu.memref_slice %arg4[%dma_start3A] : memref<2048xf32, #tpu.memory_space<vmem>> -> memref<128xf32, #tpu.memory_space<vmem>>
      %dma_start3A_1249 = arith.constant 0 : i32
      %dma_start3A_1250 = tpu.memref_slice %arg2[%add3A_24, %dma_start3A_1249] : memref<512x128xf32, #tpu.memory_space<hbm>> -> memref<1x128xf32, #tpu.memory_space<hbm>>
      %dma_start3A_1251 = tpu.memref_squeeze %dma_start3A_1250 : memref<1x128xf32, #tpu.memory_space<hbm>> -> memref<128xf32, #tpu.memory_space<hbm>>
      %dma_start3A_1252 = arith.constant 1280 : i32
      %dma_start3A_1253 = tpu.memref_slice %arg4[%dma_start3A_1252] : memref<2048xf32, #tpu.memory_space<vmem>> -> memref<128xf32, #tpu.memory_space<vmem>>
      %dma_start3A_1254 = arith.constant 0 : i32
      %dma_start3A_1255 = tpu.memref_slice %arg2[%add3A_24, %dma_start3A_1254] : memref<512x128xf32, #tpu.memory_space<hbm>> -> memref<1x128xf32, #tpu.memory_space<hbm>>
      %dma_start3A_1256 = tpu.memref_squeeze %dma_start3A_1255 : memref<1x128xf32, #tpu.memory_space<hbm>> -> memref<128xf32, #tpu.memory_space<hbm>>
      tpu.enqueue_dma source(%dma_start3A_1256 : memref<128xf32, #tpu.memory_space<hbm>>) target(%dma_start3A_1253 : memref<128xf32, #tpu.memory_space<vmem>>) target_semaphore(%run_scoped3A : memref<!tpu.dma_semaphore, #tpu.memory_space<semaphore_mem>>)
      %dma_wait3A = arith.constant 1280 : i32
      %dma_wait3A_1257 = tpu.memref_slice %arg4[%dma_wait3A] : memref<2048xf32, #tpu.memory_space<vmem>> -> memref<128xf32, #tpu.memory_space<vmem>>
      %dma_wait3A_1258 = arith.constant 0 : i32
      %dma_wait3A_1259 = tpu.memref_slice %arg2[%add3A_24, %dma_wait3A_1258] : memref<512x128xf32, #tpu.memory_space<hbm>> -> memref<1x128xf32, #tpu.memory_space<hbm>>
      %dma_wait3A_1260 = tpu.memref_squeeze %dma_wait3A_1259 : memref<1x128xf32, #tpu.memory_space<hbm>> -> memref<128xf32, #tpu.memory_space<hbm>>
      %dma_wait3A_1261 = arith.constant 1280 : i32
      %dma_wait3A_1262 = tpu.memref_slice %arg4[%dma_wait3A_1261] : memref<2048xf32, #tpu.memory_space<vmem>> -> memref<128xf32, #tpu.memory_space<vmem>>
      %dma_wait3A_1263 = arith.constant 0 : i32
      %dma_wait3A_1264 = tpu.memref_slice %arg2[%add3A_24, %dma_wait3A_1263] : memref<512x128xf32, #tpu.memory_space<hbm>> -> memref<1x128xf32, #tpu.memory_space<hbm>>
      %dma_wait3A_1265 = tpu.memref_squeeze %dma_wait3A_1264 : memref<1x128xf32, #tpu.memory_space<hbm>> -> memref<128xf32, #tpu.memory_space<hbm>>
      tpu.wait_dma2 semaphore(%run_scoped3A : memref<!tpu.dma_semaphore, #tpu.memory_space<semaphore_mem>>) src(%dma_wait3A_1265 : memref<128xf32, #tpu.memory_space<hbm>>) dst(%dma_wait3A_1262 : memref<128xf32, #tpu.memory_space<vmem>>)
      tpu.yield
    }) : () -> ()
    %add3A_25 = arith.constant 11 : i32
    %add3A_26 = arith.addi %mul3A_2, %add3A_25 : i32
    "tpu.region"() ({
      %run_scoped3A = tpu.sem_alloc : memref<!tpu.dma_semaphore, #tpu.memory_space<semaphore_mem>>
      %dma_start3A = arith.constant 1408 : i32
      %dma_start3A_1248 = tpu.memref_slice %arg4[%dma_start3A] : memref<2048xf32, #tpu.memory_space<vmem>> -> memref<128xf32, #tpu.memory_space<vmem>>
      %dma_start3A_1249 = arith.constant 0 : i32
      %dma_start3A_1250 = tpu.memref_slice %arg2[%add3A_26, %dma_start3A_1249] : memref<512x128xf32, #tpu.memory_space<hbm>> -> memref<1x128xf32, #tpu.memory_space<hbm>>
      %dma_start3A_1251 = tpu.memref_squeeze %dma_start3A_1250 : memref<1x128xf32, #tpu.memory_space<hbm>> -> memref<128xf32, #tpu.memory_space<hbm>>
      %dma_start3A_1252 = arith.constant 1408 : i32
      %dma_start3A_1253 = tpu.memref_slice %arg4[%dma_start3A_1252] : memref<2048xf32, #tpu.memory_space<vmem>> -> memref<128xf32, #tpu.memory_space<vmem>>
      %dma_start3A_1254 = arith.constant 0 : i32
      %dma_start3A_1255 = tpu.memref_slice %arg2[%add3A_26, %dma_start3A_1254] : memref<512x128xf32, #tpu.memory_space<hbm>> -> memref<1x128xf32, #tpu.memory_space<hbm>>
      %dma_start3A_1256 = tpu.memref_squeeze %dma_start3A_1255 : memref<1x128xf32, #tpu.memory_space<hbm>> -> memref<128xf32, #tpu.memory_space<hbm>>
      tpu.enqueue_dma source(%dma_start3A_1256 : memref<128xf32, #tpu.memory_space<hbm>>) target(%dma_start3A_1253 : memref<128xf32, #tpu.memory_space<vmem>>) target_semaphore(%run_scoped3A : memref<!tpu.dma_semaphore, #tpu.memory_space<semaphore_mem>>)
      %dma_wait3A = arith.constant 1408 : i32
      %dma_wait3A_1257 = tpu.memref_slice %arg4[%dma_wait3A] : memref<2048xf32, #tpu.memory_space<vmem>> -> memref<128xf32, #tpu.memory_space<vmem>>
      %dma_wait3A_1258 = arith.constant 0 : i32
      %dma_wait3A_1259 = tpu.memref_slice %arg2[%add3A_26, %dma_wait3A_1258] : memref<512x128xf32, #tpu.memory_space<hbm>> -> memref<1x128xf32, #tpu.memory_space<hbm>>
      %dma_wait3A_1260 = tpu.memref_squeeze %dma_wait3A_1259 : memref<1x128xf32, #tpu.memory_space<hbm>> -> memref<128xf32, #tpu.memory_space<hbm>>
      %dma_wait3A_1261 = arith.constant 1408 : i32
      %dma_wait3A_1262 = tpu.memref_slice %arg4[%dma_wait3A_1261] : memref<2048xf32, #tpu.memory_space<vmem>> -> memref<128xf32, #tpu.memory_space<vmem>>
      %dma_wait3A_1263 = arith.constant 0 : i32
      %dma_wait3A_1264 = tpu.memref_slice %arg2[%add3A_26, %dma_wait3A_1263] : memref<512x128xf32, #tpu.memory_space<hbm>> -> memref<1x128xf32, #tpu.memory_space<hbm>>
      %dma_wait3A_1265 = tpu.memref_squeeze %dma_wait3A_1264 : memref<1x128xf32, #tpu.memory_space<hbm>> -> memref<128xf32, #tpu.memory_space<hbm>>
      tpu.wait_dma2 semaphore(%run_scoped3A : memref<!tpu.dma_semaphore, #tpu.memory_space<semaphore_mem>>) src(%dma_wait3A_1265 : memref<128xf32, #tpu.memory_space<hbm>>) dst(%dma_wait3A_1262 : memref<128xf32, #tpu.memory_space<vmem>>)
      tpu.yield
    }) : () -> ()
    %add3A_27 = arith.constant 12 : i32
    %add3A_28 = arith.addi %mul3A_2, %add3A_27 : i32
    "tpu.region"() ({
      %run_scoped3A = tpu.sem_alloc : memref<!tpu.dma_semaphore, #tpu.memory_space<semaphore_mem>>
      %dma_start3A = arith.constant 1536 : i32
      %dma_start3A_1248 = tpu.memref_slice %arg4[%dma_start3A] : memref<2048xf32, #tpu.memory_space<vmem>> -> memref<128xf32, #tpu.memory_space<vmem>>
      %dma_start3A_1249 = arith.constant 0 : i32
      %dma_start3A_1250 = tpu.memref_slice %arg2[%add3A_28, %dma_start3A_1249] : memref<512x128xf32, #tpu.memory_space<hbm>> -> memref<1x128xf32, #tpu.memory_space<hbm>>
      %dma_start3A_1251 = tpu.memref_squeeze %dma_start3A_1250 : memref<1x128xf32, #tpu.memory_space<hbm>> -> memref<128xf32, #tpu.memory_space<hbm>>
      %dma_start3A_1252 = arith.constant 1536 : i32
      %dma_start3A_1253 = tpu.memref_slice %arg4[%dma_start3A_1252] : memref<2048xf32, #tpu.memory_space<vmem>> -> memref<128xf32, #tpu.memory_space<vmem>>
      %dma_start3A_1254 = arith.constant 0 : i32
      %dma_start3A_1255 = tpu.memref_slice %arg2[%add3A_28, %dma_start3A_1254] : memref<512x128xf32, #tpu.memory_space<hbm>> -> memref<1x128xf32, #tpu.memory_space<hbm>>
      %dma_start3A_1256 = tpu.memref_squeeze %dma_start3A_1255 : memref<1x128xf32, #tpu.memory_space<hbm>> -> memref<128xf32, #tpu.memory_space<hbm>>
      tpu.enqueue_dma source(%dma_start3A_1256 : memref<128xf32, #tpu.memory_space<hbm>>) target(%dma_start3A_1253 : memref<128xf32, #tpu.memory_space<vmem>>) target_semaphore(%run_scoped3A : memref<!tpu.dma_semaphore, #tpu.memory_space<semaphore_mem>>)
      %dma_wait3A = arith.constant 1536 : i32
      %dma_wait3A_1257 = tpu.memref_slice %arg4[%dma_wait3A] : memref<2048xf32, #tpu.memory_space<vmem>> -> memref<128xf32, #tpu.memory_space<vmem>>
      %dma_wait3A_1258 = arith.constant 0 : i32
      %dma_wait3A_1259 = tpu.memref_slice %arg2[%add3A_28, %dma_wait3A_1258] : memref<512x128xf32, #tpu.memory_space<hbm>> -> memref<1x128xf32, #tpu.memory_space<hbm>>
      %dma_wait3A_1260 = tpu.memref_squeeze %dma_wait3A_1259 : memref<1x128xf32, #tpu.memory_space<hbm>> -> memref<128xf32, #tpu.memory_space<hbm>>
      %dma_wait3A_1261 = arith.constant 1536 : i32
      %dma_wait3A_1262 = tpu.memref_slice %arg4[%dma_wait3A_1261] : memref<2048xf32, #tpu.memory_space<vmem>> -> memref<128xf32, #tpu.memory_space<vmem>>
      %dma_wait3A_1263 = arith.constant 0 : i32
      %dma_wait3A_1264 = tpu.memref_slice %arg2[%add3A_28, %dma_wait3A_1263] : memref<512x128xf32, #tpu.memory_space<hbm>> -> memref<1x128xf32, #tpu.memory_space<hbm>>
      %dma_wait3A_1265 = tpu.memref_squeeze %dma_wait3A_1264 : memref<1x128xf32, #tpu.memory_space<hbm>> -> memref<128xf32, #tpu.memory_space<hbm>>
      tpu.wait_dma2 semaphore(%run_scoped3A : memref<!tpu.dma_semaphore, #tpu.memory_space<semaphore_mem>>) src(%dma_wait3A_1265 : memref<128xf32, #tpu.memory_space<hbm>>) dst(%dma_wait3A_1262 : memref<128xf32, #tpu.memory_space<vmem>>)
      tpu.yield
    }) : () -> ()
    %add3A_29 = arith.constant 13 : i32
    %add3A_30 = arith.addi %mul3A_2, %add3A_29 : i32
    "tpu.region"() ({
      %run_scoped3A = tpu.sem_alloc : memref<!tpu.dma_semaphore, #tpu.memory_space<semaphore_mem>>
      %dma_start3A = arith.constant 1664 : i32
      %dma_start3A_1248 = tpu.memref_slice %arg4[%dma_start3A] : memref<2048xf32, #tpu.memory_space<vmem>> -> memref<128xf32, #tpu.memory_space<vmem>>
      %dma_start3A_1249 = arith.constant 0 : i32
      %dma_start3A_1250 = tpu.memref_slice %arg2[%add3A_30, %dma_start3A_1249] : memref<512x128xf32, #tpu.memory_space<hbm>> -> memref<1x128xf32, #tpu.memory_space<hbm>>
      %dma_start3A_1251 = tpu.memref_squeeze %dma_start3A_1250 : memref<1x128xf32, #tpu.memory_space<hbm>> -> memref<128xf32, #tpu.memory_space<hbm>>
      %dma_start3A_1252 = arith.constant 1664 : i32
      %dma_start3A_1253 = tpu.memref_slice %arg4[%dma_start3A_1252] : memref<2048xf32, #tpu.memory_space<vmem>> -> memref<128xf32, #tpu.memory_space<vmem>>
      %dma_start3A_1254 = arith.constant 0 : i32
      %dma_start3A_1255 = tpu.memref_slice %arg2[%add3A_30, %dma_start3A_1254] : memref<512x128xf32, #tpu.memory_space<hbm>> -> memref<1x128xf32, #tpu.memory_space<hbm>>
      %dma_start3A_1256 = tpu.memref_squeeze %dma_start3A_1255 : memref<1x128xf32, #tpu.memory_space<hbm>> -> memref<128xf32, #tpu.memory_space<hbm>>
      tpu.enqueue_dma source(%dma_start3A_1256 : memref<128xf32, #tpu.memory_space<hbm>>) target(%dma_start3A_1253 : memref<128xf32, #tpu.memory_space<vmem>>) target_semaphore(%run_scoped3A : memref<!tpu.dma_semaphore, #tpu.memory_space<semaphore_mem>>)
      %dma_wait3A = arith.constant 1664 : i32
      %dma_wait3A_1257 = tpu.memref_slice %arg4[%dma_wait3A] : memref<2048xf32, #tpu.memory_space<vmem>> -> memref<128xf32, #tpu.memory_space<vmem>>
      %dma_wait3A_1258 = arith.constant 0 : i32
      %dma_wait3A_1259 = tpu.memref_slice %arg2[%add3A_30, %dma_wait3A_1258] : memref<512x128xf32, #tpu.memory_space<hbm>> -> memref<1x128xf32, #tpu.memory_space<hbm>>
      %dma_wait3A_1260 = tpu.memref_squeeze %dma_wait3A_1259 : memref<1x128xf32, #tpu.memory_space<hbm>> -> memref<128xf32, #tpu.memory_space<hbm>>
      %dma_wait3A_1261 = arith.constant 1664 : i32
      %dma_wait3A_1262 = tpu.memref_slice %arg4[%dma_wait3A_1261] : memref<2048xf32, #tpu.memory_space<vmem>> -> memref<128xf32, #tpu.memory_space<vmem>>
      %dma_wait3A_1263 = arith.constant 0 : i32
      %dma_wait3A_1264 = tpu.memref_slice %arg2[%add3A_30, %dma_wait3A_1263] : memref<512x128xf32, #tpu.memory_space<hbm>> -> memref<1x128xf32, #tpu.memory_space<hbm>>
      %dma_wait3A_1265 = tpu.memref_squeeze %dma_wait3A_1264 : memref<1x128xf32, #tpu.memory_space<hbm>> -> memref<128xf32, #tpu.memory_space<hbm>>
      tpu.wait_dma2 semaphore(%run_scoped3A : memref<!tpu.dma_semaphore, #tpu.memory_space<semaphore_mem>>) src(%dma_wait3A_1265 : memref<128xf32, #tpu.memory_space<hbm>>) dst(%dma_wait3A_1262 : memref<128xf32, #tpu.memory_space<vmem>>)
      tpu.yield
    }) : () -> ()
    %add3A_31 = arith.constant 14 : i32
    %add3A_32 = arith.addi %mul3A_2, %add3A_31 : i32
    "tpu.region"() ({
      %run_scoped3A = tpu.sem_alloc : memref<!tpu.dma_semaphore, #tpu.memory_space<semaphore_mem>>
      %dma_start3A = arith.constant 1792 : i32
      %dma_start3A_1248 = tpu.memref_slice %arg4[%dma_start3A] : memref<2048xf32, #tpu.memory_space<vmem>> -> memref<128xf32, #tpu.memory_space<vmem>>
      %dma_start3A_1249 = arith.constant 0 : i32
      %dma_start3A_1250 = tpu.memref_slice %arg2[%add3A_32, %dma_start3A_1249] : memref<512x128xf32, #tpu.memory_space<hbm>> -> memref<1x128xf32, #tpu.memory_space<hbm>>
      %dma_start3A_1251 = tpu.memref_squeeze %dma_start3A_1250 : memref<1x128xf32, #tpu.memory_space<hbm>> -> memref<128xf32, #tpu.memory_space<hbm>>
      %dma_start3A_1252 = arith.constant 1792 : i32
      %dma_start3A_1253 = tpu.memref_slice %arg4[%dma_start3A_1252] : memref<2048xf32, #tpu.memory_space<vmem>> -> memref<128xf32, #tpu.memory_space<vmem>>
      %dma_start3A_1254 = arith.constant 0 : i32
      %dma_start3A_1255 = tpu.memref_slice %arg2[%add3A_32, %dma_start3A_1254] : memref<512x128xf32, #tpu.memory_space<hbm>> -> memref<1x128xf32, #tpu.memory_space<hbm>>
      %dma_start3A_1256 = tpu.memref_squeeze %dma_start3A_1255 : memref<1x128xf32, #tpu.memory_space<hbm>> -> memref<128xf32, #tpu.memory_space<hbm>>
      tpu.enqueue_dma source(%dma_start3A_1256 : memref<128xf32, #tpu.memory_space<hbm>>) target(%dma_start3A_1253 : memref<128xf32, #tpu.memory_space<vmem>>) target_semaphore(%run_scoped3A : memref<!tpu.dma_semaphore, #tpu.memory_space<semaphore_mem>>)
      %dma_wait3A = arith.constant 1792 : i32
      %dma_wait3A_1257 = tpu.memref_slice %arg4[%dma_wait3A] : memref<2048xf32, #tpu.memory_space<vmem>> -> memref<128xf32, #tpu.memory_space<vmem>>
      %dma_wait3A_1258 = arith.constant 0 : i32
      %dma_wait3A_1259 = tpu.memref_slice %arg2[%add3A_32, %dma_wait3A_1258] : memref<512x128xf32, #tpu.memory_space<hbm>> -> memref<1x128xf32, #tpu.memory_space<hbm>>
      %dma_wait3A_1260 = tpu.memref_squeeze %dma_wait3A_1259 : memref<1x128xf32, #tpu.memory_space<hbm>> -> memref<128xf32, #tpu.memory_space<hbm>>
      %dma_wait3A_1261 = arith.constant 1792 : i32
      %dma_wait3A_1262 = tpu.memref_slice %arg4[%dma_wait3A_1261] : memref<2048xf32, #tpu.memory_space<vmem>> -> memref<128xf32, #tpu.memory_space<vmem>>
      %dma_wait3A_1263 = arith.constant 0 : i32
      %dma_wait3A_1264 = tpu.memref_slice %arg2[%add3A_32, %dma_wait3A_1263] : memref<512x128xf32, #tpu.memory_space<hbm>> -> memref<1x128xf32, #tpu.memory_space<hbm>>
      %dma_wait3A_1265 = tpu.memref_squeeze %dma_wait3A_1264 : memref<1x128xf32, #tpu.memory_space<hbm>> -> memref<128xf32, #tpu.memory_space<hbm>>
      tpu.wait_dma2 semaphore(%run_scoped3A : memref<!tpu.dma_semaphore, #tpu.memory_space<semaphore_mem>>) src(%dma_wait3A_1265 : memref<128xf32, #tpu.memory_space<hbm>>) dst(%dma_wait3A_1262 : memref<128xf32, #tpu.memory_space<vmem>>)
      tpu.yield
    }) : () -> ()
    %add3A_33 = arith.constant 15 : i32
    %add3A_34 = arith.addi %mul3A_2, %add3A_33 : i32
    "tpu.region"() ({
      %run_scoped3A = tpu.sem_alloc : memref<!tpu.dma_semaphore, #tpu.memory_space<semaphore_mem>>
      %dma_start3A = arith.constant 1920 : i32
      %dma_start3A_1248 = tpu.memref_slice %arg4[%dma_start3A] : memref<2048xf32, #tpu.memory_space<vmem>> -> memref<128xf32, #tpu.memory_space<vmem>>
      %dma_start3A_1249 = arith.constant 0 : i32
      %dma_start3A_1250 = tpu.memref_slice %arg2[%add3A_34, %dma_start3A_1249] : memref<512x128xf32, #tpu.memory_space<hbm>> -> memref<1x128xf32, #tpu.memory_space<hbm>>
      %dma_start3A_1251 = tpu.memref_squeeze %dma_start3A_1250 : memref<1x128xf32, #tpu.memory_space<hbm>> -> memref<128xf32, #tpu.memory_space<hbm>>
      %dma_start3A_1252 = arith.constant 1920 : i32
      %dma_start3A_1253 = tpu.memref_slice %arg4[%dma_start3A_1252] : memref<2048xf32, #tpu.memory_space<vmem>> -> memref<128xf32, #tpu.memory_space<vmem>>
      %dma_start3A_1254 = arith.constant 0 : i32
      %dma_start3A_1255 = tpu.memref_slice %arg2[%add3A_34, %dma_start3A_1254] : memref<512x128xf32, #tpu.memory_space<hbm>> -> memref<1x128xf32, #tpu.memory_space<hbm>>
      %dma_start3A_1256 = tpu.memref_squeeze %dma_start3A_1255 : memref<1x128xf32, #tpu.memory_space<hbm>> -> memref<128xf32, #tpu.memory_space<hbm>>
      tpu.enqueue_dma source(%dma_start3A_1256 : memref<128xf32, #tpu.memory_space<hbm>>) target(%dma_start3A_1253 : memref<128xf32, #tpu.memory_space<vmem>>) target_semaphore(%run_scoped3A : memref<!tpu.dma_semaphore, #tpu.memory_space<semaphore_mem>>)
      %dma_wait3A = arith.constant 1920 : i32
      %dma_wait3A_1257 = tpu.memref_slice %arg4[%dma_wait3A] : memref<2048xf32, #tpu.memory_space<vmem>> -> memref<128xf32, #tpu.memory_space<vmem>>
      %dma_wait3A_1258 = arith.constant 0 : i32
      %dma_wait3A_1259 = tpu.memref_slice %arg2[%add3A_34, %dma_wait3A_1258] : memref<512x128xf32, #tpu.memory_space<hbm>> -> memref<1x128xf32, #tpu.memory_space<hbm>>
      %dma_wait3A_1260 = tpu.memref_squeeze %dma_wait3A_1259 : memref<1x128xf32, #tpu.memory_space<hbm>> -> memref<128xf32, #tpu.memory_space<hbm>>
      %dma_wait3A_1261 = arith.constant 1920 : i32
      %dma_wait3A_1262 = tpu.memref_slice %arg4[%dma_wait3A_1261] : memref<2048xf32, #tpu.memory_space<vmem>> -> memref<128xf32, #tpu.memory_space<vmem>>
      %dma_wait3A_1263 = arith.constant 0 : i32
      %dma_wait3A_1264 = tpu.memref_slice %arg2[%add3A_34, %dma_wait3A_1263] : memref<512x128xf32, #tpu.memory_space<hbm>> -> memref<1x128xf32, #tpu.memory_space<hbm>>
      %dma_wait3A_1265 = tpu.memref_squeeze %dma_wait3A_1264 : memref<1x128xf32, #tpu.memory_space<hbm>> -> memref<128xf32, #tpu.memory_space<hbm>>
      tpu.wait_dma2 semaphore(%run_scoped3A : memref<!tpu.dma_semaphore, #tpu.memory_space<semaphore_mem>>) src(%dma_wait3A_1265 : memref<128xf32, #tpu.memory_space<hbm>>) dst(%dma_wait3A_1262 : memref<128xf32, #tpu.memory_space<vmem>>)
      tpu.yield
    }) : () -> ()
    %iota3A = tpu.iota {dimensions = array<i32: 0>} : vector<16xi32>
    %add3A_35 = arith.constant 0 : i32
    %add3A_36 = vector.broadcast %add3A_35 : i32 to vector<16xi32>
    %add3A_37 = arith.addi %add3A_36, %iota3A : vector<16xi32>
    %mul3A_38 = arith.constant 2 : i32
    %mul3A_39 = vector.broadcast %mul3A_38 : i32 to vector<16xi32>
    %mul3A_40 = arith.muli %add3A_37, %mul3A_39 : vector<16xi32>
    %add3A_41 = arith.constant 0 : i32
    %add3A_42 = vector.broadcast %add3A_41 : i32 to vector<16xi32>
    %add3A_43 = arith.addi %add3A_42, %mul3A_40 : vector<16xi32>
    %gather3A = tpu.vector_load_idx %arg4[%add3A_43] : memref<2048xf32, #tpu.memory_space<vmem>>[vector<16xi32>], vector<16xf32>,
    %add3A_44 = arith.constant 1 : i32
    %add3A_45 = vector.broadcast %add3A_44 : i32 to vector<16xi32>
    %add3A_46 = arith.addi %add3A_43, %add3A_45 : vector<16xi32>
    %gather3A_47 = tpu.vector_load_idx %arg4[%add3A_46] : memref<2048xf32, #tpu.memory_space<vmem>>[vector<16xi32>], vector<16xf32>,
    %max3A = arith.maximumf %gather3A, %gather3A_47 : vector<16xf32>
    %swap3A = arith.constant 0 : i32
    %swap3A_48 = arith.index_cast %swap3A : i32 to index
    %swap3A_49 = arith.constant 0 : index
    %swap3A_50 = tpu.vector_load %arg5[%swap3A_48, %swap3A_49] {strides = array<i32>} : memref<16x64xf32, #tpu.memory_space<vmem>>, vector<16xf32>,
    tpu.vector_store %arg5[%swap3A_48, %swap3A_49], %max3A {strides = array<i32>} : memref<16x64xf32, #tpu.memory_space<vmem>>, vector<16xf32>,
    %add3A_51 = arith.constant 16 : i32
    %add3A_52 = vector.broadcast %add3A_51 : i32 to vector<16xi32>
    %add3A_53 = arith.addi %add3A_52, %iota3A : vector<16xi32>
    %mul3A_54 = arith.constant 2 : i32
    %mul3A_55 = vector.broadcast %mul3A_54 : i32 to vector<16xi32>
    %mul3A_56 = arith.muli %add3A_53, %mul3A_55 : vector<16xi32>
    %add3A_57 = arith.constant 0 : i32
    %add3A_58 = vector.broadcast %add3A_57 : i32 to vector<16xi32>
    %add3A_59 = arith.addi %add3A_58, %mul3A_56 : vector<16xi32>
    %gather3A_60 = tpu.vector_load_idx %arg4[%add3A_59] : memref<2048xf32, #tpu.memory_space<vmem>>[vector<16xi32>], vector<16xf32>,
    %add3A_61 = arith.constant 1 : i32
    %add3A_62 = vector.broadcast %add3A_61 : i32 to vector<16xi32>
    %add3A_63 = arith.addi %add3A_59, %add3A_62 : vector<16xi32>
    %gather3A_64 = tpu.vector_load_idx %arg4[%add3A_63] : memref<2048xf32, #tpu.memory_space<vmem>>[vector<16xi32>], vector<16xf32>,
    %max3A_65 = arith.maximumf %gather3A_60, %gather3A_64 : vector<16xf32>
    %swap3A_66 = arith.constant 0 : i32
    %swap3A_67 = arith.index_cast %swap3A_66 : i32 to index
    %swap3A_68 = arith.constant 16 : index
    %swap3A_69 = tpu.vector_load %arg5[%swap3A_67, %swap3A_68] {strides = array<i32>} : memref<16x64xf32, #tpu.memory_space<vmem>>, vector<16xf32>,
    tpu.vector_store %arg5[%swap3A_67, %swap3A_68], %max3A_65 {strides = array<i32>} : memref<16x64xf32, #tpu.memory_space<vmem>>, vector<16xf32>,
    %add3A_70 = arith.constant 32 : i32
    %add3A_71 = vector.broadcast %add3A_70 : i32 to vector<16xi32>
    %add3A_72 = arith.addi %add3A_71, %iota3A : vector<16xi32>
    %mul3A_73 = arith.constant 2 : i32
    %mul3A_74 = vector.broadcast %mul3A_73 : i32 to vector<16xi32>
    %mul3A_75 = arith.muli %add3A_72, %mul3A_74 : vector<16xi32>
    %add3A_76 = arith.constant 0 : i32
    %add3A_77 = vector.broadcast %add3A_76 : i32 to vector<16xi32>
    %add3A_78 = arith.addi %add3A_77, %mul3A_75 : vector<16xi32>
    %gather3A_79 = tpu.vector_load_idx %arg4[%add3A_78] : memref<2048xf32, #tpu.memory_space<vmem>>[vector<16xi32>], vector<16xf32>,
    %add3A_80 = arith.constant 1 : i32
    %add3A_81 = vector.broadcast %add3A_80 : i32 to vector<16xi32>
    %add3A_82 = arith.addi %add3A_78, %add3A_81 : vector<16xi32>
    %gather3A_83 = tpu.vector_load_idx %arg4[%add3A_82] : memref<2048xf32, #tpu.memory_space<vmem>>[vector<16xi32>], vector<16xf32>,
    %max3A_84 = arith.maximumf %gather3A_79, %gather3A_83 : vector<16xf32>
    %swap3A_85 = arith.constant 0 : i32
    %swap3A_86 = arith.index_cast %swap3A_85 : i32 to index
    %swap3A_87 = arith.constant 32 : index
    %swap3A_88 = tpu.vector_load %arg5[%swap3A_86, %swap3A_87] {strides = array<i32>} : memref<16x64xf32, #tpu.memory_space<vmem>>, vector<16xf32>,
    tpu.vector_store %arg5[%swap3A_86, %swap3A_87], %max3A_84 {strides = array<i32>} : memref<16x64xf32, #tpu.memory_space<vmem>>, vector<16xf32>,
    %add3A_89 = arith.constant 48 : i32
    %add3A_90 = vector.broadcast %add3A_89 : i32 to vector<16xi32>
    %add3A_91 = arith.addi %add3A_90, %iota3A : vector<16xi32>
    %mul3A_92 = arith.constant 2 : i32
    %mul3A_93 = vector.broadcast %mul3A_92 : i32 to vector<16xi32>
    %mul3A_94 = arith.muli %add3A_91, %mul3A_93 : vector<16xi32>
    %add3A_95 = arith.constant 0 : i32
    %add3A_96 = vector.broadcast %add3A_95 : i32 to vector<16xi32>
    %add3A_97 = arith.addi %add3A_96, %mul3A_94 : vector<16xi32>
    %gather3A_98 = tpu.vector_load_idx %arg4[%add3A_97] : memref<2048xf32, #tpu.memory_space<vmem>>[vector<16xi32>], vector<16xf32>,
    %add3A_99 = arith.constant 1 : i32
    %add3A_100 = vector.broadcast %add3A_99 : i32 to vector<16xi32>
    %add3A_101 = arith.addi %add3A_97, %add3A_100 : vector<16xi32>
    %gather3A_102 = tpu.vector_load_idx %arg4[%add3A_101] : memref<2048xf32, #tpu.memory_space<vmem>>[vector<16xi32>], vector<16xf32>,
    %max3A_103 = arith.maximumf %gather3A_98, %gather3A_102 : vector<16xf32>
    %swap3A_104 = arith.constant 0 : i32
    %swap3A_105 = arith.index_cast %swap3A_104 : i32 to index
    %swap3A_106 = arith.constant 48 : index
    %swap3A_107 = tpu.vector_load %arg5[%swap3A_105, %swap3A_106] {strides = array<i32>} : memref<16x64xf32, #tpu.memory_space<vmem>>, vector<16xf32>,
    tpu.vector_store %arg5[%swap3A_105, %swap3A_106], %max3A_103 {strides = array<i32>} : memref<16x64xf32, #tpu.memory_space<vmem>>, vector<16xf32>,
    %add3A_108 = arith.constant 0 : i32
    %add3A_109 = vector.broadcast %add3A_108 : i32 to vector<16xi32>
    %add3A_110 = arith.addi %add3A_109, %iota3A : vector<16xi32>
    %mul3A_111 = arith.constant 2 : i32
    %mul3A_112 = vector.broadcast %mul3A_111 : i32 to vector<16xi32>
    %mul3A_113 = arith.muli %add3A_110, %mul3A_112 : vector<16xi32>
    %add3A_114 = arith.constant 128 : i32
    %add3A_115 = vector.broadcast %add3A_114 : i32 to vector<16xi32>
    %add3A_116 = arith.addi %add3A_115, %mul3A_113 : vector<16xi32>
    %gather3A_117 = tpu.vector_load_idx %arg4[%add3A_116] : memref<2048xf32, #tpu.memory_space<vmem>>[vector<16xi32>], vector<16xf32>,
    %add3A_118 = arith.constant 1 : i32
    %add3A_119 = vector.broadcast %add3A_118 : i32 to vector<16xi32>
    %add3A_120 = arith.addi %add3A_116, %add3A_119 : vector<16xi32>
    %gather3A_121 = tpu.vector_load_idx %arg4[%add3A_120] : memref<2048xf32, #tpu.memory_space<vmem>>[vector<16xi32>], vector<16xf32>,
    %max3A_122 = arith.maximumf %gather3A_117, %gather3A_121 : vector<16xf32>
    %swap3A_123 = arith.constant 1 : i32
    %swap3A_124 = arith.index_cast %swap3A_123 : i32 to index
    %swap3A_125 = arith.constant 0 : index
    %swap3A_126 = tpu.vector_load %arg5[%swap3A_124, %swap3A_125] {strides = array<i32>} : memref<16x64xf32, #tpu.memory_space<vmem>>, vector<16xf32>,
    tpu.vector_store %arg5[%swap3A_124, %swap3A_125], %max3A_122 {strides = array<i32>} : memref<16x64xf32, #tpu.memory_space<vmem>>, vector<16xf32>,
    %add3A_127 = arith.constant 16 : i32
    %add3A_128 = vector.broadcast %add3A_127 : i32 to vector<16xi32>
    %add3A_129 = arith.addi %add3A_128, %iota3A : vector<16xi32>
    %mul3A_130 = arith.constant 2 : i32
    %mul3A_131 = vector.broadcast %mul3A_130 : i32 to vector<16xi32>
    %mul3A_132 = arith.muli %add3A_129, %mul3A_131 : vector<16xi32>
    %add3A_133 = arith.constant 128 : i32
    %add3A_134 = vector.broadcast %add3A_133 : i32 to vector<16xi32>
    %add3A_135 = arith.addi %add3A_134, %mul3A_132 : vector<16xi32>
    %gather3A_136 = tpu.vector_load_idx %arg4[%add3A_135] : memref<2048xf32, #tpu.memory_space<vmem>>[vector<16xi32>], vector<16xf32>,
    %add3A_137 = arith.constant 1 : i32
    %add3A_138 = vector.broadcast %add3A_137 : i32 to vector<16xi32>
    %add3A_139 = arith.addi %add3A_135, %add3A_138 : vector<16xi32>
    %gather3A_140 = tpu.vector_load_idx %arg4[%add3A_139] : memref<2048xf32, #tpu.memory_space<vmem>>[vector<16xi32>], vector<16xf32>,
    %max3A_141 = arith.maximumf %gather3A_136, %gather3A_140 : vector<16xf32>
    %swap3A_142 = arith.constant 1 : i32
    %swap3A_143 = arith.index_cast %swap3A_142 : i32 to index
    %swap3A_144 = arith.constant 16 : index
    %swap3A_145 = tpu.vector_load %arg5[%swap3A_143, %swap3A_144] {strides = array<i32>} : memref<16x64xf32, #tpu.memory_space<vmem>>, vector<16xf32>,
    tpu.vector_store %arg5[%swap3A_143, %swap3A_144], %max3A_141 {strides = array<i32>} : memref<16x64xf32, #tpu.memory_space<vmem>>, vector<16xf32>,
    %add3A_146 = arith.constant 32 : i32
    %add3A_147 = vector.broadcast %add3A_146 : i32 to vector<16xi32>
    %add3A_148 = arith.addi %add3A_147, %iota3A : vector<16xi32>
    %mul3A_149 = arith.constant 2 : i32
    %mul3A_150 = vector.broadcast %mul3A_149 : i32 to vector<16xi32>
    %mul3A_151 = arith.muli %add3A_148, %mul3A_150 : vector<16xi32>
    %add3A_152 = arith.constant 128 : i32
    %add3A_153 = vector.broadcast %add3A_152 : i32 to vector<16xi32>
    %add3A_154 = arith.addi %add3A_153, %mul3A_151 : vector<16xi32>
    %gather3A_155 = tpu.vector_load_idx %arg4[%add3A_154] : memref<2048xf32, #tpu.memory_space<vmem>>[vector<16xi32>], vector<16xf32>,
    %add3A_156 = arith.constant 1 : i32
    %add3A_157 = vector.broadcast %add3A_156 : i32 to vector<16xi32>
    %add3A_158 = arith.addi %add3A_154, %add3A_157 : vector<16xi32>
    %gather3A_159 = tpu.vector_load_idx %arg4[%add3A_158] : memref<2048xf32, #tpu.memory_space<vmem>>[vector<16xi32>], vector<16xf32>,
    %max3A_160 = arith.maximumf %gather3A_155, %gather3A_159 : vector<16xf32>
    %swap3A_161 = arith.constant 1 : i32
    %swap3A_162 = arith.index_cast %swap3A_161 : i32 to index
    %swap3A_163 = arith.constant 32 : index
    %swap3A_164 = tpu.vector_load %arg5[%swap3A_162, %swap3A_163] {strides = array<i32>} : memref<16x64xf32, #tpu.memory_space<vmem>>, vector<16xf32>,
    tpu.vector_store %arg5[%swap3A_162, %swap3A_163], %max3A_160 {strides = array<i32>} : memref<16x64xf32, #tpu.memory_space<vmem>>, vector<16xf32>,
    %add3A_165 = arith.constant 48 : i32
    %add3A_166 = vector.broadcast %add3A_165 : i32 to vector<16xi32>
    %add3A_167 = arith.addi %add3A_166, %iota3A : vector<16xi32>
    %mul3A_168 = arith.constant 2 : i32
    %mul3A_169 = vector.broadcast %mul3A_168 : i32 to vector<16xi32>
    %mul3A_170 = arith.muli %add3A_167, %mul3A_169 : vector<16xi32>
    %add3A_171 = arith.constant 128 : i32
    %add3A_172 = vector.broadcast %add3A_171 : i32 to vector<16xi32>
    %add3A_173 = arith.addi %add3A_172, %mul3A_170 : vector<16xi32>
    %gather3A_174 = tpu.vector_load_idx %arg4[%add3A_173] : memref<2048xf32, #tpu.memory_space<vmem>>[vector<16xi32>], vector<16xf32>,
    %add3A_175 = arith.constant 1 : i32
    %add3A_176 = vector.broadcast %add3A_175 : i32 to vector<16xi32>
    %add3A_177 = arith.addi %add3A_173, %add3A_176 : vector<16xi32>
    %gather3A_178 = tpu.vector_load_idx %arg4[%add3A_177] : memref<2048xf32, #tpu.memory_space<vmem>>[vector<16xi32>], vector<16xf32>,
    %max3A_179 = arith.maximumf %gather3A_174, %gather3A_178 : vector<16xf32>
    %swap3A_180 = arith.constant 1 : i32
    %swap3A_181 = arith.index_cast %swap3A_180 : i32 to index
    %swap3A_182 = arith.constant 48 : index
    %swap3A_183 = tpu.vector_load %arg5[%swap3A_181, %swap3A_182] {strides = array<i32>} : memref<16x64xf32, #tpu.memory_space<vmem>>, vector<16xf32>,
    tpu.vector_store %arg5[%swap3A_181, %swap3A_182], %max3A_179 {strides = array<i32>} : memref<16x64xf32, #tpu.memory_space<vmem>>, vector<16xf32>,
    %add3A_184 = arith.constant 0 : i32
    %add3A_185 = vector.broadcast %add3A_184 : i32 to vector<16xi32>
    %add3A_186 = arith.addi %add3A_185, %iota3A : vector<16xi32>
    %mul3A_187 = arith.constant 2 : i32
    %mul3A_188 = vector.broadcast %mul3A_187 : i32 to vector<16xi32>
    %mul3A_189 = arith.muli %add3A_186, %mul3A_188 : vector<16xi32>
    %add3A_190 = arith.constant 256 : i32
    %add3A_191 = vector.broadcast %add3A_190 : i32 to vector<16xi32>
    %add3A_192 = arith.addi %add3A_191, %mul3A_189 : vector<16xi32>
    %gather3A_193 = tpu.vector_load_idx %arg4[%add3A_192] : memref<2048xf32, #tpu.memory_space<vmem>>[vector<16xi32>], vector<16xf32>,
    %add3A_194 = arith.constant 1 : i32
    %add3A_195 = vector.broadcast %add3A_194 : i32 to vector<16xi32>
    %add3A_196 = arith.addi %add3A_192, %add3A_195 : vector<16xi32>
    %gather3A_197 = tpu.vector_load_idx %arg4[%add3A_196] : memref<2048xf32, #tpu.memory_space<vmem>>[vector<16xi32>], vector<16xf32>,
    %max3A_198 = arith.maximumf %gather3A_193, %gather3A_197 : vector<16xf32>
    %swap3A_199 = arith.constant 2 : i32
    %swap3A_200 = arith.index_cast %swap3A_199 : i32 to index
    %swap3A_201 = arith.constant 0 : index
    %swap3A_202 = tpu.vector_load %arg5[%swap3A_200, %swap3A_201] {strides = array<i32>} : memref<16x64xf32, #tpu.memory_space<vmem>>, vector<16xf32>,
    tpu.vector_store %arg5[%swap3A_200, %swap3A_201], %max3A_198 {strides = array<i32>} : memref<16x64xf32, #tpu.memory_space<vmem>>, vector<16xf32>,
    %add3A_203 = arith.constant 16 : i32
    %add3A_204 = vector.broadcast %add3A_203 : i32 to vector<16xi32>
    %add3A_205 = arith.addi %add3A_204, %iota3A : vector<16xi32>
    %mul3A_206 = arith.constant 2 : i32
    %mul3A_207 = vector.broadcast %mul3A_206 : i32 to vector<16xi32>
    %mul3A_208 = arith.muli %add3A_205, %mul3A_207 : vector<16xi32>
    %add3A_209 = arith.constant 256 : i32
    %add3A_210 = vector.broadcast %add3A_209 : i32 to vector<16xi32>
    %add3A_211 = arith.addi %add3A_210, %mul3A_208 : vector<16xi32>
    %gather3A_212 = tpu.vector_load_idx %arg4[%add3A_211] : memref<2048xf32, #tpu.memory_space<vmem>>[vector<16xi32>], vector<16xf32>,
    %add3A_213 = arith.constant 1 : i32
    %add3A_214 = vector.broadcast %add3A_213 : i32 to vector<16xi32>
    %add3A_215 = arith.addi %add3A_211, %add3A_214 : vector<16xi32>
    %gather3A_216 = tpu.vector_load_idx %arg4[%add3A_215] : memref<2048xf32, #tpu.memory_space<vmem>>[vector<16xi32>], vector<16xf32>,
    %max3A_217 = arith.maximumf %gather3A_212, %gather3A_216 : vector<16xf32>
    %swap3A_218 = arith.constant 2 : i32
    %swap3A_219 = arith.index_cast %swap3A_218 : i32 to index
    %swap3A_220 = arith.constant 16 : index
    %swap3A_221 = tpu.vector_load %arg5[%swap3A_219, %swap3A_220] {strides = array<i32>} : memref<16x64xf32, #tpu.memory_space<vmem>>, vector<16xf32>,
    tpu.vector_store %arg5[%swap3A_219, %swap3A_220], %max3A_217 {strides = array<i32>} : memref<16x64xf32, #tpu.memory_space<vmem>>, vector<16xf32>,
    %add3A_222 = arith.constant 32 : i32
    %add3A_223 = vector.broadcast %add3A_222 : i32 to vector<16xi32>
    %add3A_224 = arith.addi %add3A_223, %iota3A : vector<16xi32>
    %mul3A_225 = arith.constant 2 : i32
    %mul3A_226 = vector.broadcast %mul3A_225 : i32 to vector<16xi32>
    %mul3A_227 = arith.muli %add3A_224, %mul3A_226 : vector<16xi32>
    %add3A_228 = arith.constant 256 : i32
    %add3A_229 = vector.broadcast %add3A_228 : i32 to vector<16xi32>
    %add3A_230 = arith.addi %add3A_229, %mul3A_227 : vector<16xi32>
    %gather3A_231 = tpu.vector_load_idx %arg4[%add3A_230] : memref<2048xf32, #tpu.memory_space<vmem>>[vector<16xi32>], vector<16xf32>,
    %add3A_232 = arith.constant 1 : i32
    %add3A_233 = vector.broadcast %add3A_232 : i32 to vector<16xi32>
    %add3A_234 = arith.addi %add3A_230, %add3A_233 : vector<16xi32>
    %gather3A_235 = tpu.vector_load_idx %arg4[%add3A_234] : memref<2048xf32, #tpu.memory_space<vmem>>[vector<16xi32>], vector<16xf32>,
    %max3A_236 = arith.maximumf %gather3A_231, %gather3A_235 : vector<16xf32>
    %swap3A_237 = arith.constant 2 : i32
    %swap3A_238 = arith.index_cast %swap3A_237 : i32 to index
    %swap3A_239 = arith.constant 32 : index
    %swap3A_240 = tpu.vector_load %arg5[%swap3A_238, %swap3A_239] {strides = array<i32>} : memref<16x64xf32, #tpu.memory_space<vmem>>, vector<16xf32>,
    tpu.vector_store %arg5[%swap3A_238, %swap3A_239], %max3A_236 {strides = array<i32>} : memref<16x64xf32, #tpu.memory_space<vmem>>, vector<16xf32>,
    %add3A_241 = arith.constant 48 : i32
    %add3A_242 = vector.broadcast %add3A_241 : i32 to vector<16xi32>
    %add3A_243 = arith.addi %add3A_242, %iota3A : vector<16xi32>
    %mul3A_244 = arith.constant 2 : i32
    %mul3A_245 = vector.broadcast %mul3A_244 : i32 to vector<16xi32>
    %mul3A_246 = arith.muli %add3A_243, %mul3A_245 : vector<16xi32>
    %add3A_247 = arith.constant 256 : i32
    %add3A_248 = vector.broadcast %add3A_247 : i32 to vector<16xi32>
    %add3A_249 = arith.addi %add3A_248, %mul3A_246 : vector<16xi32>
    %gather3A_250 = tpu.vector_load_idx %arg4[%add3A_249] : memref<2048xf32, #tpu.memory_space<vmem>>[vector<16xi32>], vector<16xf32>,
    %add3A_251 = arith.constant 1 : i32
    %add3A_252 = vector.broadcast %add3A_251 : i32 to vector<16xi32>
    %add3A_253 = arith.addi %add3A_249, %add3A_252 : vector<16xi32>
    %gather3A_254 = tpu.vector_load_idx %arg4[%add3A_253] : memref<2048xf32, #tpu.memory_space<vmem>>[vector<16xi32>], vector<16xf32>,
    %max3A_255 = arith.maximumf %gather3A_250, %gather3A_254 : vector<16xf32>
    %swap3A_256 = arith.constant 2 : i32
    %swap3A_257 = arith.index_cast %swap3A_256 : i32 to index
    %swap3A_258 = arith.constant 48 : index
    %swap3A_259 = tpu.vector_load %arg5[%swap3A_257, %swap3A_258] {strides = array<i32>} : memref<16x64xf32, #tpu.memory_space<vmem>>, vector<16xf32>,
    tpu.vector_store %arg5[%swap3A_257, %swap3A_258], %max3A_255 {strides = array<i32>} : memref<16x64xf32, #tpu.memory_space<vmem>>, vector<16xf32>,
    %add3A_260 = arith.constant 0 : i32
    %add3A_261 = vector.broadcast %add3A_260 : i32 to vector<16xi32>
    %add3A_262 = arith.addi %add3A_261, %iota3A : vector<16xi32>
    %mul3A_263 = arith.constant 2 : i32
    %mul3A_264 = vector.broadcast %mul3A_263 : i32 to vector<16xi32>
    %mul3A_265 = arith.muli %add3A_262, %mul3A_264 : vector<16xi32>
    %add3A_266 = arith.constant 384 : i32
    %add3A_267 = vector.broadcast %add3A_266 : i32 to vector<16xi32>
    %add3A_268 = arith.addi %add3A_267, %mul3A_265 : vector<16xi32>
    %gather3A_269 = tpu.vector_load_idx %arg4[%add3A_268] : memref<2048xf32, #tpu.memory_space<vmem>>[vector<16xi32>], vector<16xf32>,
    %add3A_270 = arith.constant 1 : i32
    %add3A_271 = vector.broadcast %add3A_270 : i32 to vector<16xi32>
    %add3A_272 = arith.addi %add3A_268, %add3A_271 : vector<16xi32>
    %gather3A_273 = tpu.vector_load_idx %arg4[%add3A_272] : memref<2048xf32, #tpu.memory_space<vmem>>[vector<16xi32>], vector<16xf32>,
    %max3A_274 = arith.maximumf %gather3A_269, %gather3A_273 : vector<16xf32>
    %swap3A_275 = arith.constant 3 : i32
    %swap3A_276 = arith.index_cast %swap3A_275 : i32 to index
    %swap3A_277 = arith.constant 0 : index
    %swap3A_278 = tpu.vector_load %arg5[%swap3A_276, %swap3A_277] {strides = array<i32>} : memref<16x64xf32, #tpu.memory_space<vmem>>, vector<16xf32>,
    tpu.vector_store %arg5[%swap3A_276, %swap3A_277], %max3A_274 {strides = array<i32>} : memref<16x64xf32, #tpu.memory_space<vmem>>, vector<16xf32>,
    %add3A_279 = arith.constant 16 : i32
    %add3A_280 = vector.broadcast %add3A_279 : i32 to vector<16xi32>
    %add3A_281 = arith.addi %add3A_280, %iota3A : vector<16xi32>
    %mul3A_282 = arith.constant 2 : i32
    %mul3A_283 = vector.broadcast %mul3A_282 : i32 to vector<16xi32>
    %mul3A_284 = arith.muli %add3A_281, %mul3A_283 : vector<16xi32>
    %add3A_285 = arith.constant 384 : i32
    %add3A_286 = vector.broadcast %add3A_285 : i32 to vector<16xi32>
    %add3A_287 = arith.addi %add3A_286, %mul3A_284 : vector<16xi32>
    %gather3A_288 = tpu.vector_load_idx %arg4[%add3A_287] : memref<2048xf32, #tpu.memory_space<vmem>>[vector<16xi32>], vector<16xf32>,
    %add3A_289 = arith.constant 1 : i32
    %add3A_290 = vector.broadcast %add3A_289 : i32 to vector<16xi32>
    %add3A_291 = arith.addi %add3A_287, %add3A_290 : vector<16xi32>
    %gather3A_292 = tpu.vector_load_idx %arg4[%add3A_291] : memref<2048xf32, #tpu.memory_space<vmem>>[vector<16xi32>], vector<16xf32>,
    %max3A_293 = arith.maximumf %gather3A_288, %gather3A_292 : vector<16xf32>
    %swap3A_294 = arith.constant 3 : i32
    %swap3A_295 = arith.index_cast %swap3A_294 : i32 to index
    %swap3A_296 = arith.constant 16 : index
    %swap3A_297 = tpu.vector_load %arg5[%swap3A_295, %swap3A_296] {strides = array<i32>} : memref<16x64xf32, #tpu.memory_space<vmem>>, vector<16xf32>,
    tpu.vector_store %arg5[%swap3A_295, %swap3A_296], %max3A_293 {strides = array<i32>} : memref<16x64xf32, #tpu.memory_space<vmem>>, vector<16xf32>,
    %add3A_298 = arith.constant 32 : i32
    %add3A_299 = vector.broadcast %add3A_298 : i32 to vector<16xi32>
    %add3A_300 = arith.addi %add3A_299, %iota3A : vector<16xi32>
    %mul3A_301 = arith.constant 2 : i32
    %mul3A_302 = vector.broadcast %mul3A_301 : i32 to vector<16xi32>
    %mul3A_303 = arith.muli %add3A_300, %mul3A_302 : vector<16xi32>
    %add3A_304 = arith.constant 384 : i32
    %add3A_305 = vector.broadcast %add3A_304 : i32 to vector<16xi32>
    %add3A_306 = arith.addi %add3A_305, %mul3A_303 : vector<16xi32>
    %gather3A_307 = tpu.vector_load_idx %arg4[%add3A_306] : memref<2048xf32, #tpu.memory_space<vmem>>[vector<16xi32>], vector<16xf32>,
    %add3A_308 = arith.constant 1 : i32
    %add3A_309 = vector.broadcast %add3A_308 : i32 to vector<16xi32>
    %add3A_310 = arith.addi %add3A_306, %add3A_309 : vector<16xi32>
    %gather3A_311 = tpu.vector_load_idx %arg4[%add3A_310] : memref<2048xf32, #tpu.memory_space<vmem>>[vector<16xi32>], vector<16xf32>,
    %max3A_312 = arith.maximumf %gather3A_307, %gather3A_311 : vector<16xf32>
    %swap3A_313 = arith.constant 3 : i32
    %swap3A_314 = arith.index_cast %swap3A_313 : i32 to index
    %swap3A_315 = arith.constant 32 : index
    %swap3A_316 = tpu.vector_load %arg5[%swap3A_314, %swap3A_315] {strides = array<i32>} : memref<16x64xf32, #tpu.memory_space<vmem>>, vector<16xf32>,
    tpu.vector_store %arg5[%swap3A_314, %swap3A_315], %max3A_312 {strides = array<i32>} : memref<16x64xf32, #tpu.memory_space<vmem>>, vector<16xf32>,
    %add3A_317 = arith.constant 48 : i32
    %add3A_318 = vector.broadcast %add3A_317 : i32 to vector<16xi32>
    %add3A_319 = arith.addi %add3A_318, %iota3A : vector<16xi32>
    %mul3A_320 = arith.constant 2 : i32
    %mul3A_321 = vector.broadcast %mul3A_320 : i32 to vector<16xi32>
    %mul3A_322 = arith.muli %add3A_319, %mul3A_321 : vector<16xi32>
    %add3A_323 = arith.constant 384 : i32
    %add3A_324 = vector.broadcast %add3A_323 : i32 to vector<16xi32>
    %add3A_325 = arith.addi %add3A_324, %mul3A_322 : vector<16xi32>
    %gather3A_326 = tpu.vector_load_idx %arg4[%add3A_325] : memref<2048xf32, #tpu.memory_space<vmem>>[vector<16xi32>], vector<16xf32>,
    %add3A_327 = arith.constant 1 : i32
    %add3A_328 = vector.broadcast %add3A_327 : i32 to vector<16xi32>
    %add3A_329 = arith.addi %add3A_325, %add3A_328 : vector<16xi32>
    %gather3A_330 = tpu.vector_load_idx %arg4[%add3A_329] : memref<2048xf32, #tpu.memory_space<vmem>>[vector<16xi32>], vector<16xf32>,
    %max3A_331 = arith.maximumf %gather3A_326, %gather3A_330 : vector<16xf32>
    %swap3A_332 = arith.constant 3 : i32
    %swap3A_333 = arith.index_cast %swap3A_332 : i32 to index
    %swap3A_334 = arith.constant 48 : index
    %swap3A_335 = tpu.vector_load %arg5[%swap3A_333, %swap3A_334] {strides = array<i32>} : memref<16x64xf32, #tpu.memory_space<vmem>>, vector<16xf32>,
    tpu.vector_store %arg5[%swap3A_333, %swap3A_334], %max3A_331 {strides = array<i32>} : memref<16x64xf32, #tpu.memory_space<vmem>>, vector<16xf32>,
    %add3A_336 = arith.constant 0 : i32
    %add3A_337 = vector.broadcast %add3A_336 : i32 to vector<16xi32>
    %add3A_338 = arith.addi %add3A_337, %iota3A : vector<16xi32>
    %mul3A_339 = arith.constant 2 : i32
    %mul3A_340 = vector.broadcast %mul3A_339 : i32 to vector<16xi32>
    %mul3A_341 = arith.muli %add3A_338, %mul3A_340 : vector<16xi32>
    %add3A_342 = arith.constant 512 : i32
    %add3A_343 = vector.broadcast %add3A_342 : i32 to vector<16xi32>
    %add3A_344 = arith.addi %add3A_343, %mul3A_341 : vector<16xi32>
    %gather3A_345 = tpu.vector_load_idx %arg4[%add3A_344] : memref<2048xf32, #tpu.memory_space<vmem>>[vector<16xi32>], vector<16xf32>,
    %add3A_346 = arith.constant 1 : i32
    %add3A_347 = vector.broadcast %add3A_346 : i32 to vector<16xi32>
    %add3A_348 = arith.addi %add3A_344, %add3A_347 : vector<16xi32>
    %gather3A_349 = tpu.vector_load_idx %arg4[%add3A_348] : memref<2048xf32, #tpu.memory_space<vmem>>[vector<16xi32>], vector<16xf32>,
    %max3A_350 = arith.maximumf %gather3A_345, %gather3A_349 : vector<16xf32>
    %swap3A_351 = arith.constant 4 : i32
    %swap3A_352 = arith.index_cast %swap3A_351 : i32 to index
    %swap3A_353 = arith.constant 0 : index
    %swap3A_354 = tpu.vector_load %arg5[%swap3A_352, %swap3A_353] {strides = array<i32>} : memref<16x64xf32, #tpu.memory_space<vmem>>, vector<16xf32>,
    tpu.vector_store %arg5[%swap3A_352, %swap3A_353], %max3A_350 {strides = array<i32>} : memref<16x64xf32, #tpu.memory_space<vmem>>, vector<16xf32>,
    %add3A_355 = arith.constant 16 : i32
    %add3A_356 = vector.broadcast %add3A_355 : i32 to vector<16xi32>
    %add3A_357 = arith.addi %add3A_356, %iota3A : vector<16xi32>
    %mul3A_358 = arith.constant 2 : i32
    %mul3A_359 = vector.broadcast %mul3A_358 : i32 to vector<16xi32>
    %mul3A_360 = arith.muli %add3A_357, %mul3A_359 : vector<16xi32>
    %add3A_361 = arith.constant 512 : i32
    %add3A_362 = vector.broadcast %add3A_361 : i32 to vector<16xi32>
    %add3A_363 = arith.addi %add3A_362, %mul3A_360 : vector<16xi32>
    %gather3A_364 = tpu.vector_load_idx %arg4[%add3A_363] : memref<2048xf32, #tpu.memory_space<vmem>>[vector<16xi32>], vector<16xf32>,
    %add3A_365 = arith.constant 1 : i32
    %add3A_366 = vector.broadcast %add3A_365 : i32 to vector<16xi32>
    %add3A_367 = arith.addi %add3A_363, %add3A_366 : vector<16xi32>
    %gather3A_368 = tpu.vector_load_idx %arg4[%add3A_367] : memref<2048xf32, #tpu.memory_space<vmem>>[vector<16xi32>], vector<16xf32>,
    %max3A_369 = arith.maximumf %gather3A_364, %gather3A_368 : vector<16xf32>
    %swap3A_370 = arith.constant 4 : i32
    %swap3A_371 = arith.index_cast %swap3A_370 : i32 to index
    %swap3A_372 = arith.constant 16 : index
    %swap3A_373 = tpu.vector_load %arg5[%swap3A_371, %swap3A_372] {strides = array<i32>} : memref<16x64xf32, #tpu.memory_space<vmem>>, vector<16xf32>,
    tpu.vector_store %arg5[%swap3A_371, %swap3A_372], %max3A_369 {strides = array<i32>} : memref<16x64xf32, #tpu.memory_space<vmem>>, vector<16xf32>,
    %add3A_374 = arith.constant 32 : i32
    %add3A_375 = vector.broadcast %add3A_374 : i32 to vector<16xi32>
    %add3A_376 = arith.addi %add3A_375, %iota3A : vector<16xi32>
    %mul3A_377 = arith.constant 2 : i32
    %mul3A_378 = vector.broadcast %mul3A_377 : i32 to vector<16xi32>
    %mul3A_379 = arith.muli %add3A_376, %mul3A_378 : vector<16xi32>
    %add3A_380 = arith.constant 512 : i32
    %add3A_381 = vector.broadcast %add3A_380 : i32 to vector<16xi32>
    %add3A_382 = arith.addi %add3A_381, %mul3A_379 : vector<16xi32>
    %gather3A_383 = tpu.vector_load_idx %arg4[%add3A_382] : memref<2048xf32, #tpu.memory_space<vmem>>[vector<16xi32>], vector<16xf32>,
    %add3A_384 = arith.constant 1 : i32
    %add3A_385 = vector.broadcast %add3A_384 : i32 to vector<16xi32>
    %add3A_386 = arith.addi %add3A_382, %add3A_385 : vector<16xi32>
    %gather3A_387 = tpu.vector_load_idx %arg4[%add3A_386] : memref<2048xf32, #tpu.memory_space<vmem>>[vector<16xi32>], vector<16xf32>,
    %max3A_388 = arith.maximumf %gather3A_383, %gather3A_387 : vector<16xf32>
    %swap3A_389 = arith.constant 4 : i32
    %swap3A_390 = arith.index_cast %swap3A_389 : i32 to index
    %swap3A_391 = arith.constant 32 : index
    %swap3A_392 = tpu.vector_load %arg5[%swap3A_390, %swap3A_391] {strides = array<i32>} : memref<16x64xf32, #tpu.memory_space<vmem>>, vector<16xf32>,
    tpu.vector_store %arg5[%swap3A_390, %swap3A_391], %max3A_388 {strides = array<i32>} : memref<16x64xf32, #tpu.memory_space<vmem>>, vector<16xf32>,
    %add3A_393 = arith.constant 48 : i32
    %add3A_394 = vector.broadcast %add3A_393 : i32 to vector<16xi32>
    %add3A_395 = arith.addi %add3A_394, %iota3A : vector<16xi32>
    %mul3A_396 = arith.constant 2 : i32
    %mul3A_397 = vector.broadcast %mul3A_396 : i32 to vector<16xi32>
    %mul3A_398 = arith.muli %add3A_395, %mul3A_397 : vector<16xi32>
    %add3A_399 = arith.constant 512 : i32
    %add3A_400 = vector.broadcast %add3A_399 : i32 to vector<16xi32>
    %add3A_401 = arith.addi %add3A_400, %mul3A_398 : vector<16xi32>
    %gather3A_402 = tpu.vector_load_idx %arg4[%add3A_401] : memref<2048xf32, #tpu.memory_space<vmem>>[vector<16xi32>], vector<16xf32>,
    %add3A_403 = arith.constant 1 : i32
    %add3A_404 = vector.broadcast %add3A_403 : i32 to vector<16xi32>
    %add3A_405 = arith.addi %add3A_401, %add3A_404 : vector<16xi32>
    %gather3A_406 = tpu.vector_load_idx %arg4[%add3A_405] : memref<2048xf32, #tpu.memory_space<vmem>>[vector<16xi32>], vector<16xf32>,
    %max3A_407 = arith.maximumf %gather3A_402, %gather3A_406 : vector<16xf32>
    %swap3A_408 = arith.constant 4 : i32
    %swap3A_409 = arith.index_cast %swap3A_408 : i32 to index
    %swap3A_410 = arith.constant 48 : index
    %swap3A_411 = tpu.vector_load %arg5[%swap3A_409, %swap3A_410] {strides = array<i32>} : memref<16x64xf32, #tpu.memory_space<vmem>>, vector<16xf32>,
    tpu.vector_store %arg5[%swap3A_409, %swap3A_410], %max3A_407 {strides = array<i32>} : memref<16x64xf32, #tpu.memory_space<vmem>>, vector<16xf32>,
    %add3A_412 = arith.constant 0 : i32
    %add3A_413 = vector.broadcast %add3A_412 : i32 to vector<16xi32>
    %add3A_414 = arith.addi %add3A_413, %iota3A : vector<16xi32>
    %mul3A_415 = arith.constant 2 : i32
    %mul3A_416 = vector.broadcast %mul3A_415 : i32 to vector<16xi32>
    %mul3A_417 = arith.muli %add3A_414, %mul3A_416 : vector<16xi32>
    %add3A_418 = arith.constant 640 : i32
    %add3A_419 = vector.broadcast %add3A_418 : i32 to vector<16xi32>
    %add3A_420 = arith.addi %add3A_419, %mul3A_417 : vector<16xi32>
    %gather3A_421 = tpu.vector_load_idx %arg4[%add3A_420] : memref<2048xf32, #tpu.memory_space<vmem>>[vector<16xi32>], vector<16xf32>,
    %add3A_422 = arith.constant 1 : i32
    %add3A_423 = vector.broadcast %add3A_422 : i32 to vector<16xi32>
    %add3A_424 = arith.addi %add3A_420, %add3A_423 : vector<16xi32>
    %gather3A_425 = tpu.vector_load_idx %arg4[%add3A_424] : memref<2048xf32, #tpu.memory_space<vmem>>[vector<16xi32>], vector<16xf32>,
    %max3A_426 = arith.maximumf %gather3A_421, %gather3A_425 : vector<16xf32>
    %swap3A_427 = arith.constant 5 : i32
    %swap3A_428 = arith.index_cast %swap3A_427 : i32 to index
    %swap3A_429 = arith.constant 0 : index
    %swap3A_430 = tpu.vector_load %arg5[%swap3A_428, %swap3A_429] {strides = array<i32>} : memref<16x64xf32, #tpu.memory_space<vmem>>, vector<16xf32>,
    tpu.vector_store %arg5[%swap3A_428, %swap3A_429], %max3A_426 {strides = array<i32>} : memref<16x64xf32, #tpu.memory_space<vmem>>, vector<16xf32>,
    %add3A_431 = arith.constant 16 : i32
    %add3A_432 = vector.broadcast %add3A_431 : i32 to vector<16xi32>
    %add3A_433 = arith.addi %add3A_432, %iota3A : vector<16xi32>
    %mul3A_434 = arith.constant 2 : i32
    %mul3A_435 = vector.broadcast %mul3A_434 : i32 to vector<16xi32>
    %mul3A_436 = arith.muli %add3A_433, %mul3A_435 : vector<16xi32>
    %add3A_437 = arith.constant 640 : i32
    %add3A_438 = vector.broadcast %add3A_437 : i32 to vector<16xi32>
    %add3A_439 = arith.addi %add3A_438, %mul3A_436 : vector<16xi32>
    %gather3A_440 = tpu.vector_load_idx %arg4[%add3A_439] : memref<2048xf32, #tpu.memory_space<vmem>>[vector<16xi32>], vector<16xf32>,
    %add3A_441 = arith.constant 1 : i32
    %add3A_442 = vector.broadcast %add3A_441 : i32 to vector<16xi32>
    %add3A_443 = arith.addi %add3A_439, %add3A_442 : vector<16xi32>
    %gather3A_444 = tpu.vector_load_idx %arg4[%add3A_443] : memref<2048xf32, #tpu.memory_space<vmem>>[vector<16xi32>], vector<16xf32>,
    %max3A_445 = arith.maximumf %gather3A_440, %gather3A_444 : vector<16xf32>
    %swap3A_446 = arith.constant 5 : i32
    %swap3A_447 = arith.index_cast %swap3A_446 : i32 to index
    %swap3A_448 = arith.constant 16 : index
    %swap3A_449 = tpu.vector_load %arg5[%swap3A_447, %swap3A_448] {strides = array<i32>} : memref<16x64xf32, #tpu.memory_space<vmem>>, vector<16xf32>,
    tpu.vector_store %arg5[%swap3A_447, %swap3A_448], %max3A_445 {strides = array<i32>} : memref<16x64xf32, #tpu.memory_space<vmem>>, vector<16xf32>,
    %add3A_450 = arith.constant 32 : i32
    %add3A_451 = vector.broadcast %add3A_450 : i32 to vector<16xi32>
    %add3A_452 = arith.addi %add3A_451, %iota3A : vector<16xi32>
    %mul3A_453 = arith.constant 2 : i32
    %mul3A_454 = vector.broadcast %mul3A_453 : i32 to vector<16xi32>
    %mul3A_455 = arith.muli %add3A_452, %mul3A_454 : vector<16xi32>
    %add3A_456 = arith.constant 640 : i32
    %add3A_457 = vector.broadcast %add3A_456 : i32 to vector<16xi32>
    %add3A_458 = arith.addi %add3A_457, %mul3A_455 : vector<16xi32>
    %gather3A_459 = tpu.vector_load_idx %arg4[%add3A_458] : memref<2048xf32, #tpu.memory_space<vmem>>[vector<16xi32>], vector<16xf32>,
    %add3A_460 = arith.constant 1 : i32
    %add3A_461 = vector.broadcast %add3A_460 : i32 to vector<16xi32>
    %add3A_462 = arith.addi %add3A_458, %add3A_461 : vector<16xi32>
    %gather3A_463 = tpu.vector_load_idx %arg4[%add3A_462] : memref<2048xf32, #tpu.memory_space<vmem>>[vector<16xi32>], vector<16xf32>,
    %max3A_464 = arith.maximumf %gather3A_459, %gather3A_463 : vector<16xf32>
    %swap3A_465 = arith.constant 5 : i32
    %swap3A_466 = arith.index_cast %swap3A_465 : i32 to index
    %swap3A_467 = arith.constant 32 : index
    %swap3A_468 = tpu.vector_load %arg5[%swap3A_466, %swap3A_467] {strides = array<i32>} : memref<16x64xf32, #tpu.memory_space<vmem>>, vector<16xf32>,
    tpu.vector_store %arg5[%swap3A_466, %swap3A_467], %max3A_464 {strides = array<i32>} : memref<16x64xf32, #tpu.memory_space<vmem>>, vector<16xf32>,
    %add3A_469 = arith.constant 48 : i32
    %add3A_470 = vector.broadcast %add3A_469 : i32 to vector<16xi32>
    %add3A_471 = arith.addi %add3A_470, %iota3A : vector<16xi32>
    %mul3A_472 = arith.constant 2 : i32
    %mul3A_473 = vector.broadcast %mul3A_472 : i32 to vector<16xi32>
    %mul3A_474 = arith.muli %add3A_471, %mul3A_473 : vector<16xi32>
    %add3A_475 = arith.constant 640 : i32
    %add3A_476 = vector.broadcast %add3A_475 : i32 to vector<16xi32>
    %add3A_477 = arith.addi %add3A_476, %mul3A_474 : vector<16xi32>
    %gather3A_478 = tpu.vector_load_idx %arg4[%add3A_477] : memref<2048xf32, #tpu.memory_space<vmem>>[vector<16xi32>], vector<16xf32>,
    %add3A_479 = arith.constant 1 : i32
    %add3A_480 = vector.broadcast %add3A_479 : i32 to vector<16xi32>
    %add3A_481 = arith.addi %add3A_477, %add3A_480 : vector<16xi32>
    %gather3A_482 = tpu.vector_load_idx %arg4[%add3A_481] : memref<2048xf32, #tpu.memory_space<vmem>>[vector<16xi32>], vector<16xf32>,
    %max3A_483 = arith.maximumf %gather3A_478, %gather3A_482 : vector<16xf32>
    %swap3A_484 = arith.constant 5 : i32
    %swap3A_485 = arith.index_cast %swap3A_484 : i32 to index
    %swap3A_486 = arith.constant 48 : index
    %swap3A_487 = tpu.vector_load %arg5[%swap3A_485, %swap3A_486] {strides = array<i32>} : memref<16x64xf32, #tpu.memory_space<vmem>>, vector<16xf32>,
    tpu.vector_store %arg5[%swap3A_485, %swap3A_486], %max3A_483 {strides = array<i32>} : memref<16x64xf32, #tpu.memory_space<vmem>>, vector<16xf32>,
    %add3A_488 = arith.constant 0 : i32
    %add3A_489 = vector.broadcast %add3A_488 : i32 to vector<16xi32>
    %add3A_490 = arith.addi %add3A_489, %iota3A : vector<16xi32>
    %mul3A_491 = arith.constant 2 : i32
    %mul3A_492 = vector.broadcast %mul3A_491 : i32 to vector<16xi32>
    %mul3A_493 = arith.muli %add3A_490, %mul3A_492 : vector<16xi32>
    %add3A_494 = arith.constant 768 : i32
    %add3A_495 = vector.broadcast %add3A_494 : i32 to vector<16xi32>
    %add3A_496 = arith.addi %add3A_495, %mul3A_493 : vector<16xi32>
    %gather3A_497 = tpu.vector_load_idx %arg4[%add3A_496] : memref<2048xf32, #tpu.memory_space<vmem>>[vector<16xi32>], vector<16xf32>,
    %add3A_498 = arith.constant 1 : i32
    %add3A_499 = vector.broadcast %add3A_498 : i32 to vector<16xi32>
    %add3A_500 = arith.addi %add3A_496, %add3A_499 : vector<16xi32>
    %gather3A_501 = tpu.vector_load_idx %arg4[%add3A_500] : memref<2048xf32, #tpu.memory_space<vmem>>[vector<16xi32>], vector<16xf32>,
    %max3A_502 = arith.maximumf %gather3A_497, %gather3A_501 : vector<16xf32>
    %swap3A_503 = arith.constant 6 : i32
    %swap3A_504 = arith.index_cast %swap3A_503 : i32 to index
    %swap3A_505 = arith.constant 0 : index
    %swap3A_506 = tpu.vector_load %arg5[%swap3A_504, %swap3A_505] {strides = array<i32>} : memref<16x64xf32, #tpu.memory_space<vmem>>, vector<16xf32>,
    tpu.vector_store %arg5[%swap3A_504, %swap3A_505], %max3A_502 {strides = array<i32>} : memref<16x64xf32, #tpu.memory_space<vmem>>, vector<16xf32>,
    %add3A_507 = arith.constant 16 : i32
    %add3A_508 = vector.broadcast %add3A_507 : i32 to vector<16xi32>
    %add3A_509 = arith.addi %add3A_508, %iota3A : vector<16xi32>
    %mul3A_510 = arith.constant 2 : i32
    %mul3A_511 = vector.broadcast %mul3A_510 : i32 to vector<16xi32>
    %mul3A_512 = arith.muli %add3A_509, %mul3A_511 : vector<16xi32>
    %add3A_513 = arith.constant 768 : i32
    %add3A_514 = vector.broadcast %add3A_513 : i32 to vector<16xi32>
    %add3A_515 = arith.addi %add3A_514, %mul3A_512 : vector<16xi32>
    %gather3A_516 = tpu.vector_load_idx %arg4[%add3A_515] : memref<2048xf32, #tpu.memory_space<vmem>>[vector<16xi32>], vector<16xf32>,
    %add3A_517 = arith.constant 1 : i32
    %add3A_518 = vector.broadcast %add3A_517 : i32 to vector<16xi32>
    %add3A_519 = arith.addi %add3A_515, %add3A_518 : vector<16xi32>
    %gather3A_520 = tpu.vector_load_idx %arg4[%add3A_519] : memref<2048xf32, #tpu.memory_space<vmem>>[vector<16xi32>], vector<16xf32>,
    %max3A_521 = arith.maximumf %gather3A_516, %gather3A_520 : vector<16xf32>
    %swap3A_522 = arith.constant 6 : i32
    %swap3A_523 = arith.index_cast %swap3A_522 : i32 to index
    %swap3A_524 = arith.constant 16 : index
    %swap3A_525 = tpu.vector_load %arg5[%swap3A_523, %swap3A_524] {strides = array<i32>} : memref<16x64xf32, #tpu.memory_space<vmem>>, vector<16xf32>,
    tpu.vector_store %arg5[%swap3A_523, %swap3A_524], %max3A_521 {strides = array<i32>} : memref<16x64xf32, #tpu.memory_space<vmem>>, vector<16xf32>,
    %add3A_526 = arith.constant 32 : i32
    %add3A_527 = vector.broadcast %add3A_526 : i32 to vector<16xi32>
    %add3A_528 = arith.addi %add3A_527, %iota3A : vector<16xi32>
    %mul3A_529 = arith.constant 2 : i32
    %mul3A_530 = vector.broadcast %mul3A_529 : i32 to vector<16xi32>
    %mul3A_531 = arith.muli %add3A_528, %mul3A_530 : vector<16xi32>
    %add3A_532 = arith.constant 768 : i32
    %add3A_533 = vector.broadcast %add3A_532 : i32 to vector<16xi32>
    %add3A_534 = arith.addi %add3A_533, %mul3A_531 : vector<16xi32>
    %gather3A_535 = tpu.vector_load_idx %arg4[%add3A_534] : memref<2048xf32, #tpu.memory_space<vmem>>[vector<16xi32>], vector<16xf32>,
    %add3A_536 = arith.constant 1 : i32
    %add3A_537 = vector.broadcast %add3A_536 : i32 to vector<16xi32>
    %add3A_538 = arith.addi %add3A_534, %add3A_537 : vector<16xi32>
    %gather3A_539 = tpu.vector_load_idx %arg4[%add3A_538] : memref<2048xf32, #tpu.memory_space<vmem>>[vector<16xi32>], vector<16xf32>,
    %max3A_540 = arith.maximumf %gather3A_535, %gather3A_539 : vector<16xf32>
    %swap3A_541 = arith.constant 6 : i32
    %swap3A_542 = arith.index_cast %swap3A_541 : i32 to index
    %swap3A_543 = arith.constant 32 : index
    %swap3A_544 = tpu.vector_load %arg5[%swap3A_542, %swap3A_543] {strides = array<i32>} : memref<16x64xf32, #tpu.memory_space<vmem>>, vector<16xf32>,
    tpu.vector_store %arg5[%swap3A_542, %swap3A_543], %max3A_540 {strides = array<i32>} : memref<16x64xf32, #tpu.memory_space<vmem>>, vector<16xf32>,
    %add3A_545 = arith.constant 48 : i32
    %add3A_546 = vector.broadcast %add3A_545 : i32 to vector<16xi32>
    %add3A_547 = arith.addi %add3A_546, %iota3A : vector<16xi32>
    %mul3A_548 = arith.constant 2 : i32
    %mul3A_549 = vector.broadcast %mul3A_548 : i32 to vector<16xi32>
    %mul3A_550 = arith.muli %add3A_547, %mul3A_549 : vector<16xi32>
    %add3A_551 = arith.constant 768 : i32
    %add3A_552 = vector.broadcast %add3A_551 : i32 to vector<16xi32>
    %add3A_553 = arith.addi %add3A_552, %mul3A_550 : vector<16xi32>
    %gather3A_554 = tpu.vector_load_idx %arg4[%add3A_553] : memref<2048xf32, #tpu.memory_space<vmem>>[vector<16xi32>], vector<16xf32>,
    %add3A_555 = arith.constant 1 : i32
    %add3A_556 = vector.broadcast %add3A_555 : i32 to vector<16xi32>
    %add3A_557 = arith.addi %add3A_553, %add3A_556 : vector<16xi32>
    %gather3A_558 = tpu.vector_load_idx %arg4[%add3A_557] : memref<2048xf32, #tpu.memory_space<vmem>>[vector<16xi32>], vector<16xf32>,
    %max3A_559 = arith.maximumf %gather3A_554, %gather3A_558 : vector<16xf32>
    %swap3A_560 = arith.constant 6 : i32
    %swap3A_561 = arith.index_cast %swap3A_560 : i32 to index
    %swap3A_562 = arith.constant 48 : index
    %swap3A_563 = tpu.vector_load %arg5[%swap3A_561, %swap3A_562] {strides = array<i32>} : memref<16x64xf32, #tpu.memory_space<vmem>>, vector<16xf32>,
    tpu.vector_store %arg5[%swap3A_561, %swap3A_562], %max3A_559 {strides = array<i32>} : memref<16x64xf32, #tpu.memory_space<vmem>>, vector<16xf32>,
    %add3A_564 = arith.constant 0 : i32
    %add3A_565 = vector.broadcast %add3A_564 : i32 to vector<16xi32>
    %add3A_566 = arith.addi %add3A_565, %iota3A : vector<16xi32>
    %mul3A_567 = arith.constant 2 : i32
    %mul3A_568 = vector.broadcast %mul3A_567 : i32 to vector<16xi32>
    %mul3A_569 = arith.muli %add3A_566, %mul3A_568 : vector<16xi32>
    %add3A_570 = arith.constant 896 : i32
    %add3A_571 = vector.broadcast %add3A_570 : i32 to vector<16xi32>
    %add3A_572 = arith.addi %add3A_571, %mul3A_569 : vector<16xi32>
    %gather3A_573 = tpu.vector_load_idx %arg4[%add3A_572] : memref<2048xf32, #tpu.memory_space<vmem>>[vector<16xi32>], vector<16xf32>,
    %add3A_574 = arith.constant 1 : i32
    %add3A_575 = vector.broadcast %add3A_574 : i32 to vector<16xi32>
    %add3A_576 = arith.addi %add3A_572, %add3A_575 : vector<16xi32>
    %gather3A_577 = tpu.vector_load_idx %arg4[%add3A_576] : memref<2048xf32, #tpu.memory_space<vmem>>[vector<16xi32>], vector<16xf32>,
    %max3A_578 = arith.maximumf %gather3A_573, %gather3A_577 : vector<16xf32>
    %swap3A_579 = arith.constant 7 : i32
    %swap3A_580 = arith.index_cast %swap3A_579 : i32 to index
    %swap3A_581 = arith.constant 0 : index
    %swap3A_582 = tpu.vector_load %arg5[%swap3A_580, %swap3A_581] {strides = array<i32>} : memref<16x64xf32, #tpu.memory_space<vmem>>, vector<16xf32>,
    tpu.vector_store %arg5[%swap3A_580, %swap3A_581], %max3A_578 {strides = array<i32>} : memref<16x64xf32, #tpu.memory_space<vmem>>, vector<16xf32>,
    %add3A_583 = arith.constant 16 : i32
    %add3A_584 = vector.broadcast %add3A_583 : i32 to vector<16xi32>
    %add3A_585 = arith.addi %add3A_584, %iota3A : vector<16xi32>
    %mul3A_586 = arith.constant 2 : i32
    %mul3A_587 = vector.broadcast %mul3A_586 : i32 to vector<16xi32>
    %mul3A_588 = arith.muli %add3A_585, %mul3A_587 : vector<16xi32>
    %add3A_589 = arith.constant 896 : i32
    %add3A_590 = vector.broadcast %add3A_589 : i32 to vector<16xi32>
    %add3A_591 = arith.addi %add3A_590, %mul3A_588 : vector<16xi32>
    %gather3A_592 = tpu.vector_load_idx %arg4[%add3A_591] : memref<2048xf32, #tpu.memory_space<vmem>>[vector<16xi32>], vector<16xf32>,
    %add3A_593 = arith.constant 1 : i32
    %add3A_594 = vector.broadcast %add3A_593 : i32 to vector<16xi32>
    %add3A_595 = arith.addi %add3A_591, %add3A_594 : vector<16xi32>
    %gather3A_596 = tpu.vector_load_idx %arg4[%add3A_595] : memref<2048xf32, #tpu.memory_space<vmem>>[vector<16xi32>], vector<16xf32>,
    %max3A_597 = arith.maximumf %gather3A_592, %gather3A_596 : vector<16xf32>
    %swap3A_598 = arith.constant 7 : i32
    %swap3A_599 = arith.index_cast %swap3A_598 : i32 to index
    %swap3A_600 = arith.constant 16 : index
    %swap3A_601 = tpu.vector_load %arg5[%swap3A_599, %swap3A_600] {strides = array<i32>} : memref<16x64xf32, #tpu.memory_space<vmem>>, vector<16xf32>,
    tpu.vector_store %arg5[%swap3A_599, %swap3A_600], %max3A_597 {strides = array<i32>} : memref<16x64xf32, #tpu.memory_space<vmem>>, vector<16xf32>,
    %add3A_602 = arith.constant 32 : i32
    %add3A_603 = vector.broadcast %add3A_602 : i32 to vector<16xi32>
    %add3A_604 = arith.addi %add3A_603, %iota3A : vector<16xi32>
    %mul3A_605 = arith.constant 2 : i32
    %mul3A_606 = vector.broadcast %mul3A_605 : i32 to vector<16xi32>
    %mul3A_607 = arith.muli %add3A_604, %mul3A_606 : vector<16xi32>
    %add3A_608 = arith.constant 896 : i32
    %add3A_609 = vector.broadcast %add3A_608 : i32 to vector<16xi32>
    %add3A_610 = arith.addi %add3A_609, %mul3A_607 : vector<16xi32>
    %gather3A_611 = tpu.vector_load_idx %arg4[%add3A_610] : memref<2048xf32, #tpu.memory_space<vmem>>[vector<16xi32>], vector<16xf32>,
    %add3A_612 = arith.constant 1 : i32
    %add3A_613 = vector.broadcast %add3A_612 : i32 to vector<16xi32>
    %add3A_614 = arith.addi %add3A_610, %add3A_613 : vector<16xi32>
    %gather3A_615 = tpu.vector_load_idx %arg4[%add3A_614] : memref<2048xf32, #tpu.memory_space<vmem>>[vector<16xi32>], vector<16xf32>,
    %max3A_616 = arith.maximumf %gather3A_611, %gather3A_615 : vector<16xf32>
    %swap3A_617 = arith.constant 7 : i32
    %swap3A_618 = arith.index_cast %swap3A_617 : i32 to index
    %swap3A_619 = arith.constant 32 : index
    %swap3A_620 = tpu.vector_load %arg5[%swap3A_618, %swap3A_619] {strides = array<i32>} : memref<16x64xf32, #tpu.memory_space<vmem>>, vector<16xf32>,
    tpu.vector_store %arg5[%swap3A_618, %swap3A_619], %max3A_616 {strides = array<i32>} : memref<16x64xf32, #tpu.memory_space<vmem>>, vector<16xf32>,
    %add3A_621 = arith.constant 48 : i32
    %add3A_622 = vector.broadcast %add3A_621 : i32 to vector<16xi32>
    %add3A_623 = arith.addi %add3A_622, %iota3A : vector<16xi32>
    %mul3A_624 = arith.constant 2 : i32
    %mul3A_625 = vector.broadcast %mul3A_624 : i32 to vector<16xi32>
    %mul3A_626 = arith.muli %add3A_623, %mul3A_625 : vector<16xi32>
    %add3A_627 = arith.constant 896 : i32
    %add3A_628 = vector.broadcast %add3A_627 : i32 to vector<16xi32>
    %add3A_629 = arith.addi %add3A_628, %mul3A_626 : vector<16xi32>
    %gather3A_630 = tpu.vector_load_idx %arg4[%add3A_629] : memref<2048xf32, #tpu.memory_space<vmem>>[vector<16xi32>], vector<16xf32>,
    %add3A_631 = arith.constant 1 : i32
    %add3A_632 = vector.broadcast %add3A_631 : i32 to vector<16xi32>
    %add3A_633 = arith.addi %add3A_629, %add3A_632 : vector<16xi32>
    %gather3A_634 = tpu.vector_load_idx %arg4[%add3A_633] : memref<2048xf32, #tpu.memory_space<vmem>>[vector<16xi32>], vector<16xf32>,
    %max3A_635 = arith.maximumf %gather3A_630, %gather3A_634 : vector<16xf32>
    %swap3A_636 = arith.constant 7 : i32
    %swap3A_637 = arith.index_cast %swap3A_636 : i32 to index
    %swap3A_638 = arith.constant 48 : index
    %swap3A_639 = tpu.vector_load %arg5[%swap3A_637, %swap3A_638] {strides = array<i32>} : memref<16x64xf32, #tpu.memory_space<vmem>>, vector<16xf32>,
    tpu.vector_store %arg5[%swap3A_637, %swap3A_638], %max3A_635 {strides = array<i32>} : memref<16x64xf32, #tpu.memory_space<vmem>>, vector<16xf32>,
    %add3A_640 = arith.constant 0 : i32
    %add3A_641 = vector.broadcast %add3A_640 : i32 to vector<16xi32>
    %add3A_642 = arith.addi %add3A_641, %iota3A : vector<16xi32>
    %mul3A_643 = arith.constant 2 : i32
    %mul3A_644 = vector.broadcast %mul3A_643 : i32 to vector<16xi32>
    %mul3A_645 = arith.muli %add3A_642, %mul3A_644 : vector<16xi32>
    %add3A_646 = arith.constant 1024 : i32
    %add3A_647 = vector.broadcast %add3A_646 : i32 to vector<16xi32>
    %add3A_648 = arith.addi %add3A_647, %mul3A_645 : vector<16xi32>
    %gather3A_649 = tpu.vector_load_idx %arg4[%add3A_648] : memref<2048xf32, #tpu.memory_space<vmem>>[vector<16xi32>], vector<16xf32>,
    %add3A_650 = arith.constant 1 : i32
    %add3A_651 = vector.broadcast %add3A_650 : i32 to vector<16xi32>
    %add3A_652 = arith.addi %add3A_648, %add3A_651 : vector<16xi32>
    %gather3A_653 = tpu.vector_load_idx %arg4[%add3A_652] : memref<2048xf32, #tpu.memory_space<vmem>>[vector<16xi32>], vector<16xf32>,
    %max3A_654 = arith.maximumf %gather3A_649, %gather3A_653 : vector<16xf32>
    %swap3A_655 = arith.constant 8 : i32
    %swap3A_656 = arith.index_cast %swap3A_655 : i32 to index
    %swap3A_657 = arith.constant 0 : index
    %swap3A_658 = tpu.vector_load %arg5[%swap3A_656, %swap3A_657] {strides = array<i32>} : memref<16x64xf32, #tpu.memory_space<vmem>>, vector<16xf32>,
    tpu.vector_store %arg5[%swap3A_656, %swap3A_657], %max3A_654 {strides = array<i32>} : memref<16x64xf32, #tpu.memory_space<vmem>>, vector<16xf32>,
    %add3A_659 = arith.constant 16 : i32
    %add3A_660 = vector.broadcast %add3A_659 : i32 to vector<16xi32>
    %add3A_661 = arith.addi %add3A_660, %iota3A : vector<16xi32>
    %mul3A_662 = arith.constant 2 : i32
    %mul3A_663 = vector.broadcast %mul3A_662 : i32 to vector<16xi32>
    %mul3A_664 = arith.muli %add3A_661, %mul3A_663 : vector<16xi32>
    %add3A_665 = arith.constant 1024 : i32
    %add3A_666 = vector.broadcast %add3A_665 : i32 to vector<16xi32>
    %add3A_667 = arith.addi %add3A_666, %mul3A_664 : vector<16xi32>
    %gather3A_668 = tpu.vector_load_idx %arg4[%add3A_667] : memref<2048xf32, #tpu.memory_space<vmem>>[vector<16xi32>], vector<16xf32>,
    %add3A_669 = arith.constant 1 : i32
    %add3A_670 = vector.broadcast %add3A_669 : i32 to vector<16xi32>
    %add3A_671 = arith.addi %add3A_667, %add3A_670 : vector<16xi32>
    %gather3A_672 = tpu.vector_load_idx %arg4[%add3A_671] : memref<2048xf32, #tpu.memory_space<vmem>>[vector<16xi32>], vector<16xf32>,
    %max3A_673 = arith.maximumf %gather3A_668, %gather3A_672 : vector<16xf32>
    %swap3A_674 = arith.constant 8 : i32
    %swap3A_675 = arith.index_cast %swap3A_674 : i32 to index
    %swap3A_676 = arith.constant 16 : index
    %swap3A_677 = tpu.vector_load %arg5[%swap3A_675, %swap3A_676] {strides = array<i32>} : memref<16x64xf32, #tpu.memory_space<vmem>>, vector<16xf32>,
    tpu.vector_store %arg5[%swap3A_675, %swap3A_676], %max3A_673 {strides = array<i32>} : memref<16x64xf32, #tpu.memory_space<vmem>>, vector<16xf32>,
    %add3A_678 = arith.constant 32 : i32
    %add3A_679 = vector.broadcast %add3A_678 : i32 to vector<16xi32>
    %add3A_680 = arith.addi %add3A_679, %iota3A : vector<16xi32>
    %mul3A_681 = arith.constant 2 : i32
    %mul3A_682 = vector.broadcast %mul3A_681 : i32 to vector<16xi32>
    %mul3A_683 = arith.muli %add3A_680, %mul3A_682 : vector<16xi32>
    %add3A_684 = arith.constant 1024 : i32
    %add3A_685 = vector.broadcast %add3A_684 : i32 to vector<16xi32>
    %add3A_686 = arith.addi %add3A_685, %mul3A_683 : vector<16xi32>
    %gather3A_687 = tpu.vector_load_idx %arg4[%add3A_686] : memref<2048xf32, #tpu.memory_space<vmem>>[vector<16xi32>], vector<16xf32>,
    %add3A_688 = arith.constant 1 : i32
    %add3A_689 = vector.broadcast %add3A_688 : i32 to vector<16xi32>
    %add3A_690 = arith.addi %add3A_686, %add3A_689 : vector<16xi32>
    %gather3A_691 = tpu.vector_load_idx %arg4[%add3A_690] : memref<2048xf32, #tpu.memory_space<vmem>>[vector<16xi32>], vector<16xf32>,
    %max3A_692 = arith.maximumf %gather3A_687, %gather3A_691 : vector<16xf32>
    %swap3A_693 = arith.constant 8 : i32
    %swap3A_694 = arith.index_cast %swap3A_693 : i32 to index
    %swap3A_695 = arith.constant 32 : index
    %swap3A_696 = tpu.vector_load %arg5[%swap3A_694, %swap3A_695] {strides = array<i32>} : memref<16x64xf32, #tpu.memory_space<vmem>>, vector<16xf32>,
    tpu.vector_store %arg5[%swap3A_694, %swap3A_695], %max3A_692 {strides = array<i32>} : memref<16x64xf32, #tpu.memory_space<vmem>>, vector<16xf32>,
    %add3A_697 = arith.constant 48 : i32
    %add3A_698 = vector.broadcast %add3A_697 : i32 to vector<16xi32>
    %add3A_699 = arith.addi %add3A_698, %iota3A : vector<16xi32>
    %mul3A_700 = arith.constant 2 : i32
    %mul3A_701 = vector.broadcast %mul3A_700 : i32 to vector<16xi32>
    %mul3A_702 = arith.muli %add3A_699, %mul3A_701 : vector<16xi32>
    %add3A_703 = arith.constant 1024 : i32
    %add3A_704 = vector.broadcast %add3A_703 : i32 to vector<16xi32>
    %add3A_705 = arith.addi %add3A_704, %mul3A_702 : vector<16xi32>
    %gather3A_706 = tpu.vector_load_idx %arg4[%add3A_705] : memref<2048xf32, #tpu.memory_space<vmem>>[vector<16xi32>], vector<16xf32>,
    %add3A_707 = arith.constant 1 : i32
    %add3A_708 = vector.broadcast %add3A_707 : i32 to vector<16xi32>
    %add3A_709 = arith.addi %add3A_705, %add3A_708 : vector<16xi32>
    %gather3A_710 = tpu.vector_load_idx %arg4[%add3A_709] : memref<2048xf32, #tpu.memory_space<vmem>>[vector<16xi32>], vector<16xf32>,
    %max3A_711 = arith.maximumf %gather3A_706, %gather3A_710 : vector<16xf32>
    %swap3A_712 = arith.constant 8 : i32
    %swap3A_713 = arith.index_cast %swap3A_712 : i32 to index
    %swap3A_714 = arith.constant 48 : index
    %swap3A_715 = tpu.vector_load %arg5[%swap3A_713, %swap3A_714] {strides = array<i32>} : memref<16x64xf32, #tpu.memory_space<vmem>>, vector<16xf32>,
    tpu.vector_store %arg5[%swap3A_713, %swap3A_714], %max3A_711 {strides = array<i32>} : memref<16x64xf32, #tpu.memory_space<vmem>>, vector<16xf32>,
    %add3A_716 = arith.constant 0 : i32
    %add3A_717 = vector.broadcast %add3A_716 : i32 to vector<16xi32>
    %add3A_718 = arith.addi %add3A_717, %iota3A : vector<16xi32>
    %mul3A_719 = arith.constant 2 : i32
    %mul3A_720 = vector.broadcast %mul3A_719 : i32 to vector<16xi32>
    %mul3A_721 = arith.muli %add3A_718, %mul3A_720 : vector<16xi32>
    %add3A_722 = arith.constant 1152 : i32
    %add3A_723 = vector.broadcast %add3A_722 : i32 to vector<16xi32>
    %add3A_724 = arith.addi %add3A_723, %mul3A_721 : vector<16xi32>
    %gather3A_725 = tpu.vector_load_idx %arg4[%add3A_724] : memref<2048xf32, #tpu.memory_space<vmem>>[vector<16xi32>], vector<16xf32>,
    %add3A_726 = arith.constant 1 : i32
    %add3A_727 = vector.broadcast %add3A_726 : i32 to vector<16xi32>
    %add3A_728 = arith.addi %add3A_724, %add3A_727 : vector<16xi32>
    %gather3A_729 = tpu.vector_load_idx %arg4[%add3A_728] : memref<2048xf32, #tpu.memory_space<vmem>>[vector<16xi32>], vector<16xf32>,
    %max3A_730 = arith.maximumf %gather3A_725, %gather3A_729 : vector<16xf32>
    %swap3A_731 = arith.constant 9 : i32
    %swap3A_732 = arith.index_cast %swap3A_731 : i32 to index
    %swap3A_733 = arith.constant 0 : index
    %swap3A_734 = tpu.vector_load %arg5[%swap3A_732, %swap3A_733] {strides = array<i32>} : memref<16x64xf32, #tpu.memory_space<vmem>>, vector<16xf32>,
    tpu.vector_store %arg5[%swap3A_732, %swap3A_733], %max3A_730 {strides = array<i32>} : memref<16x64xf32, #tpu.memory_space<vmem>>, vector<16xf32>,
    %add3A_735 = arith.constant 16 : i32
    %add3A_736 = vector.broadcast %add3A_735 : i32 to vector<16xi32>
    %add3A_737 = arith.addi %add3A_736, %iota3A : vector<16xi32>
    %mul3A_738 = arith.constant 2 : i32
    %mul3A_739 = vector.broadcast %mul3A_738 : i32 to vector<16xi32>
    %mul3A_740 = arith.muli %add3A_737, %mul3A_739 : vector<16xi32>
    %add3A_741 = arith.constant 1152 : i32
    %add3A_742 = vector.broadcast %add3A_741 : i32 to vector<16xi32>
    %add3A_743 = arith.addi %add3A_742, %mul3A_740 : vector<16xi32>
    %gather3A_744 = tpu.vector_load_idx %arg4[%add3A_743] : memref<2048xf32, #tpu.memory_space<vmem>>[vector<16xi32>], vector<16xf32>,
    %add3A_745 = arith.constant 1 : i32
    %add3A_746 = vector.broadcast %add3A_745 : i32 to vector<16xi32>
    %add3A_747 = arith.addi %add3A_743, %add3A_746 : vector<16xi32>
    %gather3A_748 = tpu.vector_load_idx %arg4[%add3A_747] : memref<2048xf32, #tpu.memory_space<vmem>>[vector<16xi32>], vector<16xf32>,
    %max3A_749 = arith.maximumf %gather3A_744, %gather3A_748 : vector<16xf32>
    %swap3A_750 = arith.constant 9 : i32
    %swap3A_751 = arith.index_cast %swap3A_750 : i32 to index
    %swap3A_752 = arith.constant 16 : index
    %swap3A_753 = tpu.vector_load %arg5[%swap3A_751, %swap3A_752] {strides = array<i32>} : memref<16x64xf32, #tpu.memory_space<vmem>>, vector<16xf32>,
    tpu.vector_store %arg5[%swap3A_751, %swap3A_752], %max3A_749 {strides = array<i32>} : memref<16x64xf32, #tpu.memory_space<vmem>>, vector<16xf32>,
    %add3A_754 = arith.constant 32 : i32
    %add3A_755 = vector.broadcast %add3A_754 : i32 to vector<16xi32>
    %add3A_756 = arith.addi %add3A_755, %iota3A : vector<16xi32>
    %mul3A_757 = arith.constant 2 : i32
    %mul3A_758 = vector.broadcast %mul3A_757 : i32 to vector<16xi32>
    %mul3A_759 = arith.muli %add3A_756, %mul3A_758 : vector<16xi32>
    %add3A_760 = arith.constant 1152 : i32
    %add3A_761 = vector.broadcast %add3A_760 : i32 to vector<16xi32>
    %add3A_762 = arith.addi %add3A_761, %mul3A_759 : vector<16xi32>
    %gather3A_763 = tpu.vector_load_idx %arg4[%add3A_762] : memref<2048xf32, #tpu.memory_space<vmem>>[vector<16xi32>], vector<16xf32>,
    %add3A_764 = arith.constant 1 : i32
    %add3A_765 = vector.broadcast %add3A_764 : i32 to vector<16xi32>
    %add3A_766 = arith.addi %add3A_762, %add3A_765 : vector<16xi32>
    %gather3A_767 = tpu.vector_load_idx %arg4[%add3A_766] : memref<2048xf32, #tpu.memory_space<vmem>>[vector<16xi32>], vector<16xf32>,
    %max3A_768 = arith.maximumf %gather3A_763, %gather3A_767 : vector<16xf32>
    %swap3A_769 = arith.constant 9 : i32
    %swap3A_770 = arith.index_cast %swap3A_769 : i32 to index
    %swap3A_771 = arith.constant 32 : index
    %swap3A_772 = tpu.vector_load %arg5[%swap3A_770, %swap3A_771] {strides = array<i32>} : memref<16x64xf32, #tpu.memory_space<vmem>>, vector<16xf32>,
    tpu.vector_store %arg5[%swap3A_770, %swap3A_771], %max3A_768 {strides = array<i32>} : memref<16x64xf32, #tpu.memory_space<vmem>>, vector<16xf32>,
    %add3A_773 = arith.constant 48 : i32
    %add3A_774 = vector.broadcast %add3A_773 : i32 to vector<16xi32>
    %add3A_775 = arith.addi %add3A_774, %iota3A : vector<16xi32>
    %mul3A_776 = arith.constant 2 : i32
    %mul3A_777 = vector.broadcast %mul3A_776 : i32 to vector<16xi32>
    %mul3A_778 = arith.muli %add3A_775, %mul3A_777 : vector<16xi32>
    %add3A_779 = arith.constant 1152 : i32
    %add3A_780 = vector.broadcast %add3A_779 : i32 to vector<16xi32>
    %add3A_781 = arith.addi %add3A_780, %mul3A_778 : vector<16xi32>
    %gather3A_782 = tpu.vector_load_idx %arg4[%add3A_781] : memref<2048xf32, #tpu.memory_space<vmem>>[vector<16xi32>], vector<16xf32>,
    %add3A_783 = arith.constant 1 : i32
    %add3A_784 = vector.broadcast %add3A_783 : i32 to vector<16xi32>
    %add3A_785 = arith.addi %add3A_781, %add3A_784 : vector<16xi32>
    %gather3A_786 = tpu.vector_load_idx %arg4[%add3A_785] : memref<2048xf32, #tpu.memory_space<vmem>>[vector<16xi32>], vector<16xf32>,
    %max3A_787 = arith.maximumf %gather3A_782, %gather3A_786 : vector<16xf32>
    %swap3A_788 = arith.constant 9 : i32
    %swap3A_789 = arith.index_cast %swap3A_788 : i32 to index
    %swap3A_790 = arith.constant 48 : index
    %swap3A_791 = tpu.vector_load %arg5[%swap3A_789, %swap3A_790] {strides = array<i32>} : memref<16x64xf32, #tpu.memory_space<vmem>>, vector<16xf32>,
    tpu.vector_store %arg5[%swap3A_789, %swap3A_790], %max3A_787 {strides = array<i32>} : memref<16x64xf32, #tpu.memory_space<vmem>>, vector<16xf32>,
    %add3A_792 = arith.constant 0 : i32
    %add3A_793 = vector.broadcast %add3A_792 : i32 to vector<16xi32>
    %add3A_794 = arith.addi %add3A_793, %iota3A : vector<16xi32>
    %mul3A_795 = arith.constant 2 : i32
    %mul3A_796 = vector.broadcast %mul3A_795 : i32 to vector<16xi32>
    %mul3A_797 = arith.muli %add3A_794, %mul3A_796 : vector<16xi32>
    %add3A_798 = arith.constant 1280 : i32
    %add3A_799 = vector.broadcast %add3A_798 : i32 to vector<16xi32>
    %add3A_800 = arith.addi %add3A_799, %mul3A_797 : vector<16xi32>
    %gather3A_801 = tpu.vector_load_idx %arg4[%add3A_800] : memref<2048xf32, #tpu.memory_space<vmem>>[vector<16xi32>], vector<16xf32>,
    %add3A_802 = arith.constant 1 : i32
    %add3A_803 = vector.broadcast %add3A_802 : i32 to vector<16xi32>
    %add3A_804 = arith.addi %add3A_800, %add3A_803 : vector<16xi32>
    %gather3A_805 = tpu.vector_load_idx %arg4[%add3A_804] : memref<2048xf32, #tpu.memory_space<vmem>>[vector<16xi32>], vector<16xf32>,
    %max3A_806 = arith.maximumf %gather3A_801, %gather3A_805 : vector<16xf32>
    %swap3A_807 = arith.constant 10 : i32
    %swap3A_808 = arith.index_cast %swap3A_807 : i32 to index
    %swap3A_809 = arith.constant 0 : index
    %swap3A_810 = tpu.vector_load %arg5[%swap3A_808, %swap3A_809] {strides = array<i32>} : memref<16x64xf32, #tpu.memory_space<vmem>>, vector<16xf32>,
    tpu.vector_store %arg5[%swap3A_808, %swap3A_809], %max3A_806 {strides = array<i32>} : memref<16x64xf32, #tpu.memory_space<vmem>>, vector<16xf32>,
    %add3A_811 = arith.constant 16 : i32
    %add3A_812 = vector.broadcast %add3A_811 : i32 to vector<16xi32>
    %add3A_813 = arith.addi %add3A_812, %iota3A : vector<16xi32>
    %mul3A_814 = arith.constant 2 : i32
    %mul3A_815 = vector.broadcast %mul3A_814 : i32 to vector<16xi32>
    %mul3A_816 = arith.muli %add3A_813, %mul3A_815 : vector<16xi32>
    %add3A_817 = arith.constant 1280 : i32
    %add3A_818 = vector.broadcast %add3A_817 : i32 to vector<16xi32>
    %add3A_819 = arith.addi %add3A_818, %mul3A_816 : vector<16xi32>
    %gather3A_820 = tpu.vector_load_idx %arg4[%add3A_819] : memref<2048xf32, #tpu.memory_space<vmem>>[vector<16xi32>], vector<16xf32>,
    %add3A_821 = arith.constant 1 : i32
    %add3A_822 = vector.broadcast %add3A_821 : i32 to vector<16xi32>
    %add3A_823 = arith.addi %add3A_819, %add3A_822 : vector<16xi32>
    %gather3A_824 = tpu.vector_load_idx %arg4[%add3A_823] : memref<2048xf32, #tpu.memory_space<vmem>>[vector<16xi32>], vector<16xf32>,
    %max3A_825 = arith.maximumf %gather3A_820, %gather3A_824 : vector<16xf32>
    %swap3A_826 = arith.constant 10 : i32
    %swap3A_827 = arith.index_cast %swap3A_826 : i32 to index
    %swap3A_828 = arith.constant 16 : index
    %swap3A_829 = tpu.vector_load %arg5[%swap3A_827, %swap3A_828] {strides = array<i32>} : memref<16x64xf32, #tpu.memory_space<vmem>>, vector<16xf32>,
    tpu.vector_store %arg5[%swap3A_827, %swap3A_828], %max3A_825 {strides = array<i32>} : memref<16x64xf32, #tpu.memory_space<vmem>>, vector<16xf32>,
    %add3A_830 = arith.constant 32 : i32
    %add3A_831 = vector.broadcast %add3A_830 : i32 to vector<16xi32>
    %add3A_832 = arith.addi %add3A_831, %iota3A : vector<16xi32>
    %mul3A_833 = arith.constant 2 : i32
    %mul3A_834 = vector.broadcast %mul3A_833 : i32 to vector<16xi32>
    %mul3A_835 = arith.muli %add3A_832, %mul3A_834 : vector<16xi32>
    %add3A_836 = arith.constant 1280 : i32
    %add3A_837 = vector.broadcast %add3A_836 : i32 to vector<16xi32>
    %add3A_838 = arith.addi %add3A_837, %mul3A_835 : vector<16xi32>
    %gather3A_839 = tpu.vector_load_idx %arg4[%add3A_838] : memref<2048xf32, #tpu.memory_space<vmem>>[vector<16xi32>], vector<16xf32>,
    %add3A_840 = arith.constant 1 : i32
    %add3A_841 = vector.broadcast %add3A_840 : i32 to vector<16xi32>
    %add3A_842 = arith.addi %add3A_838, %add3A_841 : vector<16xi32>
    %gather3A_843 = tpu.vector_load_idx %arg4[%add3A_842] : memref<2048xf32, #tpu.memory_space<vmem>>[vector<16xi32>], vector<16xf32>,
    %max3A_844 = arith.maximumf %gather3A_839, %gather3A_843 : vector<16xf32>
    %swap3A_845 = arith.constant 10 : i32
    %swap3A_846 = arith.index_cast %swap3A_845 : i32 to index
    %swap3A_847 = arith.constant 32 : index
    %swap3A_848 = tpu.vector_load %arg5[%swap3A_846, %swap3A_847] {strides = array<i32>} : memref<16x64xf32, #tpu.memory_space<vmem>>, vector<16xf32>,
    tpu.vector_store %arg5[%swap3A_846, %swap3A_847], %max3A_844 {strides = array<i32>} : memref<16x64xf32, #tpu.memory_space<vmem>>, vector<16xf32>,
    %add3A_849 = arith.constant 48 : i32
    %add3A_850 = vector.broadcast %add3A_849 : i32 to vector<16xi32>
    %add3A_851 = arith.addi %add3A_850, %iota3A : vector<16xi32>
    %mul3A_852 = arith.constant 2 : i32
    %mul3A_853 = vector.broadcast %mul3A_852 : i32 to vector<16xi32>
    %mul3A_854 = arith.muli %add3A_851, %mul3A_853 : vector<16xi32>
    %add3A_855 = arith.constant 1280 : i32
    %add3A_856 = vector.broadcast %add3A_855 : i32 to vector<16xi32>
    %add3A_857 = arith.addi %add3A_856, %mul3A_854 : vector<16xi32>
    %gather3A_858 = tpu.vector_load_idx %arg4[%add3A_857] : memref<2048xf32, #tpu.memory_space<vmem>>[vector<16xi32>], vector<16xf32>,
    %add3A_859 = arith.constant 1 : i32
    %add3A_860 = vector.broadcast %add3A_859 : i32 to vector<16xi32>
    %add3A_861 = arith.addi %add3A_857, %add3A_860 : vector<16xi32>
    %gather3A_862 = tpu.vector_load_idx %arg4[%add3A_861] : memref<2048xf32, #tpu.memory_space<vmem>>[vector<16xi32>], vector<16xf32>,
    %max3A_863 = arith.maximumf %gather3A_858, %gather3A_862 : vector<16xf32>
    %swap3A_864 = arith.constant 10 : i32
    %swap3A_865 = arith.index_cast %swap3A_864 : i32 to index
    %swap3A_866 = arith.constant 48 : index
    %swap3A_867 = tpu.vector_load %arg5[%swap3A_865, %swap3A_866] {strides = array<i32>} : memref<16x64xf32, #tpu.memory_space<vmem>>, vector<16xf32>,
    tpu.vector_store %arg5[%swap3A_865, %swap3A_866], %max3A_863 {strides = array<i32>} : memref<16x64xf32, #tpu.memory_space<vmem>>, vector<16xf32>,
    %add3A_868 = arith.constant 0 : i32
    %add3A_869 = vector.broadcast %add3A_868 : i32 to vector<16xi32>
    %add3A_870 = arith.addi %add3A_869, %iota3A : vector<16xi32>
    %mul3A_871 = arith.constant 2 : i32
    %mul3A_872 = vector.broadcast %mul3A_871 : i32 to vector<16xi32>
    %mul3A_873 = arith.muli %add3A_870, %mul3A_872 : vector<16xi32>
    %add3A_874 = arith.constant 1408 : i32
    %add3A_875 = vector.broadcast %add3A_874 : i32 to vector<16xi32>
    %add3A_876 = arith.addi %add3A_875, %mul3A_873 : vector<16xi32>
    %gather3A_877 = tpu.vector_load_idx %arg4[%add3A_876] : memref<2048xf32, #tpu.memory_space<vmem>>[vector<16xi32>], vector<16xf32>,
    %add3A_878 = arith.constant 1 : i32
    %add3A_879 = vector.broadcast %add3A_878 : i32 to vector<16xi32>
    %add3A_880 = arith.addi %add3A_876, %add3A_879 : vector<16xi32>
    %gather3A_881 = tpu.vector_load_idx %arg4[%add3A_880] : memref<2048xf32, #tpu.memory_space<vmem>>[vector<16xi32>], vector<16xf32>,
    %max3A_882 = arith.maximumf %gather3A_877, %gather3A_881 : vector<16xf32>
    %swap3A_883 = arith.constant 11 : i32
    %swap3A_884 = arith.index_cast %swap3A_883 : i32 to index
    %swap3A_885 = arith.constant 0 : index
    %swap3A_886 = tpu.vector_load %arg5[%swap3A_884, %swap3A_885] {strides = array<i32>} : memref<16x64xf32, #tpu.memory_space<vmem>>, vector<16xf32>,
    tpu.vector_store %arg5[%swap3A_884, %swap3A_885], %max3A_882 {strides = array<i32>} : memref<16x64xf32, #tpu.memory_space<vmem>>, vector<16xf32>,
    %add3A_887 = arith.constant 16 : i32
    %add3A_888 = vector.broadcast %add3A_887 : i32 to vector<16xi32>
    %add3A_889 = arith.addi %add3A_888, %iota3A : vector<16xi32>
    %mul3A_890 = arith.constant 2 : i32
    %mul3A_891 = vector.broadcast %mul3A_890 : i32 to vector<16xi32>
    %mul3A_892 = arith.muli %add3A_889, %mul3A_891 : vector<16xi32>
    %add3A_893 = arith.constant 1408 : i32
    %add3A_894 = vector.broadcast %add3A_893 : i32 to vector<16xi32>
    %add3A_895 = arith.addi %add3A_894, %mul3A_892 : vector<16xi32>
    %gather3A_896 = tpu.vector_load_idx %arg4[%add3A_895] : memref<2048xf32, #tpu.memory_space<vmem>>[vector<16xi32>], vector<16xf32>,
    %add3A_897 = arith.constant 1 : i32
    %add3A_898 = vector.broadcast %add3A_897 : i32 to vector<16xi32>
    %add3A_899 = arith.addi %add3A_895, %add3A_898 : vector<16xi32>
    %gather3A_900 = tpu.vector_load_idx %arg4[%add3A_899] : memref<2048xf32, #tpu.memory_space<vmem>>[vector<16xi32>], vector<16xf32>,
    %max3A_901 = arith.maximumf %gather3A_896, %gather3A_900 : vector<16xf32>
    %swap3A_902 = arith.constant 11 : i32
    %swap3A_903 = arith.index_cast %swap3A_902 : i32 to index
    %swap3A_904 = arith.constant 16 : index
    %swap3A_905 = tpu.vector_load %arg5[%swap3A_903, %swap3A_904] {strides = array<i32>} : memref<16x64xf32, #tpu.memory_space<vmem>>, vector<16xf32>,
    tpu.vector_store %arg5[%swap3A_903, %swap3A_904], %max3A_901 {strides = array<i32>} : memref<16x64xf32, #tpu.memory_space<vmem>>, vector<16xf32>,
    %add3A_906 = arith.constant 32 : i32
    %add3A_907 = vector.broadcast %add3A_906 : i32 to vector<16xi32>
    %add3A_908 = arith.addi %add3A_907, %iota3A : vector<16xi32>
    %mul3A_909 = arith.constant 2 : i32
    %mul3A_910 = vector.broadcast %mul3A_909 : i32 to vector<16xi32>
    %mul3A_911 = arith.muli %add3A_908, %mul3A_910 : vector<16xi32>
    %add3A_912 = arith.constant 1408 : i32
    %add3A_913 = vector.broadcast %add3A_912 : i32 to vector<16xi32>
    %add3A_914 = arith.addi %add3A_913, %mul3A_911 : vector<16xi32>
    %gather3A_915 = tpu.vector_load_idx %arg4[%add3A_914] : memref<2048xf32, #tpu.memory_space<vmem>>[vector<16xi32>], vector<16xf32>,
    %add3A_916 = arith.constant 1 : i32
    %add3A_917 = vector.broadcast %add3A_916 : i32 to vector<16xi32>
    %add3A_918 = arith.addi %add3A_914, %add3A_917 : vector<16xi32>
    %gather3A_919 = tpu.vector_load_idx %arg4[%add3A_918] : memref<2048xf32, #tpu.memory_space<vmem>>[vector<16xi32>], vector<16xf32>,
    %max3A_920 = arith.maximumf %gather3A_915, %gather3A_919 : vector<16xf32>
    %swap3A_921 = arith.constant 11 : i32
    %swap3A_922 = arith.index_cast %swap3A_921 : i32 to index
    %swap3A_923 = arith.constant 32 : index
    %swap3A_924 = tpu.vector_load %arg5[%swap3A_922, %swap3A_923] {strides = array<i32>} : memref<16x64xf32, #tpu.memory_space<vmem>>, vector<16xf32>,
    tpu.vector_store %arg5[%swap3A_922, %swap3A_923], %max3A_920 {strides = array<i32>} : memref<16x64xf32, #tpu.memory_space<vmem>>, vector<16xf32>,
    %add3A_925 = arith.constant 48 : i32
    %add3A_926 = vector.broadcast %add3A_925 : i32 to vector<16xi32>
    %add3A_927 = arith.addi %add3A_926, %iota3A : vector<16xi32>
    %mul3A_928 = arith.constant 2 : i32
    %mul3A_929 = vector.broadcast %mul3A_928 : i32 to vector<16xi32>
    %mul3A_930 = arith.muli %add3A_927, %mul3A_929 : vector<16xi32>
    %add3A_931 = arith.constant 1408 : i32
    %add3A_932 = vector.broadcast %add3A_931 : i32 to vector<16xi32>
    %add3A_933 = arith.addi %add3A_932, %mul3A_930 : vector<16xi32>
    %gather3A_934 = tpu.vector_load_idx %arg4[%add3A_933] : memref<2048xf32, #tpu.memory_space<vmem>>[vector<16xi32>], vector<16xf32>,
    %add3A_935 = arith.constant 1 : i32
    %add3A_936 = vector.broadcast %add3A_935 : i32 to vector<16xi32>
    %add3A_937 = arith.addi %add3A_933, %add3A_936 : vector<16xi32>
    %gather3A_938 = tpu.vector_load_idx %arg4[%add3A_937] : memref<2048xf32, #tpu.memory_space<vmem>>[vector<16xi32>], vector<16xf32>,
    %max3A_939 = arith.maximumf %gather3A_934, %gather3A_938 : vector<16xf32>
    %swap3A_940 = arith.constant 11 : i32
    %swap3A_941 = arith.index_cast %swap3A_940 : i32 to index
    %swap3A_942 = arith.constant 48 : index
    %swap3A_943 = tpu.vector_load %arg5[%swap3A_941, %swap3A_942] {strides = array<i32>} : memref<16x64xf32, #tpu.memory_space<vmem>>, vector<16xf32>,
    tpu.vector_store %arg5[%swap3A_941, %swap3A_942], %max3A_939 {strides = array<i32>} : memref<16x64xf32, #tpu.memory_space<vmem>>, vector<16xf32>,
    %add3A_944 = arith.constant 0 : i32
    %add3A_945 = vector.broadcast %add3A_944 : i32 to vector<16xi32>
    %add3A_946 = arith.addi %add3A_945, %iota3A : vector<16xi32>
    %mul3A_947 = arith.constant 2 : i32
    %mul3A_948 = vector.broadcast %mul3A_947 : i32 to vector<16xi32>
    %mul3A_949 = arith.muli %add3A_946, %mul3A_948 : vector<16xi32>
    %add3A_950 = arith.constant 1536 : i32
    %add3A_951 = vector.broadcast %add3A_950 : i32 to vector<16xi32>
    %add3A_952 = arith.addi %add3A_951, %mul3A_949 : vector<16xi32>
    %gather3A_953 = tpu.vector_load_idx %arg4[%add3A_952] : memref<2048xf32, #tpu.memory_space<vmem>>[vector<16xi32>], vector<16xf32>,
    %add3A_954 = arith.constant 1 : i32
    %add3A_955 = vector.broadcast %add3A_954 : i32 to vector<16xi32>
    %add3A_956 = arith.addi %add3A_952, %add3A_955 : vector<16xi32>
    %gather3A_957 = tpu.vector_load_idx %arg4[%add3A_956] : memref<2048xf32, #tpu.memory_space<vmem>>[vector<16xi32>], vector<16xf32>,
    %max3A_958 = arith.maximumf %gather3A_953, %gather3A_957 : vector<16xf32>
    %swap3A_959 = arith.constant 12 : i32
    %swap3A_960 = arith.index_cast %swap3A_959 : i32 to index
    %swap3A_961 = arith.constant 0 : index
    %swap3A_962 = tpu.vector_load %arg5[%swap3A_960, %swap3A_961] {strides = array<i32>} : memref<16x64xf32, #tpu.memory_space<vmem>>, vector<16xf32>,
    tpu.vector_store %arg5[%swap3A_960, %swap3A_961], %max3A_958 {strides = array<i32>} : memref<16x64xf32, #tpu.memory_space<vmem>>, vector<16xf32>,
    %add3A_963 = arith.constant 16 : i32
    %add3A_964 = vector.broadcast %add3A_963 : i32 to vector<16xi32>
    %add3A_965 = arith.addi %add3A_964, %iota3A : vector<16xi32>
    %mul3A_966 = arith.constant 2 : i32
    %mul3A_967 = vector.broadcast %mul3A_966 : i32 to vector<16xi32>
    %mul3A_968 = arith.muli %add3A_965, %mul3A_967 : vector<16xi32>
    %add3A_969 = arith.constant 1536 : i32
    %add3A_970 = vector.broadcast %add3A_969 : i32 to vector<16xi32>
    %add3A_971 = arith.addi %add3A_970, %mul3A_968 : vector<16xi32>
    %gather3A_972 = tpu.vector_load_idx %arg4[%add3A_971] : memref<2048xf32, #tpu.memory_space<vmem>>[vector<16xi32>], vector<16xf32>,
    %add3A_973 = arith.constant 1 : i32
    %add3A_974 = vector.broadcast %add3A_973 : i32 to vector<16xi32>
    %add3A_975 = arith.addi %add3A_971, %add3A_974 : vector<16xi32>
    %gather3A_976 = tpu.vector_load_idx %arg4[%add3A_975] : memref<2048xf32, #tpu.memory_space<vmem>>[vector<16xi32>], vector<16xf32>,
    %max3A_977 = arith.maximumf %gather3A_972, %gather3A_976 : vector<16xf32>
    %swap3A_978 = arith.constant 12 : i32
    %swap3A_979 = arith.index_cast %swap3A_978 : i32 to index
    %swap3A_980 = arith.constant 16 : index
    %swap3A_981 = tpu.vector_load %arg5[%swap3A_979, %swap3A_980] {strides = array<i32>} : memref<16x64xf32, #tpu.memory_space<vmem>>, vector<16xf32>,
    tpu.vector_store %arg5[%swap3A_979, %swap3A_980], %max3A_977 {strides = array<i32>} : memref<16x64xf32, #tpu.memory_space<vmem>>, vector<16xf32>,
    %add3A_982 = arith.constant 32 : i32
    %add3A_983 = vector.broadcast %add3A_982 : i32 to vector<16xi32>
    %add3A_984 = arith.addi %add3A_983, %iota3A : vector<16xi32>
    %mul3A_985 = arith.constant 2 : i32
    %mul3A_986 = vector.broadcast %mul3A_985 : i32 to vector<16xi32>
    %mul3A_987 = arith.muli %add3A_984, %mul3A_986 : vector<16xi32>
    %add3A_988 = arith.constant 1536 : i32
    %add3A_989 = vector.broadcast %add3A_988 : i32 to vector<16xi32>
    %add3A_990 = arith.addi %add3A_989, %mul3A_987 : vector<16xi32>
    %gather3A_991 = tpu.vector_load_idx %arg4[%add3A_990] : memref<2048xf32, #tpu.memory_space<vmem>>[vector<16xi32>], vector<16xf32>,
    %add3A_992 = arith.constant 1 : i32
    %add3A_993 = vector.broadcast %add3A_992 : i32 to vector<16xi32>
    %add3A_994 = arith.addi %add3A_990, %add3A_993 : vector<16xi32>
    %gather3A_995 = tpu.vector_load_idx %arg4[%add3A_994] : memref<2048xf32, #tpu.memory_space<vmem>>[vector<16xi32>], vector<16xf32>,
    %max3A_996 = arith.maximumf %gather3A_991, %gather3A_995 : vector<16xf32>
    %swap3A_997 = arith.constant 12 : i32
    %swap3A_998 = arith.index_cast %swap3A_997 : i32 to index
    %swap3A_999 = arith.constant 32 : index
    %swap3A_1000 = tpu.vector_load %arg5[%swap3A_998, %swap3A_999] {strides = array<i32>} : memref<16x64xf32, #tpu.memory_space<vmem>>, vector<16xf32>,
    tpu.vector_store %arg5[%swap3A_998, %swap3A_999], %max3A_996 {strides = array<i32>} : memref<16x64xf32, #tpu.memory_space<vmem>>, vector<16xf32>,
    %add3A_1001 = arith.constant 48 : i32
    %add3A_1002 = vector.broadcast %add3A_1001 : i32 to vector<16xi32>
    %add3A_1003 = arith.addi %add3A_1002, %iota3A : vector<16xi32>
    %mul3A_1004 = arith.constant 2 : i32
    %mul3A_1005 = vector.broadcast %mul3A_1004 : i32 to vector<16xi32>
    %mul3A_1006 = arith.muli %add3A_1003, %mul3A_1005 : vector<16xi32>
    %add3A_1007 = arith.constant 1536 : i32
    %add3A_1008 = vector.broadcast %add3A_1007 : i32 to vector<16xi32>
    %add3A_1009 = arith.addi %add3A_1008, %mul3A_1006 : vector<16xi32>
    %gather3A_1010 = tpu.vector_load_idx %arg4[%add3A_1009] : memref<2048xf32, #tpu.memory_space<vmem>>[vector<16xi32>], vector<16xf32>,
    %add3A_1011 = arith.constant 1 : i32
    %add3A_1012 = vector.broadcast %add3A_1011 : i32 to vector<16xi32>
    %add3A_1013 = arith.addi %add3A_1009, %add3A_1012 : vector<16xi32>
    %gather3A_1014 = tpu.vector_load_idx %arg4[%add3A_1013] : memref<2048xf32, #tpu.memory_space<vmem>>[vector<16xi32>], vector<16xf32>,
    %max3A_1015 = arith.maximumf %gather3A_1010, %gather3A_1014 : vector<16xf32>
    %swap3A_1016 = arith.constant 12 : i32
    %swap3A_1017 = arith.index_cast %swap3A_1016 : i32 to index
    %swap3A_1018 = arith.constant 48 : index
    %swap3A_1019 = tpu.vector_load %arg5[%swap3A_1017, %swap3A_1018] {strides = array<i32>} : memref<16x64xf32, #tpu.memory_space<vmem>>, vector<16xf32>,
    tpu.vector_store %arg5[%swap3A_1017, %swap3A_1018], %max3A_1015 {strides = array<i32>} : memref<16x64xf32, #tpu.memory_space<vmem>>, vector<16xf32>,
    %add3A_1020 = arith.constant 0 : i32
    %add3A_1021 = vector.broadcast %add3A_1020 : i32 to vector<16xi32>
    %add3A_1022 = arith.addi %add3A_1021, %iota3A : vector<16xi32>
    %mul3A_1023 = arith.constant 2 : i32
    %mul3A_1024 = vector.broadcast %mul3A_1023 : i32 to vector<16xi32>
    %mul3A_1025 = arith.muli %add3A_1022, %mul3A_1024 : vector<16xi32>
    %add3A_1026 = arith.constant 1664 : i32
    %add3A_1027 = vector.broadcast %add3A_1026 : i32 to vector<16xi32>
    %add3A_1028 = arith.addi %add3A_1027, %mul3A_1025 : vector<16xi32>
    %gather3A_1029 = tpu.vector_load_idx %arg4[%add3A_1028] : memref<2048xf32, #tpu.memory_space<vmem>>[vector<16xi32>], vector<16xf32>,
    %add3A_1030 = arith.constant 1 : i32
    %add3A_1031 = vector.broadcast %add3A_1030 : i32 to vector<16xi32>
    %add3A_1032 = arith.addi %add3A_1028, %add3A_1031 : vector<16xi32>
    %gather3A_1033 = tpu.vector_load_idx %arg4[%add3A_1032] : memref<2048xf32, #tpu.memory_space<vmem>>[vector<16xi32>], vector<16xf32>,
    %max3A_1034 = arith.maximumf %gather3A_1029, %gather3A_1033 : vector<16xf32>
    %swap3A_1035 = arith.constant 13 : i32
    %swap3A_1036 = arith.index_cast %swap3A_1035 : i32 to index
    %swap3A_1037 = arith.constant 0 : index
    %swap3A_1038 = tpu.vector_load %arg5[%swap3A_1036, %swap3A_1037] {strides = array<i32>} : memref<16x64xf32, #tpu.memory_space<vmem>>, vector<16xf32>,
    tpu.vector_store %arg5[%swap3A_1036, %swap3A_1037], %max3A_1034 {strides = array<i32>} : memref<16x64xf32, #tpu.memory_space<vmem>>, vector<16xf32>,
    %add3A_1039 = arith.constant 16 : i32
    %add3A_1040 = vector.broadcast %add3A_1039 : i32 to vector<16xi32>
    %add3A_1041 = arith.addi %add3A_1040, %iota3A : vector<16xi32>
    %mul3A_1042 = arith.constant 2 : i32
    %mul3A_1043 = vector.broadcast %mul3A_1042 : i32 to vector<16xi32>
    %mul3A_1044 = arith.muli %add3A_1041, %mul3A_1043 : vector<16xi32>
    %add3A_1045 = arith.constant 1664 : i32
    %add3A_1046 = vector.broadcast %add3A_1045 : i32 to vector<16xi32>
    %add3A_1047 = arith.addi %add3A_1046, %mul3A_1044 : vector<16xi32>
    %gather3A_1048 = tpu.vector_load_idx %arg4[%add3A_1047] : memref<2048xf32, #tpu.memory_space<vmem>>[vector<16xi32>], vector<16xf32>,
    %add3A_1049 = arith.constant 1 : i32
    %add3A_1050 = vector.broadcast %add3A_1049 : i32 to vector<16xi32>
    %add3A_1051 = arith.addi %add3A_1047, %add3A_1050 : vector<16xi32>
    %gather3A_1052 = tpu.vector_load_idx %arg4[%add3A_1051] : memref<2048xf32, #tpu.memory_space<vmem>>[vector<16xi32>], vector<16xf32>,
    %max3A_1053 = arith.maximumf %gather3A_1048, %gather3A_1052 : vector<16xf32>
    %swap3A_1054 = arith.constant 13 : i32
    %swap3A_1055 = arith.index_cast %swap3A_1054 : i32 to index
    %swap3A_1056 = arith.constant 16 : index
    %swap3A_1057 = tpu.vector_load %arg5[%swap3A_1055, %swap3A_1056] {strides = array<i32>} : memref<16x64xf32, #tpu.memory_space<vmem>>, vector<16xf32>,
    tpu.vector_store %arg5[%swap3A_1055, %swap3A_1056], %max3A_1053 {strides = array<i32>} : memref<16x64xf32, #tpu.memory_space<vmem>>, vector<16xf32>,
    %add3A_1058 = arith.constant 32 : i32
    %add3A_1059 = vector.broadcast %add3A_1058 : i32 to vector<16xi32>
    %add3A_1060 = arith.addi %add3A_1059, %iota3A : vector<16xi32>
    %mul3A_1061 = arith.constant 2 : i32
    %mul3A_1062 = vector.broadcast %mul3A_1061 : i32 to vector<16xi32>
    %mul3A_1063 = arith.muli %add3A_1060, %mul3A_1062 : vector<16xi32>
    %add3A_1064 = arith.constant 1664 : i32
    %add3A_1065 = vector.broadcast %add3A_1064 : i32 to vector<16xi32>
    %add3A_1066 = arith.addi %add3A_1065, %mul3A_1063 : vector<16xi32>
    %gather3A_1067 = tpu.vector_load_idx %arg4[%add3A_1066] : memref<2048xf32, #tpu.memory_space<vmem>>[vector<16xi32>], vector<16xf32>,
    %add3A_1068 = arith.constant 1 : i32
    %add3A_1069 = vector.broadcast %add3A_1068 : i32 to vector<16xi32>
    %add3A_1070 = arith.addi %add3A_1066, %add3A_1069 : vector<16xi32>
    %gather3A_1071 = tpu.vector_load_idx %arg4[%add3A_1070] : memref<2048xf32, #tpu.memory_space<vmem>>[vector<16xi32>], vector<16xf32>,
    %max3A_1072 = arith.maximumf %gather3A_1067, %gather3A_1071 : vector<16xf32>
    %swap3A_1073 = arith.constant 13 : i32
    %swap3A_1074 = arith.index_cast %swap3A_1073 : i32 to index
    %swap3A_1075 = arith.constant 32 : index
    %swap3A_1076 = tpu.vector_load %arg5[%swap3A_1074, %swap3A_1075] {strides = array<i32>} : memref<16x64xf32, #tpu.memory_space<vmem>>, vector<16xf32>,
    tpu.vector_store %arg5[%swap3A_1074, %swap3A_1075], %max3A_1072 {strides = array<i32>} : memref<16x64xf32, #tpu.memory_space<vmem>>, vector<16xf32>,
    %add3A_1077 = arith.constant 48 : i32
    %add3A_1078 = vector.broadcast %add3A_1077 : i32 to vector<16xi32>
    %add3A_1079 = arith.addi %add3A_1078, %iota3A : vector<16xi32>
    %mul3A_1080 = arith.constant 2 : i32
    %mul3A_1081 = vector.broadcast %mul3A_1080 : i32 to vector<16xi32>
    %mul3A_1082 = arith.muli %add3A_1079, %mul3A_1081 : vector<16xi32>
    %add3A_1083 = arith.constant 1664 : i32
    %add3A_1084 = vector.broadcast %add3A_1083 : i32 to vector<16xi32>
    %add3A_1085 = arith.addi %add3A_1084, %mul3A_1082 : vector<16xi32>
    %gather3A_1086 = tpu.vector_load_idx %arg4[%add3A_1085] : memref<2048xf32, #tpu.memory_space<vmem>>[vector<16xi32>], vector<16xf32>,
    %add3A_1087 = arith.constant 1 : i32
    %add3A_1088 = vector.broadcast %add3A_1087 : i32 to vector<16xi32>
    %add3A_1089 = arith.addi %add3A_1085, %add3A_1088 : vector<16xi32>
    %gather3A_1090 = tpu.vector_load_idx %arg4[%add3A_1089] : memref<2048xf32, #tpu.memory_space<vmem>>[vector<16xi32>], vector<16xf32>,
    %max3A_1091 = arith.maximumf %gather3A_1086, %gather3A_1090 : vector<16xf32>
    %swap3A_1092 = arith.constant 13 : i32
    %swap3A_1093 = arith.index_cast %swap3A_1092 : i32 to index
    %swap3A_1094 = arith.constant 48 : index
    %swap3A_1095 = tpu.vector_load %arg5[%swap3A_1093, %swap3A_1094] {strides = array<i32>} : memref<16x64xf32, #tpu.memory_space<vmem>>, vector<16xf32>,
    tpu.vector_store %arg5[%swap3A_1093, %swap3A_1094], %max3A_1091 {strides = array<i32>} : memref<16x64xf32, #tpu.memory_space<vmem>>, vector<16xf32>,
    %add3A_1096 = arith.constant 0 : i32
    %add3A_1097 = vector.broadcast %add3A_1096 : i32 to vector<16xi32>
    %add3A_1098 = arith.addi %add3A_1097, %iota3A : vector<16xi32>
    %mul3A_1099 = arith.constant 2 : i32
    %mul3A_1100 = vector.broadcast %mul3A_1099 : i32 to vector<16xi32>
    %mul3A_1101 = arith.muli %add3A_1098, %mul3A_1100 : vector<16xi32>
    %add3A_1102 = arith.constant 1792 : i32
    %add3A_1103 = vector.broadcast %add3A_1102 : i32 to vector<16xi32>
    %add3A_1104 = arith.addi %add3A_1103, %mul3A_1101 : vector<16xi32>
    %gather3A_1105 = tpu.vector_load_idx %arg4[%add3A_1104] : memref<2048xf32, #tpu.memory_space<vmem>>[vector<16xi32>], vector<16xf32>,
    %add3A_1106 = arith.constant 1 : i32
    %add3A_1107 = vector.broadcast %add3A_1106 : i32 to vector<16xi32>
    %add3A_1108 = arith.addi %add3A_1104, %add3A_1107 : vector<16xi32>
    %gather3A_1109 = tpu.vector_load_idx %arg4[%add3A_1108] : memref<2048xf32, #tpu.memory_space<vmem>>[vector<16xi32>], vector<16xf32>,
    %max3A_1110 = arith.maximumf %gather3A_1105, %gather3A_1109 : vector<16xf32>
    %swap3A_1111 = arith.constant 14 : i32
    %swap3A_1112 = arith.index_cast %swap3A_1111 : i32 to index
    %swap3A_1113 = arith.constant 0 : index
    %swap3A_1114 = tpu.vector_load %arg5[%swap3A_1112, %swap3A_1113] {strides = array<i32>} : memref<16x64xf32, #tpu.memory_space<vmem>>, vector<16xf32>,
    tpu.vector_store %arg5[%swap3A_1112, %swap3A_1113], %max3A_1110 {strides = array<i32>} : memref<16x64xf32, #tpu.memory_space<vmem>>, vector<16xf32>,
    %add3A_1115 = arith.constant 16 : i32
    %add3A_1116 = vector.broadcast %add3A_1115 : i32 to vector<16xi32>
    %add3A_1117 = arith.addi %add3A_1116, %iota3A : vector<16xi32>
    %mul3A_1118 = arith.constant 2 : i32
    %mul3A_1119 = vector.broadcast %mul3A_1118 : i32 to vector<16xi32>
    %mul3A_1120 = arith.muli %add3A_1117, %mul3A_1119 : vector<16xi32>
    %add3A_1121 = arith.constant 1792 : i32
    %add3A_1122 = vector.broadcast %add3A_1121 : i32 to vector<16xi32>
    %add3A_1123 = arith.addi %add3A_1122, %mul3A_1120 : vector<16xi32>
    %gather3A_1124 = tpu.vector_load_idx %arg4[%add3A_1123] : memref<2048xf32, #tpu.memory_space<vmem>>[vector<16xi32>], vector<16xf32>,
    %add3A_1125 = arith.constant 1 : i32
    %add3A_1126 = vector.broadcast %add3A_1125 : i32 to vector<16xi32>
    %add3A_1127 = arith.addi %add3A_1123, %add3A_1126 : vector<16xi32>
    %gather3A_1128 = tpu.vector_load_idx %arg4[%add3A_1127] : memref<2048xf32, #tpu.memory_space<vmem>>[vector<16xi32>], vector<16xf32>,
    %max3A_1129 = arith.maximumf %gather3A_1124, %gather3A_1128 : vector<16xf32>
    %swap3A_1130 = arith.constant 14 : i32
    %swap3A_1131 = arith.index_cast %swap3A_1130 : i32 to index
    %swap3A_1132 = arith.constant 16 : index
    %swap3A_1133 = tpu.vector_load %arg5[%swap3A_1131, %swap3A_1132] {strides = array<i32>} : memref<16x64xf32, #tpu.memory_space<vmem>>, vector<16xf32>,
    tpu.vector_store %arg5[%swap3A_1131, %swap3A_1132], %max3A_1129 {strides = array<i32>} : memref<16x64xf32, #tpu.memory_space<vmem>>, vector<16xf32>,
    %add3A_1134 = arith.constant 32 : i32
    %add3A_1135 = vector.broadcast %add3A_1134 : i32 to vector<16xi32>
    %add3A_1136 = arith.addi %add3A_1135, %iota3A : vector<16xi32>
    %mul3A_1137 = arith.constant 2 : i32
    %mul3A_1138 = vector.broadcast %mul3A_1137 : i32 to vector<16xi32>
    %mul3A_1139 = arith.muli %add3A_1136, %mul3A_1138 : vector<16xi32>
    %add3A_1140 = arith.constant 1792 : i32
    %add3A_1141 = vector.broadcast %add3A_1140 : i32 to vector<16xi32>
    %add3A_1142 = arith.addi %add3A_1141, %mul3A_1139 : vector<16xi32>
    %gather3A_1143 = tpu.vector_load_idx %arg4[%add3A_1142] : memref<2048xf32, #tpu.memory_space<vmem>>[vector<16xi32>], vector<16xf32>,
    %add3A_1144 = arith.constant 1 : i32
    %add3A_1145 = vector.broadcast %add3A_1144 : i32 to vector<16xi32>
    %add3A_1146 = arith.addi %add3A_1142, %add3A_1145 : vector<16xi32>
    %gather3A_1147 = tpu.vector_load_idx %arg4[%add3A_1146] : memref<2048xf32, #tpu.memory_space<vmem>>[vector<16xi32>], vector<16xf32>,
    %max3A_1148 = arith.maximumf %gather3A_1143, %gather3A_1147 : vector<16xf32>
    %swap3A_1149 = arith.constant 14 : i32
    %swap3A_1150 = arith.index_cast %swap3A_1149 : i32 to index
    %swap3A_1151 = arith.constant 32 : index
    %swap3A_1152 = tpu.vector_load %arg5[%swap3A_1150, %swap3A_1151] {strides = array<i32>} : memref<16x64xf32, #tpu.memory_space<vmem>>, vector<16xf32>,
    tpu.vector_store %arg5[%swap3A_1150, %swap3A_1151], %max3A_1148 {strides = array<i32>} : memref<16x64xf32, #tpu.memory_space<vmem>>, vector<16xf32>,
    %add3A_1153 = arith.constant 48 : i32
    %add3A_1154 = vector.broadcast %add3A_1153 : i32 to vector<16xi32>
    %add3A_1155 = arith.addi %add3A_1154, %iota3A : vector<16xi32>
    %mul3A_1156 = arith.constant 2 : i32
    %mul3A_1157 = vector.broadcast %mul3A_1156 : i32 to vector<16xi32>
    %mul3A_1158 = arith.muli %add3A_1155, %mul3A_1157 : vector<16xi32>
    %add3A_1159 = arith.constant 1792 : i32
    %add3A_1160 = vector.broadcast %add3A_1159 : i32 to vector<16xi32>
    %add3A_1161 = arith.addi %add3A_1160, %mul3A_1158 : vector<16xi32>
    %gather3A_1162 = tpu.vector_load_idx %arg4[%add3A_1161] : memref<2048xf32, #tpu.memory_space<vmem>>[vector<16xi32>], vector<16xf32>,
    %add3A_1163 = arith.constant 1 : i32
    %add3A_1164 = vector.broadcast %add3A_1163 : i32 to vector<16xi32>
    %add3A_1165 = arith.addi %add3A_1161, %add3A_1164 : vector<16xi32>
    %gather3A_1166 = tpu.vector_load_idx %arg4[%add3A_1165] : memref<2048xf32, #tpu.memory_space<vmem>>[vector<16xi32>], vector<16xf32>,
    %max3A_1167 = arith.maximumf %gather3A_1162, %gather3A_1166 : vector<16xf32>
    %swap3A_1168 = arith.constant 14 : i32
    %swap3A_1169 = arith.index_cast %swap3A_1168 : i32 to index
    %swap3A_1170 = arith.constant 48 : index
    %swap3A_1171 = tpu.vector_load %arg5[%swap3A_1169, %swap3A_1170] {strides = array<i32>} : memref<16x64xf32, #tpu.memory_space<vmem>>, vector<16xf32>,
    tpu.vector_store %arg5[%swap3A_1169, %swap3A_1170], %max3A_1167 {strides = array<i32>} : memref<16x64xf32, #tpu.memory_space<vmem>>, vector<16xf32>,
    %add3A_1172 = arith.constant 0 : i32
    %add3A_1173 = vector.broadcast %add3A_1172 : i32 to vector<16xi32>
    %add3A_1174 = arith.addi %add3A_1173, %iota3A : vector<16xi32>
    %mul3A_1175 = arith.constant 2 : i32
    %mul3A_1176 = vector.broadcast %mul3A_1175 : i32 to vector<16xi32>
    %mul3A_1177 = arith.muli %add3A_1174, %mul3A_1176 : vector<16xi32>
    %add3A_1178 = arith.constant 1920 : i32
    %add3A_1179 = vector.broadcast %add3A_1178 : i32 to vector<16xi32>
    %add3A_1180 = arith.addi %add3A_1179, %mul3A_1177 : vector<16xi32>
    %gather3A_1181 = tpu.vector_load_idx %arg4[%add3A_1180] : memref<2048xf32, #tpu.memory_space<vmem>>[vector<16xi32>], vector<16xf32>,
    %add3A_1182 = arith.constant 1 : i32
    %add3A_1183 = vector.broadcast %add3A_1182 : i32 to vector<16xi32>
    %add3A_1184 = arith.addi %add3A_1180, %add3A_1183 : vector<16xi32>
    %gather3A_1185 = tpu.vector_load_idx %arg4[%add3A_1184] : memref<2048xf32, #tpu.memory_space<vmem>>[vector<16xi32>], vector<16xf32>,
    %max3A_1186 = arith.maximumf %gather3A_1181, %gather3A_1185 : vector<16xf32>
    %swap3A_1187 = arith.constant 15 : i32
    %swap3A_1188 = arith.index_cast %swap3A_1187 : i32 to index
    %swap3A_1189 = arith.constant 0 : index
    %swap3A_1190 = tpu.vector_load %arg5[%swap3A_1188, %swap3A_1189] {strides = array<i32>} : memref<16x64xf32, #tpu.memory_space<vmem>>, vector<16xf32>,
    tpu.vector_store %arg5[%swap3A_1188, %swap3A_1189], %max3A_1186 {strides = array<i32>} : memref<16x64xf32, #tpu.memory_space<vmem>>, vector<16xf32>,
    %add3A_1191 = arith.constant 16 : i32
    %add3A_1192 = vector.broadcast %add3A_1191 : i32 to vector<16xi32>
    %add3A_1193 = arith.addi %add3A_1192, %iota3A : vector<16xi32>
    %mul3A_1194 = arith.constant 2 : i32
    %mul3A_1195 = vector.broadcast %mul3A_1194 : i32 to vector<16xi32>
    %mul3A_1196 = arith.muli %add3A_1193, %mul3A_1195 : vector<16xi32>
    %add3A_1197 = arith.constant 1920 : i32
    %add3A_1198 = vector.broadcast %add3A_1197 : i32 to vector<16xi32>
    %add3A_1199 = arith.addi %add3A_1198, %mul3A_1196 : vector<16xi32>
    %gather3A_1200 = tpu.vector_load_idx %arg4[%add3A_1199] : memref<2048xf32, #tpu.memory_space<vmem>>[vector<16xi32>], vector<16xf32>,
    %add3A_1201 = arith.constant 1 : i32
    %add3A_1202 = vector.broadcast %add3A_1201 : i32 to vector<16xi32>
    %add3A_1203 = arith.addi %add3A_1199, %add3A_1202 : vector<16xi32>
    %gather3A_1204 = tpu.vector_load_idx %arg4[%add3A_1203] : memref<2048xf32, #tpu.memory_space<vmem>>[vector<16xi32>], vector<16xf32>,
    %max3A_1205 = arith.maximumf %gather3A_1200, %gather3A_1204 : vector<16xf32>
    %swap3A_1206 = arith.constant 15 : i32
    %swap3A_1207 = arith.index_cast %swap3A_1206 : i32 to index
    %swap3A_1208 = arith.constant 16 : index
    %swap3A_1209 = tpu.vector_load %arg5[%swap3A_1207, %swap3A_1208] {strides = array<i32>} : memref<16x64xf32, #tpu.memory_space<vmem>>, vector<16xf32>,
    tpu.vector_store %arg5[%swap3A_1207, %swap3A_1208], %max3A_1205 {strides = array<i32>} : memref<16x64xf32, #tpu.memory_space<vmem>>, vector<16xf32>,
    %add3A_1210 = arith.constant 32 : i32
    %add3A_1211 = vector.broadcast %add3A_1210 : i32 to vector<16xi32>
    %add3A_1212 = arith.addi %add3A_1211, %iota3A : vector<16xi32>
    %mul3A_1213 = arith.constant 2 : i32
    %mul3A_1214 = vector.broadcast %mul3A_1213 : i32 to vector<16xi32>
    %mul3A_1215 = arith.muli %add3A_1212, %mul3A_1214 : vector<16xi32>
    %add3A_1216 = arith.constant 1920 : i32
    %add3A_1217 = vector.broadcast %add3A_1216 : i32 to vector<16xi32>
    %add3A_1218 = arith.addi %add3A_1217, %mul3A_1215 : vector<16xi32>
    %gather3A_1219 = tpu.vector_load_idx %arg4[%add3A_1218] : memref<2048xf32, #tpu.memory_space<vmem>>[vector<16xi32>], vector<16xf32>,
    %add3A_1220 = arith.constant 1 : i32
    %add3A_1221 = vector.broadcast %add3A_1220 : i32 to vector<16xi32>
    %add3A_1222 = arith.addi %add3A_1218, %add3A_1221 : vector<16xi32>
    %gather3A_1223 = tpu.vector_load_idx %arg4[%add3A_1222] : memref<2048xf32, #tpu.memory_space<vmem>>[vector<16xi32>], vector<16xf32>,
    %max3A_1224 = arith.maximumf %gather3A_1219, %gather3A_1223 : vector<16xf32>
    %swap3A_1225 = arith.constant 15 : i32
    %swap3A_1226 = arith.index_cast %swap3A_1225 : i32 to index
    %swap3A_1227 = arith.constant 32 : index
    %swap3A_1228 = tpu.vector_load %arg5[%swap3A_1226, %swap3A_1227] {strides = array<i32>} : memref<16x64xf32, #tpu.memory_space<vmem>>, vector<16xf32>,
    tpu.vector_store %arg5[%swap3A_1226, %swap3A_1227], %max3A_1224 {strides = array<i32>} : memref<16x64xf32, #tpu.memory_space<vmem>>, vector<16xf32>,
    %add3A_1229 = arith.constant 48 : i32
    %add3A_1230 = vector.broadcast %add3A_1229 : i32 to vector<16xi32>
    %add3A_1231 = arith.addi %add3A_1230, %iota3A : vector<16xi32>
    %mul3A_1232 = arith.constant 2 : i32
    %mul3A_1233 = vector.broadcast %mul3A_1232 : i32 to vector<16xi32>
    %mul3A_1234 = arith.muli %add3A_1231, %mul3A_1233 : vector<16xi32>
    %add3A_1235 = arith.constant 1920 : i32
    %add3A_1236 = vector.broadcast %add3A_1235 : i32 to vector<16xi32>
    %add3A_1237 = arith.addi %add3A_1236, %mul3A_1234 : vector<16xi32>
    %gather3A_1238 = tpu.vector_load_idx %arg4[%add3A_1237] : memref<2048xf32, #tpu.memory_space<vmem>>[vector<16xi32>], vector<16xf32>,
    %add3A_1239 = arith.constant 1 : i32
    %add3A_1240 = vector.broadcast %add3A_1239 : i32 to vector<16xi32>
    %add3A_1241 = arith.addi %add3A_1237, %add3A_1240 : vector<16xi32>
    %gather3A_1242 = tpu.vector_load_idx %arg4[%add3A_1241] : memref<2048xf32, #tpu.memory_space<vmem>>[vector<16xi32>], vector<16xf32>,
    %max3A_1243 = arith.maximumf %gather3A_1238, %gather3A_1242 : vector<16xf32>
    %swap3A_1244 = arith.constant 15 : i32
    %swap3A_1245 = arith.index_cast %swap3A_1244 : i32 to index
    %swap3A_1246 = arith.constant 48 : index
    %swap3A_1247 = tpu.vector_load %arg5[%swap3A_1245, %swap3A_1246] {strides = array<i32>} : memref<16x64xf32, #tpu.memory_space<vmem>>, vector<16xf32>,
    tpu.vector_store %arg5[%swap3A_1245, %swap3A_1246], %max3A_1243 {strides = array<i32>} : memref<16x64xf32, #tpu.memory_space<vmem>>, vector<16xf32>,
    "tpu.region"() ({
      %run_scoped3A = tpu.sem_alloc : memref<!tpu.dma_semaphore, #tpu.memory_space<semaphore_mem>>
      %dma_start3A = arith.constant 0 : i32
      %dma_start3A_1248 = tpu.memref_slice %arg3[%mul3A_2, %dma_start3A] : memref<512x64xf32, #tpu.memory_space<hbm>> -> memref<16x64xf32, #tpu.memory_space<hbm>>
      %dma_start3A_1249 = arith.constant 0 : i32
      %dma_start3A_1250 = tpu.memref_slice %arg3[%mul3A_2, %dma_start3A_1249] : memref<512x64xf32, #tpu.memory_space<hbm>> -> memref<16x64xf32, #tpu.memory_space<hbm>>
      tpu.enqueue_dma source(%arg5 : memref<16x64xf32, #tpu.memory_space<vmem>>) target(%dma_start3A_1250 : memref<16x64xf32, #tpu.memory_space<hbm>>) target_semaphore(%run_scoped3A : memref<!tpu.dma_semaphore, #tpu.memory_space<semaphore_mem>>)
      %dma_wait3A = arith.constant 0 : i32
      %dma_wait3A_1251 = tpu.memref_slice %arg3[%mul3A_2, %dma_wait3A] : memref<512x64xf32, #tpu.memory_space<hbm>> -> memref<16x64xf32, #tpu.memory_space<hbm>>
      %dma_wait3A_1252 = arith.constant 0 : i32
      %dma_wait3A_1253 = tpu.memref_slice %arg3[%mul3A_2, %dma_wait3A_1252] : memref<512x64xf32, #tpu.memory_space<hbm>> -> memref<16x64xf32, #tpu.memory_space<hbm>>
      tpu.wait_dma2 semaphore(%run_scoped3A : memref<!tpu.dma_semaphore, #tpu.memory_space<semaphore_mem>>) src(%arg5 : memref<16x64xf32, #tpu.memory_space<vmem>>) dst(%dma_wait3A_1253 : memref<16x64xf32, #tpu.memory_space<hbm>>)
      tpu.yield
    }) : () -> ()
    return
  }
}

#map = affine_map<(d0, d1) -> (0, 0)>
#map1 = affine_map<(d0, d1) -> (0)>
module attributes {stable_mosaic.version = 14 : i64} {
  func.func @_gather(%arg0: i32, %arg1: i32, %arg2: memref<262x128xf32, #tpu.memory_space<hbm>>, %arg3: memref<512x64xf32, #tpu.memory_space<hbm>>, %arg4: memref<819200xi32, #tpu.memory_space<hbm>>, %arg5: memref<819200x128xf32, #tpu.memory_space<hbm>>, %arg6: memref<819200x64xf32, #tpu.memory_space<hbm>>, %arg7: memref<25600xi32, #tpu.memory_space<vmem>>, %arg8: memref<128x128xf32, #tpu.memory_space<vmem>>, %arg9: memref<128x64xf32, #tpu.memory_space<vmem>>, %arg10: memref<!tpu.dma_semaphore, #tpu.memory_space<semaphore_mem>>, %arg11: memref<!tpu.dma_semaphore, #tpu.memory_space<semaphore_mem>>) attributes {dimension_semantics = [#tpu.dimension_semantics<core_parallel>, #tpu.dimension_semantics<subcore_parallel>], iteration_bounds = array<i64: 2, 16>, scalar_prefetch = 0 : i64, scratch_operands = 5 : i64, tpu.core_type = #tpu.core_type<sc_vector_subcore>, window_params = [{transform_indices = #map}, {transform_indices = #map}, {transform_indices = #map1}, {transform_indices = #map}, {transform_indices = #map}]} {
    %mul3A = arith.constant 2 : i32
    %mul3A_0 = arith.muli %arg1, %mul3A : i32
    %add3A = arith.addi %mul3A_0, %arg0 : i32
    %mul3A_1 = arith.constant 25600 : i32
    %mul3A_2 = arith.muli %add3A, %mul3A_1 : i32
    "tpu.region"() ({
      %run_scoped3A = tpu.sem_alloc : memref<!tpu.dma_semaphore, #tpu.memory_space<semaphore_mem>>
      %dma_start3A = tpu.memref_slice %arg4[%mul3A_2] : memref<819200xi32, #tpu.memory_space<hbm>> -> memref<25600xi32, #tpu.memory_space<hbm>>
      %dma_start3A_8 = tpu.memref_slice %arg4[%mul3A_2] : memref<819200xi32, #tpu.memory_space<hbm>> -> memref<25600xi32, #tpu.memory_space<hbm>>
      tpu.enqueue_dma source(%dma_start3A_8 : memref<25600xi32, #tpu.memory_space<hbm>>) target(%arg7 : memref<25600xi32, #tpu.memory_space<vmem>>) target_semaphore(%run_scoped3A : memref<!tpu.dma_semaphore, #tpu.memory_space<semaphore_mem>>)
      %dma_wait3A = tpu.memref_slice %arg4[%mul3A_2] : memref<819200xi32, #tpu.memory_space<hbm>> -> memref<25600xi32, #tpu.memory_space<hbm>>
      %dma_wait3A_9 = tpu.memref_slice %arg4[%mul3A_2] : memref<819200xi32, #tpu.memory_space<hbm>> -> memref<25600xi32, #tpu.memory_space<hbm>>
      tpu.wait_dma2 semaphore(%run_scoped3A : memref<!tpu.dma_semaphore, #tpu.memory_space<semaphore_mem>>) src(%dma_wait3A_9 : memref<25600xi32, #tpu.memory_space<hbm>>) dst(%arg7 : memref<25600xi32, #tpu.memory_space<vmem>>)
      tpu.yield
    }) : () -> ()
    %scan3A = arith.constant 0 : i32
    %scan3A_3 = arith.constant 0 : i32
    %scan3A_4 = arith.constant 200 : i32
    %scan3A_5 = arith.addi %scan3A_3, %scan3A_4 : i32
    %scan3A_6 = arith.constant 1 : i32
    scf.for %scan3A_8 = %scan3A_3 to %scan3A_5 step %scan3A_6  : i32 {
      %mul3A_9 = arith.constant 128 : i32
      %mul3A_10 = arith.muli %scan3A_8, %mul3A_9 : i32
      %add3A_11 = arith.addi %mul3A_2, %mul3A_10 : i32
      %mul3A_12 = arith.constant 128 : i32
      %mul3A_13 = arith.muli %scan3A_8, %mul3A_12 : i32
      %dma_start3A = tpu.memref_slice %arg7[%mul3A_13] : memref<25600xi32, #tpu.memory_space<vmem>> -> memref<128xi32, #tpu.memory_space<vmem>>
      %dma_start3A_14 = arith.constant 0 : i32
      %dma_start3A_15 = arith.constant 0 : i32
      %dma_start3A_16 = tpu.memref_slice %arg2[%dma_start3A_14, %dma_start3A_15] : memref<262x128xf32, #tpu.memory_space<hbm>> -> memref<262x128xf32, #tpu.memory_space<hbm>>
      tpu.enqueue_indirect_dma source(%dma_start3A_16 : memref<262x128xf32, #tpu.memory_space<hbm>>) target(%arg8 : memref<128x128xf32, #tpu.memory_space<vmem>>) offsets(%dma_start3A : memref<128xi32, #tpu.memory_space<vmem>>) semaphore(%arg10 : memref<!tpu.dma_semaphore, #tpu.memory_space<semaphore_mem>>)
      %dma_start3A_17 = tpu.memref_slice %arg7[%mul3A_13] : memref<25600xi32, #tpu.memory_space<vmem>> -> memref<128xi32, #tpu.memory_space<vmem>>
      %dma_start3A_18 = arith.constant 0 : i32
      %dma_start3A_19 = arith.constant 0 : i32
      %dma_start3A_20 = tpu.memref_slice %arg3[%dma_start3A_18, %dma_start3A_19] : memref<512x64xf32, #tpu.memory_space<hbm>> -> memref<512x64xf32, #tpu.memory_space<hbm>>
      tpu.enqueue_indirect_dma source(%dma_start3A_20 : memref<512x64xf32, #tpu.memory_space<hbm>>) target(%arg9 : memref<128x64xf32, #tpu.memory_space<vmem>>) offsets(%dma_start3A_17 : memref<128xi32, #tpu.memory_space<vmem>>) semaphore(%arg11 : memref<!tpu.dma_semaphore, #tpu.memory_space<semaphore_mem>>)
      %dma_wait3A = tpu.memref_slice %arg7[%mul3A_13] : memref<25600xi32, #tpu.memory_space<vmem>> -> memref<128xi32, #tpu.memory_space<vmem>>
      %dma_wait3A_21 = arith.constant 0 : i32
      %dma_wait3A_22 = arith.constant 0 : i32
      %dma_wait3A_23 = tpu.memref_slice %arg2[%dma_wait3A_21, %dma_wait3A_22] : memref<262x128xf32, #tpu.memory_space<hbm>> -> memref<262x128xf32, #tpu.memory_space<hbm>>
      tpu.wait_indirect_dma semaphore(%arg10 : memref<!tpu.dma_semaphore, #tpu.memory_space<semaphore_mem>>) src(%dma_wait3A_23 : memref<262x128xf32, #tpu.memory_space<hbm>>) dst(%arg8 : memref<128x128xf32, #tpu.memory_space<vmem>>)
      %dma_wait3A_24 = tpu.memref_slice %arg7[%mul3A_13] : memref<25600xi32, #tpu.memory_space<vmem>> -> memref<128xi32, #tpu.memory_space<vmem>>
      %dma_wait3A_25 = arith.constant 0 : i32
      %dma_wait3A_26 = arith.constant 0 : i32
      %dma_wait3A_27 = tpu.memref_slice %arg3[%dma_wait3A_25, %dma_wait3A_26] : memref<512x64xf32, #tpu.memory_space<hbm>> -> memref<512x64xf32, #tpu.memory_space<hbm>>
      tpu.wait_indirect_dma semaphore(%arg11 : memref<!tpu.dma_semaphore, #tpu.memory_space<semaphore_mem>>) src(%dma_wait3A_27 : memref<512x64xf32, #tpu.memory_space<hbm>>) dst(%arg9 : memref<128x64xf32, #tpu.memory_space<vmem>>)
      "tpu.region"() ({
        %run_scoped3A = tpu.sem_alloc : memref<!tpu.dma_semaphore, #tpu.memory_space<semaphore_mem>>
        %dma_start3A_28 = arith.constant 0 : i32
        %dma_start3A_29 = tpu.memref_slice %arg5[%add3A_11, %dma_start3A_28] : memref<819200x128xf32, #tpu.memory_space<hbm>> -> memref<128x128xf32, #tpu.memory_space<hbm>>
        %dma_start3A_30 = arith.constant 0 : i32
        %dma_start3A_31 = tpu.memref_slice %arg5[%add3A_11, %dma_start3A_30] : memref<819200x128xf32, #tpu.memory_space<hbm>> -> memref<128x128xf32, #tpu.memory_space<hbm>>
        tpu.enqueue_dma source(%arg8 : memref<128x128xf32, #tpu.memory_space<vmem>>) target(%dma_start3A_31 : memref<128x128xf32, #tpu.memory_space<hbm>>) target_semaphore(%run_scoped3A : memref<!tpu.dma_semaphore, #tpu.memory_space<semaphore_mem>>)
        %dma_wait3A_32 = arith.constant 0 : i32
        %dma_wait3A_33 = tpu.memref_slice %arg5[%add3A_11, %dma_wait3A_32] : memref<819200x128xf32, #tpu.memory_space<hbm>> -> memref<128x128xf32, #tpu.memory_space<hbm>>
        %dma_wait3A_34 = arith.constant 0 : i32
        %dma_wait3A_35 = tpu.memref_slice %arg5[%add3A_11, %dma_wait3A_34] : memref<819200x128xf32, #tpu.memory_space<hbm>> -> memref<128x128xf32, #tpu.memory_space<hbm>>
        tpu.wait_dma2 semaphore(%run_scoped3A : memref<!tpu.dma_semaphore, #tpu.memory_space<semaphore_mem>>) src(%arg8 : memref<128x128xf32, #tpu.memory_space<vmem>>) dst(%dma_wait3A_35 : memref<128x128xf32, #tpu.memory_space<hbm>>)
        tpu.yield
      }) : () -> ()
      "tpu.region"() ({
        %run_scoped3A = tpu.sem_alloc : memref<!tpu.dma_semaphore, #tpu.memory_space<semaphore_mem>>
        %dma_start3A_28 = arith.constant 0 : i32
        %dma_start3A_29 = tpu.memref_slice %arg6[%add3A_11, %dma_start3A_28] : memref<819200x64xf32, #tpu.memory_space<hbm>> -> memref<128x64xf32, #tpu.memory_space<hbm>>
        %dma_start3A_30 = arith.constant 0 : i32
        %dma_start3A_31 = tpu.memref_slice %arg6[%add3A_11, %dma_start3A_30] : memref<819200x64xf32, #tpu.memory_space<hbm>> -> memref<128x64xf32, #tpu.memory_space<hbm>>
        tpu.enqueue_dma source(%arg9 : memref<128x64xf32, #tpu.memory_space<vmem>>) target(%dma_start3A_31 : memref<128x64xf32, #tpu.memory_space<hbm>>) target_semaphore(%run_scoped3A : memref<!tpu.dma_semaphore, #tpu.memory_space<semaphore_mem>>)
        %dma_wait3A_32 = arith.constant 0 : i32
        %dma_wait3A_33 = tpu.memref_slice %arg6[%add3A_11, %dma_wait3A_32] : memref<819200x64xf32, #tpu.memory_space<hbm>> -> memref<128x64xf32, #tpu.memory_space<hbm>>
        %dma_wait3A_34 = arith.constant 0 : i32
        %dma_wait3A_35 = tpu.memref_slice %arg6[%add3A_11, %dma_wait3A_34] : memref<819200x64xf32, #tpu.memory_space<hbm>> -> memref<128x64xf32, #tpu.memory_space<hbm>>
        tpu.wait_dma2 semaphore(%run_scoped3A : memref<!tpu.dma_semaphore, #tpu.memory_space<semaphore_mem>>) src(%arg9 : memref<128x64xf32, #tpu.memory_space<vmem>>) dst(%dma_wait3A_35 : memref<128x64xf32, #tpu.memory_space<hbm>>)
        tpu.yield
      }) : () -> ()
    }
    %scan3A_7 = arith.constant 200 : i32
    return
  }
}

</mosaic_0001>

<sc_bundles>
// kernel: kernel.4.cloned.1.call-start
scs
__scs_entry_jumppad:
0x0: {  	(pc) =	sbr.rel $0x88, $3  }
0x1: {  	(tag) =	ssettag $0x0;
	lr =	simm.s32 $0x1  }
0x2: {  	[smem:$0x3F9F] =	sst lr;
	_ =	strace $0xD0000000  }
0x3: {  	_ = 	snop  }
0x4: {  	_ = 	snop  }
0x5: {  	_ = 	snop  }
0x6: {  	_ = 	snop  }
0x7: {  	_ = 	snop  }
__scs_overlays_trampoline_lowered:
0x8: {  	[smem:$0x3FAE] =	sst s0  }
0x9: {  	[smem:$0x3FAF] =	sst s1  }
0xa: {  	[smem:$0x3FB0] =	sst s2  }
0xb: {  	[smem:$0x3FB1] =	sst s3  }
0xc: {  	[smem:$0x3FB2] =	sst s4  }
0xd: {  	[smem:$0x3FB3] =	sst s5  }
0xe: {  	[smem:$0x3FB4] =	sst s6  }
0xf: {  	[smem:$0x3FB5] =	sst s7  }
0x10: {  	[smem:$0x3FB6] =	sst s8  }
0x11: {  	[smem:$0x3FB7] =	sst s9;
	s0 =	simm.s32 @!p0 $0x0  }
0x12: {  	s1 =	sld [smem:$0x3F9D];
	s0 =	simm.s32 @p0 $0x1  }
0x13: {  	[smem:$0x3FB8] =	sst s0;
	s0 =	simm.s32 @!p1 $0x0  }
0x14: {  	s2 =	sld [smem:$0x3F9C];
	s0 =	simm.s32 @p1 $0x1  }
0x15: {  	[smem:$0x3FB9] =	sst s0;
	s0 =	simm.s32 @!p2 $0x0  }
0x16: {  	s3 =	sld [smem:$0x3FDB];
	s0 =	simm.s32 @p2 $0x1  }
0x17: {  	s4 =	simm.s32 $0x1BF5;
	[smem:$0x3FBB] =	sst s0  }
0x18: {  	s0 =	sld [smem:$0x3F9E];
	_ =	swait.ge [sflag:s4], $0x0  }
0x19: {  	s7 =	sld [smem:$0x3F9F]  }
0x1a: {  	s8 =	sadd.s32 $0xFFFFE003, lr  }
0x1b: {  	s9 =	sadd.s32 $0xFFFFFEF7, lr;
	s5 =	simm.s32 $0xFFFFFFFF;
	p2 =	slt.u32 s8, $0xFFFFF086  }
0x1c: {  	p1 =	slt.u32 s9, $0xF7A;
	s5 =	simm.s32 @!p2 $0x0  }
0x1d: {  	s5 =	simm.s32 @p1 $0x1;
	p0 =	seq.s32 s7, s2  }
0x1e: {  	s7 =	smul.u32 @!p0 $0xF7A, s2;
	p2 =	seq.s32 @!p0 s5, $0x0  }
0x1f: {  	s9 =	smul.u32 $0xF7A, s1;
	s8 =	simm.s32 @!p0 $0x1BF5;
	p2 =	por !p2, p0  }
0x20: {  	[sflag:s8] =	ssyncset.s32 @!p0 $0xFFFFF086;
	s6 =	sadd.s32 @!p0 s3, s7;
	s7 =	simm.s32 @!p0 $0x108  }
0x21: {  	s3 =	sadd.s32 s3, s9;
	s6 =	sadd.s32 @!p0 $0x88, s6;
	s7 =	simm.s32 @p2 $0x1082  }
0x22: {  	[simem:s7], [sflag:s8] =	dma.local @!p0 [hbm:s6], $0xF7A  }
0x23: {  	s9 =	sor.u32 $0xD0000000, s2;
	s6 =	simm.s32 $0x108;
	_ =	swait.ge @!p0 [sflag:s8], $0x0  }
0x24: {  	s3 =	sadd.s32 $0x88, s3;
	s6 =	simm.s32 @!p1 $0x1082;
	[sflag:s4] =	ssyncset.s32 $0xFFFFF086  }
0x25: {  	[simem:s6], [sflag:s4] =	dma.local [hbm:s3], $0xF7A  }
0x26: {  	[smem:$0x3F9F] =	sst s1;
	(tag) =	ssettag s2;
	_ =	strace s9  }
0x27: {  	s1 =	sld [smem:$0x3FAF]  }
0x28: {  	s2 =	sld [smem:$0x3FB0]  }
0x29: {  	s4 =	sld [smem:$0x3FB2]  }
0x2a: {  	p0 =	seq.s32 s5, $0x0;
	s5 =	sld [smem:$0x3FB3]  }
0x2b: {  	s6 =	sld [smem:$0x3FB4]  }
0x2c: {  	s7 =	sld [smem:$0x3FB5]  }
0x2d: {  	s3 =	simm.s32 $0x108;
	s8 =	sld [smem:$0x3FB6]  }
0x2e: {  	s3 =	simm.s32 @!p0 $0x1082;
	s9 =	sld [smem:$0x3FB7]  }
0x2f: {  	lr =	sadd.s32 s0, s3;
	s0 =	sld [smem:$0x3FAE]  }
0x30: {  	s3 =	sld [smem:$0x3FB1]  }
0x31: {  	[smem:$0x3FBA] =	sst s10  }
0x32: {  	s10 =	sld [smem:$0x3FB8];
	_ =	sdelay $0x3  }
0x33: {  	p0 =	seq.s32 s10, $0x1;
	s10 =	sld [smem:$0x3FBA];
	_ =	sdelay $0x3  }
0x34: {  	[smem:$0x3FBA] =	sst s10  }
0x35: {  	s10 =	sld [smem:$0x3FB9];
	_ =	sdelay $0x3  }
0x36: {  	p1 =	seq.s32 s10, $0x1;
	s10 =	sld [smem:$0x3FBA];
	_ =	sdelay $0x3  }
0x37: {  	[smem:$0x3FBA] =	sst s10  }
0x38: {  	s10 =	sld [smem:$0x3FBB]  }
0x39: {  	_ = 	snop;
	(pc) =	sbr.ind lr, $3  }
0x3a: {  	_ = 	snop  }
0x3b: {  	_ = 	snop  }
0x3c: {  	p2 =	seq.s32 s10, $0x1;
	s10 =	sld [smem:$0x3FBA]  }
0x3d: {  	_ =	shalt  }
0x3e: {  	_ =	shalt  }
0x3f: {  	_ =	shalt  }
0x40: {  	_ =	shalt  }
0x41: {  	_ =	shalt  }
0x42: {  	_ =	shalt  }
0x43: {  	_ =	shalt  }
0x44: {  	_ =	shalt  }
0x45: {  	_ =	shalt  }
0x46: {  	_ =	shalt  }
0x47: {  	_ =	shalt  }
0x48: {  	_ =	shalt  }
0x49: {  	_ =	shalt  }
0x4a: {  	_ =	shalt  }
0x4b: {  	_ =	shalt  }
0x4c: {  	_ =	shalt  }
0x4d: {  	_ =	shalt  }
0x4e: {  	_ =	shalt  }
0x4f: {  	_ =	shalt  }
0x50: {  	_ =	shalt  }
0x51: {  	_ =	shalt  }
0x52: {  	_ =	shalt  }
0x53: {  	_ =	shalt  }
0x54: {  	_ =	shalt  }
0x55: {  	_ =	shalt  }
0x56: {  	_ =	shalt  }
0x57: {  	_ =	shalt  }
0x58: {  	_ =	shalt  }
0x59: {  	_ =	shalt  }
0x5a: {  	_ =	shalt  }
0x5b: {  	_ =	shalt  }
0x5c: {  	_ =	shalt  }
0x5d: {  	_ =	shalt  }
0x5e: {  	_ =	shalt  }
0x5f: {  	_ =	shalt  }
0x60: {  	_ =	shalt  }
0x61: {  	_ =	shalt  }
0x62: {  	_ =	shalt  }
0x63: {  	_ =	shalt  }
0x64: {  	_ =	shalt  }
0x65: {  	_ =	shalt  }
0x66: {  	_ =	shalt  }
0x67: {  	_ =	shalt  }
0x68: {  	_ =	shalt  }
0x69: {  	_ =	shalt  }
0x6a: {  	_ =	shalt  }
0x6b: {  	_ =	shalt  }
0x6c: {  	_ =	shalt  }
0x6d: {  	_ =	shalt  }
0x6e: {  	_ =	shalt  }
0x6f: {  	_ =	shalt  }
0x70: {  	_ =	shalt  }
0x71: {  	_ =	shalt  }
0x72: {  	_ =	shalt  }
0x73: {  	_ =	shalt  }
0x74: {  	_ =	shalt  }
0x75: {  	_ =	shalt  }
0x76: {  	_ =	shalt  }
0x77: {  	_ =	shalt  }
0x78: {  	_ =	shalt  }
0x79: {  	_ =	shalt  }
0x7a: {  	_ =	shalt  }
0x7b: {  	_ =	shalt  }
0x7c: {  	_ =	shalt  }
0x7d: {  	_ =	shalt  }
0x7e: {  	_ =	shalt  }
0x7f: {  	_ =	shalt  }
0x80: {  	_ =	shalt  }
0x81: {  	_ =	shalt  }
0x82: {  	_ =	shalt  }
0x83: {  	_ =	shalt  }
0x84: {  	_ =	shalt  }
0x85: {  	_ =	shalt  }
0x86: {  	_ =	shalt  }
0x87: {  	_ =	shalt  }
.Lfunc_end0:
.L_simem_size_0:
called_computation.1_lowered:
.L_overlay_start_0:
0x88: {  	s2 =	sld [smem:$0x3FD9]  }
0x89: {  	s3 =	sld [smem:$0x3FFE];
	_ =	sdelay $0x1  }
0x8a: {  	s1 =	srdreg.scid  }
0x8b: {  	s0 =	sand.u32 $0x1, s1  }
0x8c: {  	s15 =	sshll.u32 s0, $0xA;
	s2 =	sadd.s32 s3, s2  }
0x8d: {  	s2 =	sadd.s32 s2, s15  }
0x8e: {  	[smem:$0x3FC6] =	sst s2  }
0x8f: {  	_ = 	snop  }
0x90: {  	s2 =	sld [smem:$0x3FD0];
	_ =	sdelay $0x2  }
0x91: {  	s16 =	simm.s32 $0xA;
	s4 =	simm.s32 $0x10  }
0x92: {  	[smem:s4], [sflag:s16] =	dma.local [hbm:s2], $0x1  }
0x93: {  	_ =	swait.eq [sflag:s16], $0x1  }
0x94: {  	[sflag:s16] =	ssyncset.done $0x0  }
0x95: {  	s17 =	sld [smem:$0x10];
	[sflag:s16] =	ssyncadd.s32 $0xFFFFFFFF  }
0x96: {  	s18 =	sld [smem:$0x11];
	(tm) =	ssettm $0x1  }
0x97: {  	s19 =	sld [smem:$0x3FFB];
	_ =	sdelay $0x3  }
0x98: {  	_ =	strace s19  }
0x99: {  	s4 =	sld [smem:$0x3FFC];
	_ =	sdelay $0x3  }
0x9a: {  	_ =	strace s4  }
0x9b: {  	s4 =	sld [smem:$0x3FFD];
	_ =	sdelay $0x3  }
0x9c: {  	_ =	strace s4  }
0x9d: {  	_ =	strace $0x8FFFFFFF  }
0x9e: {  	s20 =	sld [smem:$0x3FDB];
	_ =	sdelay $0x1  }
0x9f: {  	s5 =	simm.s32 $_scs_section_size  }
0xa0: {  	s6 =	simm.s32 $_size__tile_overlayer_lowered;
	s7 =	simm.s32 $_tile_overlayer_lowered  }
0xa1: {  	s23 =	simm.s32 $0x1BFF;
	s22 =	sshll.u32 s7, $0x1;
	s4 =	sadd.s32 s5, s20  }
0xa2: {  	s8 =	simm.s32 $0x0;
	s21 =	sshll.u32 s6, $0x1;
	s6 =	sadd.s32 s22, s4  }
0xa3: {  	[timem:s8], [sflag:s23] =	dma.local [hbm:s6], s21  }
0xa4: {  	_ =	swait.ge [sflag:s23], s21  }
0xa5: {  	s5 =	ssub.s32 $0x0, s21;
	[sflag:s23] =	ssyncset.done $0x0  }
0xa6: {  	[sflag:s23] =	ssyncadd.s32 s5;
	_ =	sdelay $0x1  }
0xa7: {  	s24 =	simm.s32 $0x1B8B  }
0xa8: {  	_ =	swait.ge [sflag:s24], $0x1  }
0xa9: {  	[sflag:s24] =	ssyncset.done $0x0  }
0xaa: {  	s25 =	simm.s32 $0x1B8E;
	[sflag:s24] =	ssyncadd.s32 $0xFFFFFFFF  }
0xab: {  	s26 =	simm.s32 $execute0_lowered;
	[smem:$0x3FD2] =	sst s25  }
0xac: {  	s5 =	sshll.u32 s26, $0x1;
	_ =	strace $0x80000046;
	[dreg:$0x1] =	wrdreg $0xFFFFFFFF  }
0xad: {  	s28 =	simm.s32 $_size_execute0_lowered;
	s4 =	sadd.s32 s4, s5;
	[dreg:$0x0] =	wrdreg $0x0  }
0xae: {  	s5 =	sshll.u32 s28, $0x1;
	[dreg:$0x2] =	wrdreg s4  }
0xaf: {  	[dreg:$0x3] =	wrdreg s5  }
0xb0: {  	[dreg:$0x4] =	wrdreg $0xC0  }
0xb1: {  	_ =	task [dreg:s8], $0x5FFFF  }
0xb2: {  	[dreg:$0x1] =	wrdreg $0xFFFFFFFF  }
0xb3: {  	[dreg:$0x0] =	wrdreg $0x60  }
0xb4: {  	[dreg:$0x2] =	wrdreg s18  }
0xb5: {  	[dreg:$0x3] =	wrdreg s17  }
0xb6: {  	[dreg:$0x4] =	wrdreg $0x9  }
0xb7: {  	_ =	task.clear_ibuf [dreg:s8], $0x5FFFF;
	_ =	strace $0x90000046  }
0xb8: {  	s29 =	simm.s32 $0x9;
	_ =	strace $0x80000048  }
0xb9: {  	_ =	swait.ge [sflag:s29], $0x1  }
0xba: {  	[sflag:s29] =	ssyncadd.s32 $0xFFFFFFFF  }
0xbb: {  	_ =	strace $0x90000048  }
0xbc: {  	_ =	sfence  }
0xbd: {  	s30 =	sld [smem:$0x0];
	_ =	sdelay $0x2  }
0xbe: {  	s31 =	sshll.u32 s1, $0xD;
	s1 =	sshrl.u32 s1, $0x2  }
0xbf: {  	s3 =	sand.u32 $0x4000, s31;
	s1 =	sadd.s32 s1, s30  }
0xc0: {  	s0 =	sor.u32 s3, s0;
	s1 =	sshll.u32 s1, $0x11  }
0xc1: {  	s0 =	sor.u32 s1, s0  }
0xc2: {  	s0 =	sadd.s32 $0x8F2B, s0  }
0xc3: {  	[sflag:s0] =	ssyncadd.remote.s32 $0x1  }
0xc4: {  	_ =	sfence.sel $0xFFFF  }
0xc5: {  	[dreg:$0x0] =	wrdreg $0xFFFFFFFF;
	(pc) =	sbr.abs _section_cstart, $3  }
0xc6: {  	[dreg:$0x1] =	wrdreg $0xFFFFFFFF  }
0xc7: {  	_ =	task.clear_ibuf [dreg:s8], $0x2FFFF;
	_ =	strace $0x9FFFFFFF  }
0xc8: {  	(tm) =	ssettm $0x7FFFFFFF  }
0xc9: {  	_ =	shalt  }
tec
execute0_lowered:
.L_overlay_start_1:
0x0: {  	(tag) =	ssettag $0x1  }
0x1: {  	v0 =	vlaneseq.u32  }
0x2: {  	v0 =	vmul.u32 $0x2, v0;
	_ =	sdelay $0x1  }
0x3: {  	v1 =	vor.u32 $0x1, v0;
	v5 =	vor.u32 $0x41, v0;
	v6 =	vor.u32 $0x60, v0  }
0x4: {  	v7 =	vor.u32 $0x61, v0;
	v8 =	vor.u32 $0x80, v0;
	v9 =	vor.u32 $0x81, v0  }
0x5: {  	s1 =	srdreg.scid;
	s3 =	rddreg [dreg:$0x0];
	v10 =	vor.u32 $0xA0, v0;
	v11 =	vor.u32 $0xA1, v0;
	v12 =	vor.u32 $0xC0, v0  }
0x6: {  	s0 =	stileid.u32;
	s19 =	rddreg [dreg:$0x1];
	v13 =	vor.u32 $0xC1, v0;
	v14 =	vor.u32 $0xE0, v0;
	v15 =	vor.u32 $0xE1, v0  }
0x7: {  	s2 =	simm.s32 $0x0;
	s15 =	simm.s32 $0x1;
	s16 =	simm.s32 $0x80;
	v16 =	vor.u32 $0x100, v0;
	v17 =	vor.u32 $0x101, v0;
	v18 =	vor.u32 $0x120, v0  }
0x8: {  	s17 =	simm.s32 $0x100;
	s18 =	simm.s32 $0x180;
	s28 =	simm.s32 $0x600;
	v19 =	vor.u32 $0x121, v0;
	v20 =	vor.u32 $0x140, v0;
	v21 =	vor.u32 $0x141, v0  }
0x9: {  	s29 =	simm.s32 $0x680;
	s30 =	simm.s32 $0x700;
	s4 =	sand.u32 $0x1, s1;
	v22 =	vor.u32 $0x160, v0;
	v23 =	vor.u32 $0x161, v0;
	v24 =	vor.u32 $0x180, v0  }
0xa: {  	s31 =	simm.s32 $0x780;
	s5 =	sshll.u32 s0, $0x9;
	s6 =	sshll.u32 s4, $0x8;
	v25 =	vor.u32 $0x181, v0;
	v26 =	vor.u32 $0x1A0, v0;
	v27 =	vor.u32 $0x1A1, v0  }
0xb: {  	[smem:$0x7FF] =	sst s2;
	s4 =	ssub.s32 $0x2, s4;
	s13 =	sor.u32 s6, s5;
	v28 =	vor.u32 $0x1C0, v0;
	v29 =	vor.u32 $0x1C1, v0;
	v30 =	vor.u32 $0x1E0, v0  }
0xc: {  	s1 =	simm.s32 $0x800;
	s25 =	sshrl.u32 s4, $0x1;
	v31 =	vor.u32 $0x1E1, v0;
	v32 =	vor.u32 $0x200, v0;
	[tilespmem:$0x1FFC0] =	vst v1;
	v1 =	vor.u32 $0x20, v0;
	s3 =	sadd.s32 s3, s13  }
0xd: {  	v33 =	vor.u32 $0x201, v0;
	v34 =	vor.u32 $0x220, v0;
	s14 =	ssub.s32 s4, s25;
	s13 =	sadd.s32 s19, s13;
	s19 =	simm.s32 $0x200;
	[tilespmem:$0x1FFD0] =	vst v1;
	v1 =	vor.u32 $0x21, v0  }
0xe: {  	v35 =	vor.u32 $0x221, v0;
	v36 =	vor.u32 $0x240, v0;
	s25 =	simm.s32 $0x500;
	s20 =	sadd.s32 $0x10, s3;
	s21 =	sadd.s32 $0x20, s3;
	[tilespmem:$0x1FFE0] =	vst v1;
	v1 =	vor.u32 $0x40, v0  }
0xf: {  	v37 =	vor.u32 $0x241, v0;
	v38 =	vor.u32 $0x260, v0;
	v39 =	vor.u32 $0x261, v0;
	s22 =	sadd.s32 $0x30, s3;
	s23 =	sadd.s32 $0x40, s3;
	s24 =	sadd.s32 $0x50, s3;
	[tilespmem:$0x1FFF0] =	vst v1  }
0x10: {  	v40 =	vor.u32 $0x280, v0;
	v41 =	vor.u32 $0x281, v0;
	v42 =	vor.u32 $0x2A0, v0;
	s26 =	sadd.s32 $0x60, s3;
	_ =	strace $0x80000047;
	[dreg:$0x3] =	wrdreg s20  }
0x11: {  	v43 =	vor.u32 $0x2A1, v0;
	v44 =	vor.u32 $0x2C0, v0;
	v45 =	vor.u32 $0x2C1, v0;
	s4 =	sadd.s32 $0x70, s3;
	s5 =	sadd.s32 $0x80, s3;
	[dreg:$0x4] =	wrdreg s21  }
0x12: {  	v46 =	vor.u32 $0x2E0, v0;
	v47 =	vor.u32 $0x2E1, v0;
	v48 =	vor.u32 $0x300, v0;
	s6 =	sadd.s32 $0x90, s3;
	s7 =	sadd.s32 $0xA0, s3;
	[dreg:$0x5] =	wrdreg s22  }
0x13: {  	v49 =	vor.u32 $0x301, v0;
	v50 =	vor.u32 $0x320, v0;
	v51 =	vor.u32 $0x321, v0;
	s8 =	sadd.s32 $0xB0, s3;
	s9 =	sadd.s32 $0xC0, s3;
	[dreg:$0x6] =	wrdreg s23  }
0x14: {  	v52 =	vor.u32 $0x340, v0;
	v53 =	vor.u32 $0x341, v0;
	v54 =	vor.u32 $0x360, v0;
	s10 =	sadd.s32 $0xD0, s3;
	s11 =	sadd.s32 $0xE0, s3;
	[dreg:$0x7] =	wrdreg s24  }
0x15: {  	v55 =	vor.u32 $0x361, v0;
	v56 =	vor.u32 $0x380, v0;
	v57 =	vor.u32 $0x381, v0;
	s12 =	sadd.s32 $0xF0, s3;
	s14 =	smax.u32 s14, $0x1;
	[dreg:$0x8] =	wrdreg s26  }
0x16: {  	v58 =	vor.u32 $0x3A0, v0;
	v59 =	vor.u32 $0x3A1, v0;
	v60 =	vor.u32 $0x3C0, v0;
	s20 =	simm.s32 $0x280;
	s21 =	simm.s32 $0x300;
	s22 =	simm.s32 $0x380  }
0x17: {  	v61 =	vor.u32 $0x3C1, v0;
	v62 =	vor.u32 $0x3E0, v0;
	v63 =	vor.u32 $0x3E1, v0;
	s23 =	simm.s32 $0x400;
	s24 =	simm.s32 $0x480;
	s26 =	simm.s32 $0x580  }
.LBB2_1:
0x18: {  	[tilespmem:s2], [sflag:$0x1] =	stream.linear.gather [hbm4b:s3+s2], $0x80, $0x38;
	[tilespmem:$0x1000] =	vst v63  }
0x19: {  	_ =	swait.ge [sflag:s15], $0x80  }
0x1a: {  	[sflag:s15] =	ssyncset.done $0x0  }
0x1b: {  	s0 =	rddreg [dreg:$0x3];
	[sflag:s15] =	ssyncadd.s32 $0xFFFFFF80  }
0x1c: {  	[tilespmem:s16], [sflag:$0x1] =	stream.linear.gather [hbm4b:s0+s2], $0x80, $0x38;
	[tilespmem:$0x1000] =	vst v63  }
0x1d: {  	_ =	swait.ge [sflag:s15], $0x80  }
0x1e: {  	[sflag:s15] =	ssyncset.done $0x0  }
0x1f: {  	s0 =	rddreg [dreg:$0x4];
	[sflag:s15] =	ssyncadd.s32 $0xFFFFFF80  }
0x20: {  	[tilespmem:s17], [sflag:$0x1] =	stream.linear.gather [hbm4b:s0+s2], $0x80, $0x38;
	[tilespmem:$0x1000] =	vst v63  }
0x21: {  	_ =	swait.ge [sflag:s15], $0x80  }
0x22: {  	[sflag:s15] =	ssyncset.done $0x0  }
0x23: {  	s0 =	rddreg [dreg:$0x5];
	[sflag:s15] =	ssyncadd.s32 $0xFFFFFF80  }
0x24: {  	[tilespmem:s18], [sflag:$0x1] =	stream.linear.gather [hbm4b:s0+s2], $0x80, $0x38;
	[tilespmem:$0x1000] =	vst v63  }
0x25: {  	_ =	swait.ge [sflag:s15], $0x80  }
0x26: {  	[sflag:s15] =	ssyncset.done $0x0  }
0x27: {  	s0 =	rddreg [dreg:$0x6];
	[sflag:s15] =	ssyncadd.s32 $0xFFFFFF80  }
0x28: {  	[tilespmem:s19], [sflag:$0x1] =	stream.linear.gather [hbm4b:s0+s2], $0x80, $0x38;
	[tilespmem:$0x1000] =	vst v63  }
0x29: {  	_ =	swait.ge [sflag:s15], $0x80  }
0x2a: {  	[sflag:s15] =	ssyncset.done $0x0  }
0x2b: {  	s0 =	rddreg [dreg:$0x7];
	[sflag:s15] =	ssyncadd.s32 $0xFFFFFF80  }
0x2c: {  	[tilespmem:s20], [sflag:$0x1] =	stream.linear.gather [hbm4b:s0+s2], $0x80, $0x38;
	[tilespmem:$0x1000] =	vst v63  }
0x2d: {  	_ =	swait.ge [sflag:s15], $0x80  }
0x2e: {  	[sflag:s15] =	ssyncset.done $0x0  }
0x2f: {  	s0 =	rddreg [dreg:$0x8];
	[sflag:s15] =	ssyncadd.s32 $0xFFFFFF80  }
0x30: {  	[tilespmem:s21], [sflag:$0x1] =	stream.linear.gather [hbm4b:s0+s2], $0x80, $0x38;
	[tilespmem:$0x1000] =	vst v63  }
0x31: {  	_ =	swait.ge [sflag:s15], $0x80  }
0x32: {  	[sflag:s15] =	ssyncset.done $0x0  }
0x33: {  	[sflag:s15] =	ssyncadd.s32 $0xFFFFFF80  }
0x34: {  	[tilespmem:s22], [sflag:$0x1] =	stream.linear.gather [hbm4b:s4+s2], $0x80, $0x38;
	[tilespmem:$0x1000] =	vst v63  }
0x35: {  	_ =	swait.ge [sflag:s15], $0x80  }
0x36: {  	[sflag:s15] =	ssyncset.done $0x0  }
0x37: {  	[sflag:s15] =	ssyncadd.s32 $0xFFFFFF80  }
0x38: {  	[tilespmem:s23], [sflag:$0x1] =	stream.linear.gather [hbm4b:s5+s2], $0x80, $0x38;
	[tilespmem:$0x1000] =	vst v63  }
0x39: {  	_ =	swait.ge [sflag:s15], $0x80  }
0x3a: {  	[sflag:s15] =	ssyncset.done $0x0  }
0x3b: {  	[sflag:s15] =	ssyncadd.s32 $0xFFFFFF80  }
0x3c: {  	[tilespmem:s24], [sflag:$0x1] =	stream.linear.gather [hbm4b:s6+s2], $0x80, $0x38;
	[tilespmem:$0x1000] =	vst v63  }
0x3d: {  	_ =	swait.ge [sflag:s15], $0x80  }
0x3e: {  	[sflag:s15] =	ssyncset.done $0x0  }
0x3f: {  	[sflag:s15] =	ssyncadd.s32 $0xFFFFFF80  }
0x40: {  	[tilespmem:s25], [sflag:$0x1] =	stream.linear.gather [hbm4b:s7+s2], $0x80, $0x38;
	[tilespmem:$0x1000] =	vst v63  }
0x41: {  	_ =	swait.ge [sflag:s15], $0x80  }
0x42: {  	[sflag:s15] =	ssyncset.done $0x0  }
0x43: {  	[sflag:s15] =	ssyncadd.s32 $0xFFFFFF80  }
0x44: {  	[tilespmem:s26], [sflag:$0x1] =	stream.linear.gather [hbm4b:s8+s2], $0x80, $0x38;
	[tilespmem:$0x1000] =	vst v63  }
0x45: {  	_ =	swait.ge [sflag:s15], $0x80  }
0x46: {  	[sflag:s15] =	ssyncset.done $0x0  }
0x47: {  	[sflag:s15] =	ssyncadd.s32 $0xFFFFFF80  }
0x48: {  	[tilespmem:s28], [sflag:$0x1] =	stream.linear.gather [hbm4b:s9+s2], $0x80, $0x38;
	[tilespmem:$0x1000] =	vst v63  }
0x49: {  	_ =	swait.ge [sflag:s15], $0x80  }
0x4a: {  	[sflag:s15] =	ssyncset.done $0x0  }
0x4b: {  	[sflag:s15] =	ssyncadd.s32 $0xFFFFFF80  }
0x4c: {  	[tilespmem:s29], [sflag:$0x1] =	stream.linear.gather [hbm4b:s10+s2], $0x80, $0x38;
	[tilespmem:$0x1000] =	vst v63  }
0x4d: {  	_ =	swait.ge [sflag:s15], $0x80  }
0x4e: {  	[sflag:s15] =	ssyncset.done $0x0  }
0x4f: {  	[sflag:s15] =	ssyncadd.s32 $0xFFFFFF80  }
0x50: {  	[tilespmem:s30], [sflag:$0x1] =	stream.linear.gather [hbm4b:s11+s2], $0x80, $0x38;
	[tilespmem:$0x1000] =	vst v63  }
0x51: {  	_ =	swait.ge [sflag:s15], $0x80  }
0x52: {  	[sflag:s15] =	ssyncset.done $0x0  }
0x53: {  	[sflag:s15] =	ssyncadd.s32 $0xFFFFFF80  }
0x54: {  	[tilespmem:s31], [sflag:$0x1] =	stream.linear.gather [hbm4b:s12+s2], $0x80, $0x38;
	[tilespmem:$0x1000] =	vst v63  }
0x55: {  	_ =	swait.ge [sflag:s15], $0x80  }
0x56: {  	v2 =	vld [tilespmem:$0x1FFC0];
	_ =	sdelay $0x4  }
0x57: {  	[sflag:s15] =	ssyncset.done $0x0  }
0x58: {  	[sflag:s15] =	ssyncadd.s32 $0xFFFFFF80  }
0x59: {  	v1 =	vld.idx.msk [tilespmem:v0+s2+$0x0], $0xffff  }
0x5a: {  	v2 =	vld.idx.msk [tilespmem:v2+s2+$0x0], $0xffff;
	_ =	sdelay $0x4  }
0x5b: {  	v1 =	vmax.f32 v1, v2;
	v2 =	vld [tilespmem:$0x1FFE0]  }
0x5c: {  	[tilespmem:$0x800] =	vst v1;
	v1 =	vld [tilespmem:$0x1FFD0];
	_ =	sdelay $0x6  }
0x5d: {  	v2 =	vld.idx.msk [tilespmem:v2+s2+$0x0], $0xffff  }
0x5e: {  	v1 =	vld.idx.msk [tilespmem:v1+s2+$0x0], $0xffff;
	_ =	sdelay $0x4  }
0x5f: {  	v1 =	vmax.f32 v1, v2  }
0x60: {  	[tilespmem:$0x810] =	vst v1;
	v1 =	vld [tilespmem:$0x1FFF0];
	_ =	sdelay $0x6  }
0x61: {  	v2 =	vld.idx.msk [tilespmem:v5+s2+$0x0], $0xffff  }
0x62: {  	v1 =	vld.idx.msk [tilespmem:v1+s2+$0x0], $0xffff;
	_ =	sdelay $0x4  }
0x63: {  	v1 =	vmax.f32 v1, v2  }
0x64: {  	[tilespmem:$0x820] =	vst v1  }
0x65: {  	v1 =	vld.idx.msk [tilespmem:v6+s2+$0x0], $0xffff  }
0x66: {  	v2 =	vld.idx.msk [tilespmem:v7+s2+$0x0], $0xffff;
	_ =	sdelay $0x4  }
0x67: {  	v1 =	vmax.f32 v1, v2  }
0x68: {  	[tilespmem:$0x830] =	vst v1  }
0x69: {  	v1 =	vld.idx.msk [tilespmem:v8+s2+$0x0], $0xffff  }
0x6a: {  	v2 =	vld.idx.msk [tilespmem:v9+s2+$0x0], $0xffff;
	_ =	sdelay $0x4  }
0x6b: {  	v1 =	vmax.f32 v1, v2  }
0x6c: {  	[tilespmem:$0x880] =	vst v1  }
0x6d: {  	v1 =	vld.idx.msk [tilespmem:v10+s2+$0x0], $0xffff  }
0x6e: {  	v2 =	vld.idx.msk [tilespmem:v11+s2+$0x0], $0xffff;
	_ =	sdelay $0x4  }
0x6f: {  	v1 =	vmax.f32 v1, v2  }
0x70: {  	[tilespmem:$0x890] =	vst v1  }
0x71: {  	v1 =	vld.idx.msk [tilespmem:v12+s2+$0x0], $0xffff  }
0x72: {  	v2 =	vld.idx.msk [tilespmem:v13+s2+$0x0], $0xffff;
	_ =	sdelay $0x4  }
0x73: {  	v1 =	vmax.f32 v1, v2  }
0x74: {  	[tilespmem:$0x8A0] =	vst v1  }
0x75: {  	v1 =	vld.idx.msk [tilespmem:v14+s2+$0x0], $0xffff  }
0x76: {  	v2 =	vld.idx.msk [tilespmem:v15+s2+$0x0], $0xffff;
	_ =	sdelay $0x4  }
0x77: {  	v1 =	vmax.f32 v1, v2  }
0x78: {  	[tilespmem:$0x8B0] =	vst v1  }
0x79: {  	v1 =	vld.idx.msk [tilespmem:v16+s2+$0x0], $0xffff  }
0x7a: {  	v2 =	vld.idx.msk [tilespmem:v17+s2+$0x0], $0xffff;
	_ =	sdelay $0x4  }
0x7b: {  	v1 =	vmax.f32 v1, v2  }
0x7c: {  	[tilespmem:$0x900] =	vst v1  }
0x7d: {  	v1 =	vld.idx.msk [tilespmem:v18+s2+$0x0], $0xffff  }
0x7e: {  	v2 =	vld.idx.msk [tilespmem:v19+s2+$0x0], $0xffff;
	_ =	sdelay $0x4  }
0x7f: {  	v1 =	vmax.f32 v1, v2  }
0x80: {  	[tilespmem:$0x910] =	vst v1  }
0x81: {  	v1 =	vld.idx.msk [tilespmem:v20+s2+$0x0], $0xffff  }
0x82: {  	v2 =	vld.idx.msk [tilespmem:v21+s2+$0x0], $0xffff;
	_ =	sdelay $0x4  }
0x83: {  	v1 =	vmax.f32 v1, v2  }
0x84: {  	[tilespmem:$0x920] =	vst v1  }
0x85: {  	v1 =	vld.idx.msk [tilespmem:v22+s2+$0x0], $0xffff  }
0x86: {  	v2 =	vld.idx.msk [tilespmem:v23+s2+$0x0], $0xffff;
	_ =	sdelay $0x4  }
0x87: {  	v1 =	vmax.f32 v1, v2  }
0x88: {  	[tilespmem:$0x930] =	vst v1  }
0x89: {  	v1 =	vld.idx.msk [tilespmem:v24+s2+$0x0], $0xffff  }
0x8a: {  	v2 =	vld.idx.msk [tilespmem:v25+s2+$0x0], $0xffff;
	_ =	sdelay $0x4  }
0x8b: {  	v1 =	vmax.f32 v1, v2  }
0x8c: {  	[tilespmem:$0x980] =	vst v1  }
0x8d: {  	v1 =	vld.idx.msk [tilespmem:v26+s2+$0x0], $0xffff  }
0x8e: {  	v2 =	vld.idx.msk [tilespmem:v27+s2+$0x0], $0xffff;
	_ =	sdelay $0x4  }
0x8f: {  	v1 =	vmax.f32 v1, v2  }
0x90: {  	[tilespmem:$0x990] =	vst v1  }
0x91: {  	v1 =	vld.idx.msk [tilespmem:v28+s2+$0x0], $0xffff  }
0x92: {  	v2 =	vld.idx.msk [tilespmem:v29+s2+$0x0], $0xffff;
	_ =	sdelay $0x4  }
0x93: {  	v1 =	vmax.f32 v1, v2  }
0x94: {  	[tilespmem:$0x9A0] =	vst v1  }
0x95: {  	v1 =	vld.idx.msk [tilespmem:v30+s2+$0x0], $0xffff  }
0x96: {  	v2 =	vld.idx.msk [tilespmem:v31+s2+$0x0], $0xffff;
	_ =	sdelay $0x4  }
0x97: {  	v1 =	vmax.f32 v1, v2  }
0x98: {  	[tilespmem:$0x9B0] =	vst v1  }
0x99: {  	v1 =	vld.idx.msk [tilespmem:v32+s2+$0x0], $0xffff  }
0x9a: {  	v2 =	vld.idx.msk [tilespmem:v33+s2+$0x0], $0xffff;
	_ =	sdelay $0x4  }
0x9b: {  	v1 =	vmax.f32 v1, v2  }
0x9c: {  	[tilespmem:$0xA00] =	vst v1  }
0x9d: {  	v1 =	vld.idx.msk [tilespmem:v34+s2+$0x0], $0xffff  }
0x9e: {  	v2 =	vld.idx.msk [tilespmem:v35+s2+$0x0], $0xffff;
	_ =	sdelay $0x4  }
0x9f: {  	v1 =	vmax.f32 v1, v2  }
0xa0: {  	[tilespmem:$0xA10] =	vst v1  }
0xa1: {  	v1 =	vld.idx.msk [tilespmem:v36+s2+$0x0], $0xffff  }
0xa2: {  	v2 =	vld.idx.msk [tilespmem:v37+s2+$0x0], $0xffff;
	_ =	sdelay $0x4  }
0xa3: {  	v1 =	vmax.f32 v1, v2  }
0xa4: {  	[tilespmem:$0xA20] =	vst v1  }
0xa5: {  	v1 =	vld.idx.msk [tilespmem:v38+s2+$0x0], $0xffff  }
0xa6: {  	v2 =	vld.idx.msk [tilespmem:v39+s2+$0x0], $0xffff;
	_ =	sdelay $0x4  }
0xa7: {  	v1 =	vmax.f32 v1, v2  }
0xa8: {  	[tilespmem:$0xA30] =	vst v1  }
0xa9: {  	v1 =	vld.idx.msk [tilespmem:v40+s2+$0x0], $0xffff  }
0xaa: {  	v2 =	vld.idx.msk [tilespmem:v41+s2+$0x0], $0xffff;
	_ =	sdelay $0x4  }
0xab: {  	v1 =	vmax.f32 v1, v2  }
0xac: {  	[tilespmem:$0xA80] =	vst v1  }
0xad: {  	v1 =	vld.idx.msk [tilespmem:v42+s2+$0x0], $0xffff  }
0xae: {  	v2 =	vld.idx.msk [tilespmem:v43+s2+$0x0], $0xffff;
	_ =	sdelay $0x4  }
0xaf: {  	v1 =	vmax.f32 v1, v2  }
0xb0: {  	[tilespmem:$0xA90] =	vst v1  }
0xb1: {  	v1 =	vld.idx.msk [tilespmem:v44+s2+$0x0], $0xffff  }
0xb2: {  	v2 =	vld.idx.msk [tilespmem:v45+s2+$0x0], $0xffff;
	_ =	sdelay $0x4  }
0xb3: {  	v1 =	vmax.f32 v1, v2  }
0xb4: {  	[tilespmem:$0xAA0] =	vst v1  }
0xb5: {  	v1 =	vld.idx.msk [tilespmem:v46+s2+$0x0], $0xffff  }
0xb6: {  	v2 =	vld.idx.msk [tilespmem:v47+s2+$0x0], $0xffff;
	_ =	sdelay $0x4  }
0xb7: {  	v1 =	vmax.f32 v1, v2  }
0xb8: {  	[tilespmem:$0xAB0] =	vst v1  }
0xb9: {  	v1 =	vld.idx.msk [tilespmem:v48+s2+$0x0], $0xffff  }
0xba: {  	v2 =	vld.idx.msk [tilespmem:v49+s2+$0x0], $0xffff;
	_ =	sdelay $0x4  }
0xbb: {  	v1 =	vmax.f32 v1, v2  }
0xbc: {  	[tilespmem:$0xB00] =	vst v1  }
0xbd: {  	v1 =	vld.idx.msk [tilespmem:v50+s2+$0x0], $0xffff  }
0xbe: {  	v2 =	vld.idx.msk [tilespmem:v51+s2+$0x0], $0xffff;
	_ =	sdelay $0x4  }
0xbf: {  	v1 =	vmax.f32 v1, v2  }
0xc0: {  	[tilespmem:$0xB10] =	vst v1  }
0xc1: {  	v1 =	vld.idx.msk [tilespmem:v52+s2+$0x0], $0xffff  }
0xc2: {  	v2 =	vld.idx.msk [tilespmem:v53+s2+$0x0], $0xffff;
	_ =	sdelay $0x4  }
0xc3: {  	v1 =	vmax.f32 v1, v2  }
0xc4: {  	[tilespmem:$0xB20] =	vst v1  }
0xc5: {  	v1 =	vld.idx.msk [tilespmem:v54+s2+$0x0], $0xffff  }
0xc6: {  	v2 =	vld.idx.msk [tilespmem:v55+s2+$0x0], $0xffff;
	_ =	sdelay $0x4  }
0xc7: {  	v1 =	vmax.f32 v1, v2  }
0xc8: {  	[tilespmem:$0xB30] =	vst v1  }
0xc9: {  	v1 =	vld.idx.msk [tilespmem:v56+s2+$0x0], $0xffff  }
0xca: {  	v2 =	vld.idx.msk [tilespmem:v57+s2+$0x0], $0xffff;
	_ =	sdelay $0x4  }
0xcb: {  	v1 =	vmax.f32 v1, v2  }
0xcc: {  	[tilespmem:$0xB80] =	vst v1  }
0xcd: {  	v1 =	vld.idx.msk [tilespmem:v58+s2+$0x0], $0xffff  }
0xce: {  	v2 =	vld.idx.msk [tilespmem:v59+s2+$0x0], $0xffff;
	_ =	sdelay $0x4  }
0xcf: {  	v1 =	vmax.f32 v1, v2  }
0xd0: {  	[tilespmem:$0xB90] =	vst v1  }
0xd1: {  	v1 =	vld.idx.msk [tilespmem:v60+s2+$0x0], $0xffff  }
0xd2: {  	v2 =	vld.idx.msk [tilespmem:v61+s2+$0x0], $0xffff;
	_ =	sdelay $0x4  }
0xd3: {  	v1 =	vmax.f32 v1, v2  }
0xd4: {  	[tilespmem:$0xBA0] =	vst v1  }
0xd5: {  	v1 =	vld.idx.msk [tilespmem:v62+s2+$0x0], $0xffff  }
0xd6: {  	v2 =	vld.idx.msk [tilespmem:v63+s2+$0x0], $0xffff;
	_ =	sdelay $0x1  }
0xd7: {  	v3 =	vor.u32 $0x400, v0  }
0xd8: {  	v4 =	vor.u32 $0x401, v0;
	_ =	sdelay $0x1  }
0xd9: {  	v1 =	vmax.f32 v1, v2  }
0xda: {  	[tilespmem:$0xBB0] =	vst v1  }
0xdb: {  	v1 =	vld.idx.msk [tilespmem:v3+s2+$0x0], $0xffff  }
0xdc: {  	v2 =	vld.idx.msk [tilespmem:v4+s2+$0x0], $0xffff;
	_ =	sdelay $0x1  }
0xdd: {  	v3 =	vor.u32 $0x420, v0  }
0xde: {  	v4 =	vor.u32 $0x421, v0;
	_ =	sdelay $0x1  }
0xdf: {  	v1 =	vmax.f32 v1, v2  }
0xe0: {  	[tilespmem:$0xC00] =	vst v1  }
0xe1: {  	v1 =	vld.idx.msk [tilespmem:v3+s2+$0x0], $0xffff  }
0xe2: {  	v2 =	vld.idx.msk [tilespmem:v4+s2+$0x0], $0xffff;
	_ =	sdelay $0x1  }
0xe3: {  	v3 =	vor.u32 $0x440, v0  }
0xe4: {  	v4 =	vor.u32 $0x441, v0;
	_ =	sdelay $0x1  }
0xe5: {  	v1 =	vmax.f32 v1, v2  }
0xe6: {  	[tilespmem:$0xC10] =	vst v1  }
0xe7: {  	v1 =	vld.idx.msk [tilespmem:v3+s2+$0x0], $0xffff  }
0xe8: {  	v2 =	vld.idx.msk [tilespmem:v4+s2+$0x0], $0xffff;
	_ =	sdelay $0x1  }
0xe9: {  	v3 =	vor.u32 $0x460, v0  }
0xea: {  	v4 =	vor.u32 $0x461, v0;
	_ =	sdelay $0x1  }
0xeb: {  	v1 =	vmax.f32 v1, v2  }
0xec: {  	[tilespmem:$0xC20] =	vst v1  }
0xed: {  	v1 =	vld.idx.msk [tilespmem:v3+s2+$0x0], $0xffff  }
0xee: {  	v2 =	vld.idx.msk [tilespmem:v4+s2+$0x0], $0xffff;
	_ =	sdelay $0x1  }
0xef: {  	v3 =	vor.u32 $0x480, v0  }
0xf0: {  	v4 =	vor.u32 $0x481, v0;
	_ =	sdelay $0x1  }
0xf1: {  	v1 =	vmax.f32 v1, v2  }
0xf2: {  	[tilespmem:$0xC30] =	vst v1  }
0xf3: {  	v1 =	vld.idx.msk [tilespmem:v3+s2+$0x0], $0xffff  }
0xf4: {  	v2 =	vld.idx.msk [tilespmem:v4+s2+$0x0], $0xffff;
	_ =	sdelay $0x1  }
0xf5: {  	v3 =	vor.u32 $0x4A0, v0  }
0xf6: {  	v4 =	vor.u32 $0x4A1, v0;
	_ =	sdelay $0x1  }
0xf7: {  	v1 =	vmax.f32 v1, v2  }
0xf8: {  	[tilespmem:$0xC80] =	vst v1  }
0xf9: {  	v1 =	vld.idx.msk [tilespmem:v3+s2+$0x0], $0xffff  }
0xfa: {  	v2 =	vld.idx.msk [tilespmem:v4+s2+$0x0], $0xffff;
	_ =	sdelay $0x1  }
0xfb: {  	v3 =	vor.u32 $0x4C0, v0  }
0xfc: {  	v4 =	vor.u32 $0x4C1, v0;
	_ =	sdelay $0x1  }
0xfd: {  	v1 =	vmax.f32 v1, v2  }
0xfe: {  	[tilespmem:$0xC90] =	vst v1  }
0xff: {  	v1 =	vld.idx.msk [tilespmem:v3+s2+$0x0], $0xffff  }
0x100: {  	v2 =	vld.idx.msk [tilespmem:v4+s2+$0x0], $0xffff;
	_ =	sdelay $0x1  }
0x101: {  	v3 =	vor.u32 $0x4E0, v0  }
0x102: {  	v4 =	vor.u32 $0x4E1, v0;
	_ =	sdelay $0x1  }
0x103: {  	v1 =	vmax.f32 v1, v2  }
0x104: {  	[tilespmem:$0xCA0] =	vst v1  }
0x105: {  	v1 =	vld.idx.msk [tilespmem:v3+s2+$0x0], $0xffff  }
0x106: {  	v2 =	vld.idx.msk [tilespmem:v4+s2+$0x0], $0xffff;
	_ =	sdelay $0x1  }
0x107: {  	v3 =	vor.u32 $0x500, v0  }
0x108: {  	v4 =	vor.u32 $0x501, v0;
	_ =	sdelay $0x1  }
0x109: {  	v1 =	vmax.f32 v1, v2  }
0x10a: {  	[tilespmem:$0xCB0] =	vst v1  }
0x10b: {  	v1 =	vld.idx.msk [tilespmem:v3+s2+$0x0], $0xffff  }
0x10c: {  	v2 =	vld.idx.msk [tilespmem:v4+s2+$0x0], $0xffff;
	_ =	sdelay $0x1  }
0x10d: {  	v3 =	vor.u32 $0x520, v0  }
0x10e: {  	v4 =	vor.u32 $0x521, v0;
	_ =	sdelay $0x1  }
0x10f: {  	v1 =	vmax.f32 v1, v2  }
0x110: {  	[tilespmem:$0xD00] =	vst v1  }
0x111: {  	v1 =	vld.idx.msk [tilespmem:v3+s2+$0x0], $0xffff  }
0x112: {  	v2 =	vld.idx.msk [tilespmem:v4+s2+$0x0], $0xffff;
	_ =	sdelay $0x1  }
0x113: {  	v3 =	vor.u32 $0x540, v0  }
0x114: {  	v4 =	vor.u32 $0x541, v0;
	_ =	sdelay $0x1  }
0x115: {  	v1 =	vmax.f32 v1, v2  }
0x116: {  	[tilespmem:$0xD10] =	vst v1  }
0x117: {  	v1 =	vld.idx.msk [tilespmem:v3+s2+$0x0], $0xffff  }
0x118: {  	v2 =	vld.idx.msk [tilespmem:v4+s2+$0x0], $0xffff;
	_ =	sdelay $0x1  }
0x119: {  	v3 =	vor.u32 $0x560, v0  }
0x11a: {  	v4 =	vor.u32 $0x561, v0;
	_ =	sdelay $0x1  }
0x11b: {  	v1 =	vmax.f32 v1, v2  }
0x11c: {  	[tilespmem:$0xD20] =	vst v1  }
0x11d: {  	v1 =	vld.idx.msk [tilespmem:v3+s2+$0x0], $0xffff  }
0x11e: {  	v2 =	vld.idx.msk [tilespmem:v4+s2+$0x0], $0xffff;
	_ =	sdelay $0x1  }
0x11f: {  	v3 =	vor.u32 $0x580, v0  }
0x120: {  	v4 =	vor.u32 $0x581, v0;
	_ =	sdelay $0x1  }
0x121: {  	v1 =	vmax.f32 v1, v2  }
0x122: {  	[tilespmem:$0xD30] =	vst v1  }
0x123: {  	v1 =	vld.idx.msk [tilespmem:v3+s2+$0x0], $0xffff  }
0x124: {  	v2 =	vld.idx.msk [tilespmem:v4+s2+$0x0], $0xffff;
	_ =	sdelay $0x1  }
0x125: {  	v3 =	vor.u32 $0x5A0, v0  }
0x126: {  	v4 =	vor.u32 $0x5A1, v0;
	_ =	sdelay $0x1  }
0x127: {  	v1 =	vmax.f32 v1, v2  }
0x128: {  	[tilespmem:$0xD80] =	vst v1  }
0x129: {  	v1 =	vld.idx.msk [tilespmem:v3+s2+$0x0], $0xffff  }
0x12a: {  	v2 =	vld.idx.msk [tilespmem:v4+s2+$0x0], $0xffff;
	_ =	sdelay $0x1  }
0x12b: {  	v3 =	vor.u32 $0x5C0, v0  }
0x12c: {  	v4 =	vor.u32 $0x5C1, v0;
	_ =	sdelay $0x1  }
0x12d: {  	v1 =	vmax.f32 v1, v2  }
0x12e: {  	[tilespmem:$0xD90] =	vst v1  }
0x12f: {  	v1 =	vld.idx.msk [tilespmem:v3+s2+$0x0], $0xffff  }
0x130: {  	v2 =	vld.idx.msk [tilespmem:v4+s2+$0x0], $0xffff;
	_ =	sdelay $0x1  }
0x131: {  	v3 =	vor.u32 $0x5E0, v0  }
0x132: {  	v4 =	vor.u32 $0x5E1, v0;
	_ =	sdelay $0x1  }
0x133: {  	v1 =	vmax.f32 v1, v2  }
0x134: {  	[tilespmem:$0xDA0] =	vst v1  }
0x135: {  	v1 =	vld.idx.msk [tilespmem:v3+s2+$0x0], $0xffff  }
0x136: {  	v2 =	vld.idx.msk [tilespmem:v4+s2+$0x0], $0xffff;
	_ =	sdelay $0x1  }
0x137: {  	v3 =	vor.u32 $0x600, v0  }
0x138: {  	v4 =	vor.u32 $0x601, v0;
	_ =	sdelay $0x1  }
0x139: {  	v1 =	vmax.f32 v1, v2  }
0x13a: {  	[tilespmem:$0xDB0] =	vst v1  }
0x13b: {  	v1 =	vld.idx.msk [tilespmem:v3+s2+$0x0], $0xffff  }
0x13c: {  	v2 =	vld.idx.msk [tilespmem:v4+s2+$0x0], $0xffff;
	_ =	sdelay $0x1  }
0x13d: {  	v3 =	vor.u32 $0x620, v0  }
0x13e: {  	v4 =	vor.u32 $0x621, v0;
	_ =	sdelay $0x1  }
0x13f: {  	v1 =	vmax.f32 v1, v2  }
0x140: {  	[tilespmem:$0xE00] =	vst v1  }
0x141: {  	v1 =	vld.idx.msk [tilespmem:v3+s2+$0x0], $0xffff  }
0x142: {  	v2 =	vld.idx.msk [tilespmem:v4+s2+$0x0], $0xffff;
	_ =	sdelay $0x1  }
0x143: {  	v3 =	vor.u32 $0x640, v0  }
0x144: {  	v4 =	vor.u32 $0x641, v0;
	_ =	sdelay $0x1  }
0x145: {  	v1 =	vmax.f32 v1, v2  }
0x146: {  	[tilespmem:$0xE10] =	vst v1  }
0x147: {  	v1 =	vld.idx.msk [tilespmem:v3+s2+$0x0], $0xffff  }
0x148: {  	v2 =	vld.idx.msk [tilespmem:v4+s2+$0x0], $0xffff;
	_ =	sdelay $0x1  }
0x149: {  	v3 =	vor.u32 $0x660, v0  }
0x14a: {  	v4 =	vor.u32 $0x661, v0;
	_ =	sdelay $0x1  }
0x14b: {  	v1 =	vmax.f32 v1, v2  }
0x14c: {  	[tilespmem:$0xE20] =	vst v1  }
0x14d: {  	v1 =	vld.idx.msk [tilespmem:v3+s2+$0x0], $0xffff  }
0x14e: {  	v2 =	vld.idx.msk [tilespmem:v4+s2+$0x0], $0xffff;
	_ =	sdelay $0x1  }
0x14f: {  	v3 =	vor.u32 $0x680, v0  }
0x150: {  	v4 =	vor.u32 $0x681, v0;
	_ =	sdelay $0x1  }
0x151: {  	v1 =	vmax.f32 v1, v2  }
0x152: {  	[tilespmem:$0xE30] =	vst v1  }
0x153: {  	v1 =	vld.idx.msk [tilespmem:v3+s2+$0x0], $0xffff  }
0x154: {  	v2 =	vld.idx.msk [tilespmem:v4+s2+$0x0], $0xffff;
	_ =	sdelay $0x1  }
0x155: {  	v3 =	vor.u32 $0x6A0, v0  }
0x156: {  	v4 =	vor.u32 $0x6A1, v0;
	_ =	sdelay $0x1  }
0x157: {  	v1 =	vmax.f32 v1, v2  }
0x158: {  	[tilespmem:$0xE80] =	vst v1  }
0x159: {  	v1 =	vld.idx.msk [tilespmem:v3+s2+$0x0], $0xffff  }
0x15a: {  	v2 =	vld.idx.msk [tilespmem:v4+s2+$0x0], $0xffff;
	_ =	sdelay $0x1  }
0x15b: {  	v3 =	vor.u32 $0x6C0, v0  }
0x15c: {  	v4 =	vor.u32 $0x6C1, v0;
	_ =	sdelay $0x1  }
0x15d: {  	v1 =	vmax.f32 v1, v2  }
0x15e: {  	[tilespmem:$0xE90] =	vst v1  }
0x15f: {  	v1 =	vld.idx.msk [tilespmem:v3+s2+$0x0], $0xffff  }
0x160: {  	v2 =	vld.idx.msk [tilespmem:v4+s2+$0x0], $0xffff;
	_ =	sdelay $0x1  }
0x161: {  	v3 =	vor.u32 $0x6E0, v0  }
0x162: {  	v4 =	vor.u32 $0x6E1, v0;
	_ =	sdelay $0x1  }
0x163: {  	v1 =	vmax.f32 v1, v2  }
0x164: {  	[tilespmem:$0xEA0] =	vst v1  }
0x165: {  	v1 =	vld.idx.msk [tilespmem:v3+s2+$0x0], $0xffff  }
0x166: {  	v2 =	vld.idx.msk [tilespmem:v4+s2+$0x0], $0xffff;
	_ =	sdelay $0x1  }
0x167: {  	v3 =	vor.u32 $0x700, v0  }
0x168: {  	v4 =	vor.u32 $0x701, v0;
	_ =	sdelay $0x1  }
0x169: {  	v1 =	vmax.f32 v1, v2  }
0x16a: {  	[tilespmem:$0xEB0] =	vst v1  }
0x16b: {  	v1 =	vld.idx.msk [tilespmem:v3+s2+$0x0], $0xffff  }
0x16c: {  	v2 =	vld.idx.msk [tilespmem:v4+s2+$0x0], $0xffff;
	_ =	sdelay $0x1  }
0x16d: {  	v3 =	vor.u32 $0x720, v0  }
0x16e: {  	v4 =	vor.u32 $0x721, v0;
	_ =	sdelay $0x1  }
0x16f: {  	v1 =	vmax.f32 v1, v2  }
0x170: {  	[tilespmem:$0xF00] =	vst v1  }
0x171: {  	v1 =	vld.idx.msk [tilespmem:v3+s2+$0x0], $0xffff  }
0x172: {  	v2 =	vld.idx.msk [tilespmem:v4+s2+$0x0], $0xffff;
	_ =	sdelay $0x1  }
0x173: {  	v3 =	vor.u32 $0x740, v0  }
0x174: {  	v4 =	vor.u32 $0x741, v0;
	_ =	sdelay $0x1  }
0x175: {  	v1 =	vmax.f32 v1, v2  }
0x176: {  	[tilespmem:$0xF10] =	vst v1  }
0x177: {  	v1 =	vld.idx.msk [tilespmem:v3+s2+$0x0], $0xffff  }
0x178: {  	v2 =	vld.idx.msk [tilespmem:v4+s2+$0x0], $0xffff;
	_ =	sdelay $0x1  }
0x179: {  	v3 =	vor.u32 $0x760, v0  }
0x17a: {  	v4 =	vor.u32 $0x761, v0;
	_ =	sdelay $0x1  }
0x17b: {  	v1 =	vmax.f32 v1, v2  }
0x17c: {  	[tilespmem:$0xF20] =	vst v1  }
0x17d: {  	v1 =	vld.idx.msk [tilespmem:v3+s2+$0x0], $0xffff  }
0x17e: {  	v2 =	vld.idx.msk [tilespmem:v4+s2+$0x0], $0xffff;
	_ =	sdelay $0x1  }
0x17f: {  	v3 =	vor.u32 $0x780, v0  }
0x180: {  	v4 =	vor.u32 $0x781, v0;
	_ =	sdelay $0x1  }
0x181: {  	v1 =	vmax.f32 v1, v2  }
0x182: {  	[tilespmem:$0xF30] =	vst v1  }
0x183: {  	v1 =	vld.idx.msk [tilespmem:v3+s2+$0x0], $0xffff  }
0x184: {  	v2 =	vld.idx.msk [tilespmem:v4+s2+$0x0], $0xffff;
	_ =	sdelay $0x1  }
0x185: {  	v3 =	vor.u32 $0x7A0, v0  }
0x186: {  	v4 =	vor.u32 $0x7A1, v0;
	_ =	sdelay $0x1  }
0x187: {  	v1 =	vmax.f32 v1, v2  }
0x188: {  	[tilespmem:$0xF80] =	vst v1  }
0x189: {  	v1 =	vld.idx.msk [tilespmem:v3+s2+$0x0], $0xffff  }
0x18a: {  	v2 =	vld.idx.msk [tilespmem:v4+s2+$0x0], $0xffff;
	_ =	sdelay $0x1  }
0x18b: {  	v3 =	vor.u32 $0x7C0, v0  }
0x18c: {  	v4 =	vor.u32 $0x7C1, v0;
	_ =	sdelay $0x1  }
0x18d: {  	v1 =	vmax.f32 v1, v2  }
0x18e: {  	[tilespmem:$0xF90] =	vst v1  }
0x18f: {  	v1 =	vld.idx.msk [tilespmem:v3+s2+$0x0], $0xffff  }
0x190: {  	v2 =	vld.idx.msk [tilespmem:v4+s2+$0x0], $0xffff;
	_ =	sdelay $0x1  }
0x191: {  	v3 =	vor.u32 $0x7E0, v0  }
0x192: {  	v4 =	vor.u32 $0x7E1, v0;
	_ =	sdelay $0x1  }
0x193: {  	v1 =	vmax.f32 v1, v2  }
0x194: {  	[tilespmem:$0xFA0] =	vst v1  }
0x195: {  	v1 =	vld.idx.msk [tilespmem:v3+s2+$0x0], $0xffff  }
0x196: {  	v2 =	vld.idx.msk [tilespmem:v4+s2+$0x0], $0xffff;
	_ =	sdelay $0x4  }
0x197: {  	p0 =	sne.s32 s14, $0x1;
	v1 =	vmax.f32 v1, v2  }
.Ltmp0:
0x198: {  	[tilespmem:$0xFB0] =	vst v1;
	(pc) =	sbr.rel @p0 .LBB2_1-.Ltmp0, $4  }
0x199: {  	[hbm4b:s13+s2] =	stream.linear.scatter [tilespmem:s1], [sflag:$0x1], $0x800, $0x38;
	[tilespmem:$0x1000] =	vst v63  }
0x19a: {  	_ =	swait.ge [sflag:s15], $0x800  }
0x19b: {  	[sflag:s15] =	ssyncset.done $0x0  }
0x19c: {  	s14 =	sadd.s32 $0xFFFFFFFF, s14;
	[sflag:s15] =	ssyncadd.s32 $0xFFFFF800  }
0x19d: {  	_ =	sfence.sel $0x180000  }
0x19e: {  	[bflag:$0x0] =	sbarrier.arrive $0xFFFF  }
0x19f: {  	_ =	strace $0x90000047  }
0x1a0: {  	s0 =	stileid.u32;
	[bflag:$0x2] =	sbarrier.arrive $0xFFFF  }
0x1a1: {  	p0 =	sne.s32 s0, $0x0;
	s0 =	rddreg [dreg:$0x2]  }
0x1a2: {  	s0 =	sadd.s32 @!p0 $0x100000, s0  }
0x1a3: {  	[sflag:s0] =	ssyncadd.tile.s32 @!p0 $0x1;
	_ =	shalt  }
.Lfunc_end2:
_tile_overlayer_lowered:
.L_overlay_start_2:
0x1a4: {  	(tag) =	ssettag $0x2  }
0x1a5: {  	s0 =	rddreg [dreg:$0x0];
	s2 =	stileid.u32  }
0x1a6: {  	s1 =	rddreg [dreg:$0x1];
	p0 =	sne.s32 s2, $0x0  }
0x1a7: {  	s3 =	rddreg [dreg:$0x2];
	[bflag:$0x3] =	sbarrier.arrive $0xFFFF;
	s2 =	simm.s32 @!p0 $0x1C01  }
0x1a8: {  	[timem:s3], [sflag:s2] =	dma.local @!p0 [hbm:s0], s1  }
0x1a9: {  	s0 =	simm.s32 @!p0 $0x1  }
0x1aa: {  	_ =	swait.ge @!p0 [sflag:s0], s1  }
0x1ab: {  	s1 =	ssub.s32 @!p0 $0x0, s1;
	[sflag:s0] =	ssyncset.done @!p0 $0x0  }
0x1ac: {  	[sflag:s0] =	ssyncadd.s32 @!p0 s1  }
0x1ad: {  	[bflag:$0x3] =	sbarrier.arrive $0xFFFF  }
0x1ae: {  	_ =	shalt  }

// kernel: kernel.7.cloned.1.call-start
scs
__scs_entry_jumppad:
0x0: {  	(pc) =	sbr.rel $0x88, $3  }
0x1: {  	(tag) =	ssettag $0x0;
	lr =	simm.s32 $0x1  }
0x2: {  	[smem:$0x3F9F] =	sst lr;
	_ =	strace $0xD0000000  }
0x3: {  	_ = 	snop  }
0x4: {  	_ = 	snop  }
0x5: {  	_ = 	snop  }
0x6: {  	_ = 	snop  }
0x7: {  	_ = 	snop  }
__scs_overlays_trampoline_lowered:
0x8: {  	[smem:$0x3FAE] =	sst s0  }
0x9: {  	[smem:$0x3FAF] =	sst s1  }
0xa: {  	[smem:$0x3FB0] =	sst s2  }
0xb: {  	[smem:$0x3FB1] =	sst s3  }
0xc: {  	[smem:$0x3FB2] =	sst s4  }
0xd: {  	[smem:$0x3FB3] =	sst s5  }
0xe: {  	[smem:$0x3FB4] =	sst s6  }
0xf: {  	[smem:$0x3FB5] =	sst s7  }
0x10: {  	[smem:$0x3FB6] =	sst s8  }
0x11: {  	[smem:$0x3FB7] =	sst s9;
	s0 =	simm.s32 @!p0 $0x0  }
0x12: {  	s1 =	sld [smem:$0x3F9D];
	s0 =	simm.s32 @p0 $0x1  }
0x13: {  	[smem:$0x3FB8] =	sst s0;
	s0 =	simm.s32 @!p1 $0x0  }
0x14: {  	s2 =	sld [smem:$0x3F9C];
	s0 =	simm.s32 @p1 $0x1  }
0x15: {  	[smem:$0x3FB9] =	sst s0;
	s0 =	simm.s32 @!p2 $0x0  }
0x16: {  	s3 =	sld [smem:$0x3FDB];
	s0 =	simm.s32 @p2 $0x1  }
0x17: {  	s4 =	simm.s32 $0x1BF5;
	[smem:$0x3FBB] =	sst s0  }
0x18: {  	s0 =	sld [smem:$0x3F9E];
	_ =	swait.ge [sflag:s4], $0x0  }
0x19: {  	s7 =	sld [smem:$0x3F9F]  }
0x1a: {  	s8 =	sadd.s32 $0xFFFFE003, lr  }
0x1b: {  	s9 =	sadd.s32 $0xFFFFFEF7, lr;
	s5 =	simm.s32 $0xFFFFFFFF;
	p2 =	slt.u32 s8, $0xFFFFF086  }
0x1c: {  	p1 =	slt.u32 s9, $0xF7A;
	s5 =	simm.s32 @!p2 $0x0  }
0x1d: {  	s5 =	simm.s32 @p1 $0x1;
	p0 =	seq.s32 s7, s2  }
0x1e: {  	s7 =	smul.u32 @!p0 $0xF7A, s2;
	p2 =	seq.s32 @!p0 s5, $0x0  }
0x1f: {  	s9 =	smul.u32 $0xF7A, s1;
	s8 =	simm.s32 @!p0 $0x1BF5;
	p2 =	por !p2, p0  }
0x20: {  	[sflag:s8] =	ssyncset.s32 @!p0 $0xFFFFF086;
	s6 =	sadd.s32 @!p0 s3, s7;
	s7 =	simm.s32 @!p0 $0x108  }
0x21: {  	s3 =	sadd.s32 s3, s9;
	s6 =	sadd.s32 @!p0 $0x88, s6;
	s7 =	simm.s32 @p2 $0x1082  }
0x22: {  	[simem:s7], [sflag:s8] =	dma.local @!p0 [hbm:s6], $0xF7A  }
0x23: {  	s9 =	sor.u32 $0xD0000000, s2;
	s6 =	simm.s32 $0x108;
	_ =	swait.ge @!p0 [sflag:s8], $0x0  }
0x24: {  	s3 =	sadd.s32 $0x88, s3;
	s6 =	simm.s32 @!p1 $0x1082;
	[sflag:s4] =	ssyncset.s32 $0xFFFFF086  }
0x25: {  	[simem:s6], [sflag:s4] =	dma.local [hbm:s3], $0xF7A  }
0x26: {  	[smem:$0x3F9F] =	sst s1;
	(tag) =	ssettag s2;
	_ =	strace s9  }
0x27: {  	s1 =	sld [smem:$0x3FAF]  }
0x28: {  	s2 =	sld [smem:$0x3FB0]  }
0x29: {  	s4 =	sld [smem:$0x3FB2]  }
0x2a: {  	p0 =	seq.s32 s5, $0x0;
	s5 =	sld [smem:$0x3FB3]  }
0x2b: {  	s6 =	sld [smem:$0x3FB4]  }
0x2c: {  	s7 =	sld [smem:$0x3FB5]  }
0x2d: {  	s3 =	simm.s32 $0x108;
	s8 =	sld [smem:$0x3FB6]  }
0x2e: {  	s3 =	simm.s32 @!p0 $0x1082;
	s9 =	sld [smem:$0x3FB7]  }
0x2f: {  	lr =	sadd.s32 s0, s3;
	s0 =	sld [smem:$0x3FAE]  }
0x30: {  	s3 =	sld [smem:$0x3FB1]  }
0x31: {  	[smem:$0x3FBA] =	sst s10  }
0x32: {  	s10 =	sld [smem:$0x3FB8];
	_ =	sdelay $0x3  }
0x33: {  	p0 =	seq.s32 s10, $0x1;
	s10 =	sld [smem:$0x3FBA];
	_ =	sdelay $0x3  }
0x34: {  	[smem:$0x3FBA] =	sst s10  }
0x35: {  	s10 =	sld [smem:$0x3FB9];
	_ =	sdelay $0x3  }
0x36: {  	p1 =	seq.s32 s10, $0x1;
	s10 =	sld [smem:$0x3FBA];
	_ =	sdelay $0x3  }
0x37: {  	[smem:$0x3FBA] =	sst s10  }
0x38: {  	s10 =	sld [smem:$0x3FBB]  }
0x39: {  	_ = 	snop;
	(pc) =	sbr.ind lr, $3  }
0x3a: {  	_ = 	snop  }
0x3b: {  	_ = 	snop  }
0x3c: {  	p2 =	seq.s32 s10, $0x1;
	s10 =	sld [smem:$0x3FBA]  }
0x3d: {  	_ =	shalt  }
0x3e: {  	_ =	shalt  }
0x3f: {  	_ =	shalt  }
0x40: {  	_ =	shalt  }
0x41: {  	_ =	shalt  }
0x42: {  	_ =	shalt  }
0x43: {  	_ =	shalt  }
0x44: {  	_ =	shalt  }
0x45: {  	_ =	shalt  }
0x46: {  	_ =	shalt  }
0x47: {  	_ =	shalt  }
0x48: {  	_ =	shalt  }
0x49: {  	_ =	shalt  }
0x4a: {  	_ =	shalt  }
0x4b: {  	_ =	shalt  }
0x4c: {  	_ =	shalt  }
0x4d: {  	_ =	shalt  }
0x4e: {  	_ =	shalt  }
0x4f: {  	_ =	shalt  }
0x50: {  	_ =	shalt  }
0x51: {  	_ =	shalt  }
0x52: {  	_ =	shalt  }
0x53: {  	_ =	shalt  }
0x54: {  	_ =	shalt  }
0x55: {  	_ =	shalt  }
0x56: {  	_ =	shalt  }
0x57: {  	_ =	shalt  }
0x58: {  	_ =	shalt  }
0x59: {  	_ =	shalt  }
0x5a: {  	_ =	shalt  }
0x5b: {  	_ =	shalt  }
0x5c: {  	_ =	shalt  }
0x5d: {  	_ =	shalt  }
0x5e: {  	_ =	shalt  }
0x5f: {  	_ =	shalt  }
0x60: {  	_ =	shalt  }
0x61: {  	_ =	shalt  }
0x62: {  	_ =	shalt  }
0x63: {  	_ =	shalt  }
0x64: {  	_ =	shalt  }
0x65: {  	_ =	shalt  }
0x66: {  	_ =	shalt  }
0x67: {  	_ =	shalt  }
0x68: {  	_ =	shalt  }
0x69: {  	_ =	shalt  }
0x6a: {  	_ =	shalt  }
0x6b: {  	_ =	shalt  }
0x6c: {  	_ =	shalt  }
0x6d: {  	_ =	shalt  }
0x6e: {  	_ =	shalt  }
0x6f: {  	_ =	shalt  }
0x70: {  	_ =	shalt  }
0x71: {  	_ =	shalt  }
0x72: {  	_ =	shalt  }
0x73: {  	_ =	shalt  }
0x74: {  	_ =	shalt  }
0x75: {  	_ =	shalt  }
0x76: {  	_ =	shalt  }
0x77: {  	_ =	shalt  }
0x78: {  	_ =	shalt  }
0x79: {  	_ =	shalt  }
0x7a: {  	_ =	shalt  }
0x7b: {  	_ =	shalt  }
0x7c: {  	_ =	shalt  }
0x7d: {  	_ =	shalt  }
0x7e: {  	_ =	shalt  }
0x7f: {  	_ =	shalt  }
0x80: {  	_ =	shalt  }
0x81: {  	_ =	shalt  }
0x82: {  	_ =	shalt  }
0x83: {  	_ =	shalt  }
0x84: {  	_ =	shalt  }
0x85: {  	_ =	shalt  }
0x86: {  	_ =	shalt  }
0x87: {  	_ =	shalt  }
.Lfunc_end0:
.L_simem_size_0:
called_computation.2_lowered:
.L_overlay_start_0:
0x88: {  	s2 =	sld [smem:$0x3FD9]  }
0x89: {  	s3 =	sld [smem:$0x3FFE];
	_ =	sdelay $0x1  }
0x8a: {  	s1 =	srdreg.scid  }
0x8b: {  	s0 =	sand.u32 $0x1, s1  }
0x8c: {  	s14 =	sshll.u32 s0, $0xA;
	s2 =	sadd.s32 s3, s2  }
0x8d: {  	s2 =	sadd.s32 s2, s14  }
0x8e: {  	[smem:$0x3FC6] =	sst s2  }
0x8f: {  	_ = 	snop  }
0x90: {  	s2 =	sld [smem:$0x3FD0];
	_ =	sdelay $0x2  }
0x91: {  	s4 =	simm.s32 $0xA;
	s5 =	simm.s32 $0x10;
	s15 =	sld [smem:$0x3FC8]  }
0x92: {  	[smem:s5], [sflag:s4] =	dma.local [hbm:s2], $0x1  }
0x93: {  	_ =	swait.eq [sflag:s4], $0x1  }
0x94: {  	[sflag:s4] =	ssyncset.done $0x0  }
0x95: {  	s16 =	sld [smem:$0x10];
	[sflag:s4] =	ssyncadd.s32 $0xFFFFFFFF  }
0x96: {  	s17 =	sld [smem:$0x11];
	(tm) =	ssettm $0x1  }
0x97: {  	s18 =	sld [smem:$0x3FFB];
	_ =	sdelay $0x3  }
0x98: {  	_ =	strace s18  }
0x99: {  	s5 =	sld [smem:$0x3FFC];
	_ =	sdelay $0x3  }
0x9a: {  	_ =	strace s5  }
0x9b: {  	s5 =	sld [smem:$0x3FFD];
	_ =	sdelay $0x3  }
0x9c: {  	_ =	strace s5  }
0x9d: {  	_ =	strace $0x8FFFFFFF  }
0x9e: {  	s19 =	sld [smem:$0x3FDB];
	_ =	sdelay $0x1  }
0x9f: {  	s6 =	simm.s32 $_scs_section_size  }
0xa0: {  	s7 =	simm.s32 $_size__tile_overlayer_lowered;
	s8 =	simm.s32 $_tile_overlayer_lowered  }
0xa1: {  	s22 =	simm.s32 $0x1BFF;
	s21 =	sshll.u32 s8, $0x1;
	s5 =	sadd.s32 s6, s19  }
0xa2: {  	s9 =	simm.s32 $0x0;
	s20 =	sshll.u32 s7, $0x1;
	s7 =	sadd.s32 s21, s5  }
0xa3: {  	[timem:s9], [sflag:s22] =	dma.local [hbm:s7], s20  }
0xa4: {  	_ =	swait.ge [sflag:s22], s20  }
0xa5: {  	s6 =	ssub.s32 $0x0, s20;
	[sflag:s22] =	ssyncset.done $0x0  }
0xa6: {  	[sflag:s22] =	ssyncadd.s32 s6;
	_ =	sdelay $0x1  }
0xa7: {  	s23 =	simm.s32 $0x1B8B  }
0xa8: {  	_ =	swait.ge [sflag:s23], $0x1  }
0xa9: {  	[sflag:s23] =	ssyncset.done $0x0  }
0xaa: {  	s25 =	simm.s32 $0x1B8E;
	s24 =	sld [smem:$0x3FFE];
	[sflag:s23] =	ssyncadd.s32 $0xFFFFFFFF  }
0xab: {  	s26 =	simm.s32 $execute0_lowered;
	[smem:$0x3FD2] =	sst s25  }
0xac: {  	s7 =	sshll.u32 s26, $0x1;
	_ =	strace $0x80000049;
	[dreg:$0x1] =	wrdreg $0xFFFFFFFF  }
0xad: {  	s28 =	simm.s32 $_size_execute0_lowered;
	s5 =	sadd.s32 s5, s7;
	[dreg:$0x0] =	wrdreg $0x0  }
0xae: {  	s7 =	sshll.u32 s28, $0x1;
	[dreg:$0x2] =	wrdreg s5  }
0xaf: {  	[dreg:$0x3] =	wrdreg s7  }
0xb0: {  	[dreg:$0x4] =	wrdreg $0xC0  }
0xb1: {  	_ =	task [dreg:s9], $0x5FFFF  }
0xb2: {  	[dreg:$0x1] =	wrdreg $0xFFFFFFFF  }
0xb3: {  	[dreg:$0x0] =	wrdreg $0x60  }
0xb4: {  	[dreg:$0x2] =	wrdreg s15  }
0xb5: {  	[dreg:$0x3] =	wrdreg s24  }
0xb6: {  	[dreg:$0x4] =	wrdreg s16  }
0xb7: {  	[dreg:$0x5] =	wrdreg s17  }
0xb8: {  	[dreg:$0x6] =	wrdreg $0x9  }
0xb9: {  	_ =	task.clear_ibuf [dreg:s9], $0x7FFFF;
	_ =	strace $0x90000049  }
0xba: {  	s29 =	simm.s32 $0x9;
	_ =	strace $0x8000004B  }
0xbb: {  	_ =	swait.ge [sflag:s29], $0x1  }
0xbc: {  	[sflag:s29] =	ssyncadd.s32 $0xFFFFFFFF  }
0xbd: {  	_ =	strace $0x9000004B  }
0xbe: {  	_ =	sfence  }
0xbf: {  	s30 =	sld [smem:$0x0];
	_ =	sdelay $0x2  }
0xc0: {  	s31 =	sshll.u32 s1, $0xD;
	s1 =	sshrl.u32 s1, $0x2  }
0xc1: {  	s3 =	sand.u32 $0x4000, s31;
	s1 =	sadd.s32 s1, s30  }
0xc2: {  	s0 =	sor.u32 s3, s0;
	s1 =	sshll.u32 s1, $0x11  }
0xc3: {  	s0 =	sor.u32 s1, s0  }
0xc4: {  	s0 =	sadd.s32 $0x8F2B, s0  }
0xc5: {  	[sflag:s0] =	ssyncadd.remote.s32 $0x1  }
0xc6: {  	_ =	sfence.sel $0xFFFF  }
0xc7: {  	[dreg:$0x0] =	wrdreg $0xFFFFFFFF;
	(pc) =	sbr.abs _section_cstart, $3  }
0xc8: {  	[dreg:$0x1] =	wrdreg $0xFFFFFFFF  }
0xc9: {  	_ =	task.clear_ibuf [dreg:s9], $0x2FFFF;
	_ =	strace $0x9FFFFFFF  }
0xca: {  	(tm) =	ssettm $0x7FFFFFFF  }
0xcb: {  	_ =	shalt  }
tec
execute0_lowered:
.L_overlay_start_1:
0x0: {  	(tag) =	ssettag $0x1  }
0x1: {  	s1 =	rddreg [dreg:$0x0]  }
0x2: {  	s5 =	rddreg [dreg:$0x1]  }
0x3: {  	s7 =	rddreg [dreg:$0x2];
	s2 =	srdreg.scid  }
0x4: {  	s0 =	stileid.u32;
	s8 =	rddreg [dreg:$0x3];
	s3 =	simm.s32 $0x0  }
0x5: {  	s14 =	simm.s32 $0x2;
	s15 =	simm.s32 $0x0;
	s10 =	smul.u32 $0x64000, s0  }
0x6: {  	s6 =	sand.u32 $0x1, s2;
	s2 =	rddreg [dreg:$0x4];
	s13 =	smul.u32 $0xC8000, s0  }
0x7: {  	s4 =	sshll.u32 s0, $0x1;
	[smem:$0x7FF] =	sst s3;
	s12 =	smul.u32 $0x32000, s6  }
0x8: {  	s4 =	sor.u32 s6, s4;
	_ =	strace $0x8000004A;
	s30 =	smul.u32 $0x64000, s6  }
0x9: {  	s11 =	ssub.s32 $0x2, s6;
	s9 =	smul.u32 $0x6400, s4;
	s4 =	sadd.s32 $0x1A000, s5  }
0xa: {  	s29 =	sshrl.u32 s11, $0x1;
	s8 =	sadd.s32 s10, s8;
	s31 =	sadd.s32 s13, s7  }
0xb: {  	s10 =	simm.s32 $0x80;
	s13 =	simm.s32 $0x1;
	s7 =	sadd.s32 s12, s8  }
0xc: {  	s8 =	sadd.s32 s30, s31;
	s12 =	simm.s32 $0xA400;
	s9 =	sshrl.u32 s9, $0x3  }
0xd: {  	s5 =	sadd.s32 s9, s5;
	s9 =	ssub.s32 s11, s29;
	s11 =	simm.s32 $0x6400  }
0xe: {  	s5 =	sadd.s32 $0x1000, s5;
	s6 =	smax.u32 s9, $0x1;
	s9 =	simm.s32 $0x3  }
.LBB2_1:
0xf: {  	[tilespmem:s3], [sflag:$0x3] =	stream.linear.gather [hbm4b:s5+s3], $0x6400, $0x38;
	[tilespmem:$0xC400] =	vst v63  }
0x10: {  	_ =	swait.ge [sflag:s9], $0x6400  }
0x11: {  	[sflag:s9] =	ssyncset.done $0x0  }
0x12: {  	s16 =	simm.s32 $0x0;
	[sflag:s9] =	ssyncadd.s32 $0xFFFF9C00  }
0x13: {  	[tilespmem:s11], [sflag:$0x1] =	stream.indirect.gather [hbm4b:s1+s10], $0x80, s16, s10, $0xb8;
	[tilespmem:$0xC400] =	vst v63  }
0x14: {  	_ = 	snop  }
0x15: {  	[tilespmem:s12], [sflag:$0x2] =	stream.indirect.gather [hbm4b:s4+s10], $0x40, s16, s10, $0xb8;
	[tilespmem:$0xC400] =	vst v63  }
0x16: {  	_ =	swait.ge [sflag:s13], $0x4000  }
0x17: {  	[sflag:s13] =	ssyncset.done $0x0  }
0x18: {  	[sflag:s13] =	ssyncadd.s32 $0xFFFFC000  }
0x19: {  	_ =	swait.ge [sflag:s14], $0x2000  }
0x1a: {  	[sflag:s14] =	ssyncset.done $0x0  }
0x1b: {  	[sflag:s14] =	ssyncadd.s32 $0xFFFFE000  }
0x1c: {  	[hbm4b:s8+s3] =	stream.linear.scatter [tilespmem:s11], [sflag:$0x3], $0x4000, $0x38;
	[tilespmem:$0xC400] =	vst v63  }
0x1d: {  	_ =	swait.ge [sflag:s9], $0x4000  }
0x1e: {  	[sflag:s9] =	ssyncset.done $0x0  }
0x1f: {  	[sflag:s9] =	ssyncadd.s32 $0xFFFFC000  }
0x20: {  	[hbm4b:s7+s3] =	stream.linear.scatter [tilespmem:s12], [sflag:$0x3], $0x2000, $0x38;
	[tilespmem:$0xC400] =	vst v63  }
0x21: {  	s18 =	simm.s32 $0x200;
	s19 =	simm.s32 $0x400;
	_ =	swait.ge [sflag:s9], $0x2000  }
0x22: {  	s17 =	sadd.s32 $0x800, s8;
	s16 =	sadd.s32 $0x400, s7;
	[sflag:s9] =	ssyncset.done $0x0  }
.LBB2_2:
0x23: {  	s20 =	sshra.s32 s18, $0x2  }
0x24: {  	[sflag:s9] =	ssyncadd.s32 $0xFFFFE000;
	s18 =	smov.u32 s19;
	s21 =	sadd.s32 $0x200, s19  }
0x25: {  	[tilespmem:s11], [sflag:$0x1] =	stream.indirect.gather [hbm4b:s1+s10], $0x80, s20, s10, $0xb8;
	[tilespmem:$0xC400] =	vst v63  }
0x26: {  	p0 =	sne.s32 s19, $0x18E00  }
0x27: {  	[tilespmem:s12], [sflag:$0x2] =	stream.indirect.gather [hbm4b:s4+s10], $0x40, s20, s10, $0xb8;
	[tilespmem:$0xC400] =	vst v63  }
0x28: {  	_ =	swait.ge [sflag:s13], $0x4000  }
0x29: {  	[sflag:s13] =	ssyncset.done $0x0  }
0x2a: {  	[sflag:s13] =	ssyncadd.s32 $0xFFFFC000  }
0x2b: {  	_ =	swait.ge [sflag:s14], $0x2000  }
0x2c: {  	[sflag:s14] =	ssyncset.done $0x0  }
0x2d: {  	[sflag:s14] =	ssyncadd.s32 $0xFFFFE000  }
0x2e: {  	[hbm4b:s17+s3] =	stream.linear.scatter [tilespmem:s11], [sflag:$0x3], $0x4000, $0x38;
	[tilespmem:$0xC400] =	vst v63  }
0x2f: {  	_ =	swait.ge [sflag:s9], $0x4000  }
.Ltmp0:
0x30: {  	[sflag:s9] =	ssyncset.done $0x0;
	(pc) =	sbr.rel @p0 .LBB2_2-.Ltmp0, $4  }
0x31: {  	[sflag:s9] =	ssyncadd.s32 $0xFFFFC000  }
0x32: {  	[hbm4b:s16+s3] =	stream.linear.scatter [tilespmem:s12], [sflag:$0x3], $0x2000, $0x38;
	[tilespmem:$0xC400] =	vst v63  }
0x33: {  	s19 =	smov.u32 s21;
	_ =	swait.ge [sflag:s9], $0x2000  }
0x34: {  	s17 =	sadd.s32 $0x800, s17;
	s16 =	sadd.s32 $0x400, s16;
	[sflag:s9] =	ssyncset.done $0x0  }
0x35: {  	s18 =	sshra.s32 s18, $0x2;
	[sflag:s9] =	ssyncadd.s32 $0xFFFFE000  }
0x36: {  	[tilespmem:s11], [sflag:$0x1] =	stream.indirect.gather [hbm4b:s1+s10], $0x80, s18, s10, $0xb8;
	[tilespmem:$0xC400] =	vst v63  }
0x37: {  	_ = 	snop  }
0x38: {  	[tilespmem:s12], [sflag:$0x2] =	stream.indirect.gather [hbm4b:s4+s10], $0x40, s18, s10, $0xb8;
	[tilespmem:$0xC400] =	vst v63  }
0x39: {  	_ =	swait.ge [sflag:s13], $0x4000  }
0x3a: {  	[sflag:s13] =	ssyncset.done $0x0  }
0x3b: {  	[sflag:s13] =	ssyncadd.s32 $0xFFFFC000  }
0x3c: {  	_ =	swait.ge [sflag:s14], $0x2000  }
0x3d: {  	[sflag:s14] =	ssyncset.done $0x0  }
0x3e: {  	[sflag:s14] =	ssyncadd.s32 $0xFFFFE000  }
0x3f: {  	[hbm4b:s17+s3] =	stream.linear.scatter [tilespmem:s11], [sflag:$0x3], $0x4000, $0x38;
	[tilespmem:$0xC400] =	vst v63  }
0x40: {  	s15 =	sadd.s32 $0x1, s15;
	_ =	swait.ge [sflag:s9], $0x4000  }
0x41: {  	p0 =	sne.s32 s15, s6;
	[sflag:s9] =	ssyncset.done $0x0  }
.Ltmp1:
0x42: {  	[sflag:s9] =	ssyncadd.s32 $0xFFFFC000;
	(pc) =	sbr.rel @p0 .LBB2_1-.Ltmp1, $4  }
0x43: {  	[hbm4b:s16+s3] =	stream.linear.scatter [tilespmem:s12], [sflag:$0x3], $0x2000, $0x38;
	[tilespmem:$0xC400] =	vst v63  }
0x44: {  	_ =	swait.ge [sflag:s9], $0x2000  }
0x45: {  	[sflag:s9] =	ssyncset.done $0x0  }
0x46: {  	[sflag:s9] =	ssyncadd.s32 $0xFFFFE000  }
0x47: {  	_ =	sfence.sel $0x180000  }
0x48: {  	[bflag:$0x0] =	sbarrier.arrive $0xFFFF  }
0x49: {  	p0 =	sne.s32 s0, $0x0;
	_ =	strace $0x9000004A  }
0x4a: {  	s0 =	sadd.s32 @!p0 $0x100000, s2;
	[bflag:$0x2] =	sbarrier.arrive $0xFFFF  }
0x4b: {  	[sflag:s0] =	ssyncadd.tile.s32 @!p0 $0x1;
	_ =	shalt  }
.Lfunc_end2:
_tile_overlayer_lowered:
.L_overlay_start_2:
0x4c: {  	(tag) =	ssettag $0x2  }
0x4d: {  	s0 =	rddreg [dreg:$0x0];
	s2 =	stileid.u32  }
0x4e: {  	s1 =	rddreg [dreg:$0x1];
	p0 =	sne.s32 s2, $0x0  }
0x4f: {  	s3 =	rddreg [dreg:$0x2];
	[bflag:$0x3] =	sbarrier.arrive $0xFFFF;
	s2 =	simm.s32 @!p0 $0x1C03  }
0x50: {  	[timem:s3], [sflag:s2] =	dma.local @!p0 [hbm:s0], s1  }
0x51: {  	s0 =	simm.s32 @!p0 $0x3  }
0x52: {  	_ =	swait.ge @!p0 [sflag:s0], s1  }
0x53: {  	s1 =	ssub.s32 @!p0 $0x0, s1;
	[sflag:s0] =	ssyncset.done @!p0 $0x0  }
0x54: {  	[sflag:s0] =	ssyncadd.s32 @!p0 s1  }
0x55: {  	[bflag:$0x3] =	sbarrier.arrive $0xFFFF  }
0x56: {  	_ =	shalt  }

// kernel: sparse-core-data-format-call.cloned.1.call-start
scs
called_computation_lowered:
.L_overlay_start_0:
0x0: {  	s2 =	sld [smem:$0x3FD9]  }
0x1: {  	s3 =	sld [smem:$0x3FFE];
	_ =	sdelay $0x1  }
0x2: {  	s1 =	srdreg.scid  }
0x3: {  	s0 =	sand.u32 $0x1, s1  }
0x4: {  	s15 =	sshll.u32 s0, $0xA;
	s2 =	sadd.s32 s3, s2  }
0x5: {  	s2 =	sadd.s32 s2, s15  }
0x6: {  	[smem:$0x3FC6] =	sst s2  }
0x7: {  	_ = 	snop  }
0x8: {  	s2 =	sld [smem:$0x3FD0];
	_ =	sdelay $0x2  }
0x9: {  	s16 =	simm.s32 $0xA;
	s4 =	simm.s32 $0x10  }
0xa: {  	[smem:s4], [sflag:s16] =	dma.local [hbm:s2], $0x1  }
0xb: {  	_ =	swait.eq [sflag:s16], $0x1  }
0xc: {  	[sflag:s16] =	ssyncset.done $0x0  }
0xd: {  	[sflag:s16] =	ssyncadd.s32 $0xFFFFFFFF  }
0xe: {  	s17 =	sld [smem:$0x11];
	(tm) =	ssettm $0x1  }
0xf: {  	s18 =	sld [smem:$0x3FFB];
	_ =	sdelay $0x3  }
0x10: {  	_ =	strace s18  }
0x11: {  	s3 =	sld [smem:$0x3FFC];
	_ =	sdelay $0x3  }
0x12: {  	_ =	strace s3  }
0x13: {  	s3 =	sld [smem:$0x3FFD];
	_ =	sdelay $0x3  }
0x14: {  	_ =	strace s3  }
0x15: {  	_ =	strace $0x8FFFFFFF  }
0x16: {  	s19 =	sld [smem:$0x3FDB];
	_ =	sdelay $0x1  }
0x17: {  	s20 =	simm.s32 $_scs_section_size  }
0x18: {  	s5 =	simm.s32 $_size__tile_overlayer_lowered;
	s6 =	simm.s32 $_tile_overlayer_lowered  }
0x19: {  	s23 =	simm.s32 $0x1BFF;
	s22 =	sshll.u32 s6, $0x1;
	s3 =	sadd.s32 s20, s19  }
0x1a: {  	s7 =	simm.s32 $0x0;
	s21 =	sshll.u32 s5, $0x1;
	s5 =	sadd.s32 s22, s3  }
0x1b: {  	[timem:s7], [sflag:s23] =	dma.local [hbm:s5], s21  }
0x1c: {  	_ =	swait.ge [sflag:s23], s21  }
0x1d: {  	s4 =	ssub.s32 $0x0, s21;
	[sflag:s23] =	ssyncset.done $0x0  }
0x1e: {  	[sflag:s23] =	ssyncadd.s32 s4;
	_ =	sdelay $0x1  }
0x1f: {  	s24 =	simm.s32 $0x1B8B  }
0x20: {  	_ =	swait.ge [sflag:s24], $0x1  }
0x21: {  	[sflag:s24] =	ssyncset.done $0x0  }
0x22: {  	s26 =	simm.s32 $0x1B8E;
	s25 =	sld [smem:$0x3FFE];
	[sflag:s24] =	ssyncadd.s32 $0xFFFFFFFF  }
0x23: {  	s27 =	simm.s32 $execute0_lowered;
	[smem:$0x3FD2] =	sst s26  }
0x24: {  	s5 =	sshll.u32 s27, $0x1;
	_ =	strace $0x8000004C;
	[dreg:$0x1] =	wrdreg $0xFFFFFFFF  }
0x25: {  	s28 =	simm.s32 $_size_execute0_lowered;
	s3 =	sadd.s32 s3, s5;
	[dreg:$0x0] =	wrdreg $0x0  }
0x26: {  	s5 =	sshll.u32 s28, $0x1;
	[dreg:$0x2] =	wrdreg s3  }
0x27: {  	[dreg:$0x3] =	wrdreg s5  }
0x28: {  	[dreg:$0x4] =	wrdreg $0xC0  }
0x29: {  	_ =	task [dreg:s7], $0x5FFFF  }
0x2a: {  	[dreg:$0x1] =	wrdreg $0xFFFFFFFF  }
0x2b: {  	[dreg:$0x0] =	wrdreg $0x60  }
0x2c: {  	[dreg:$0x2] =	wrdreg s25  }
0x2d: {  	[dreg:$0x3] =	wrdreg s17  }
0x2e: {  	[dreg:$0x4] =	wrdreg $0x9  }
0x2f: {  	_ =	task.clear_ibuf [dreg:s7], $0x5FFFF;
	_ =	strace $0x9000004C  }
0x30: {  	s29 =	simm.s32 $0x9;
	_ =	strace $0x8000004E  }
0x31: {  	_ =	swait.ge [sflag:s29], $0x1  }
0x32: {  	[sflag:s29] =	ssyncadd.s32 $0xFFFFFFFF  }
0x33: {  	_ =	strace $0x9000004E  }
0x34: {  	_ =	sfence  }
0x35: {  	s30 =	sld [smem:$0x0];
	_ =	sdelay $0x2  }
0x36: {  	s31 =	sshll.u32 s1, $0xD;
	s1 =	sshrl.u32 s1, $0x2  }
0x37: {  	s3 =	sand.u32 $0x4000, s31;
	s1 =	sadd.s32 s1, s30  }
0x38: {  	s0 =	sor.u32 s3, s0;
	s1 =	sshll.u32 s1, $0x11  }
0x39: {  	s0 =	sor.u32 s1, s0  }
0x3a: {  	s0 =	sadd.s32 $0x8F2B, s0  }
0x3b: {  	[sflag:s0] =	ssyncadd.remote.s32 $0x1  }
0x3c: {  	_ =	sfence.sel $0xFFFF  }
0x3d: {  	[dreg:$0x0] =	wrdreg $0xFFFFFFFF;
	(pc) =	sbr.abs _section_cstart, $3  }
0x3e: {  	[dreg:$0x1] =	wrdreg $0xFFFFFFFF  }
0x3f: {  	_ =	task.clear_ibuf [dreg:s7], $0x2FFFF;
	_ =	strace $0x9FFFFFFF  }
0x40: {  	(tm) =	ssettm $0x7FFFFFFF  }
0x41: {  	_ =	shalt  }
tec
execute0_lowered:
.L_overlay_start_1:
0x0: {  	(tag) =	ssettag $0x1  }
0x1: {  	s0 =	srdreg.scid  }
0x2: {  	s1 =	sshll.u32 s0, $0x4  }
0x3: {  	s0 =	stileid.u32;
	s1 =	sand.u32 $0x10, s1  }
0x4: {  	s1 =	sor.u32 s0, s1  }
0x5: {  	s6 =	rddreg [dreg:$0x0];
	s4 =	simm.s32 $0x1;
	s2 =	sshll.u32 s1, $0x7  }
0x6: {  	s7 =	simm.s32 $0x2;
	s12 =	simm.s32 $0x0;
	s1 =	ssub.s32 $0x1000, s2  }
0x7: {  	s8 =	simm.s32 $0x8000;
	s13 =	simm.s32 $0x0;
	s3 =	sand.u32 $0xF80, s1  }
0x8: {  	s9 =	simm.s32 $0x0;
	s5 =	sshrl.u32 s1, $0xC;
	p0 =	sne.s32 s3, $0x0  }
.Ltmp0:
0x9: {  	s1 =	rddreg [dreg:$0x2];
	s4 =	simm.s32 @!p0 $0x0;
	(pc) =	sbr.rel .LBB1_1-.Ltmp0, $4  }
0xa: {  	s11 =	simm.s32 $0x0;
	s3 =	rddreg [dreg:$0x1];
	s5 =	sadd.s32 s4, s5  }
0xb: {  	_ =	strace $0x8000004D;
	s4 =	simm.s32 $0x1;
	s5 =	smul.u32 $0xC8, s5  }
0xc: {  	s6 =	sadd.s32 $0x1000, s6;
	s10 =	smov.u32 s2;
	[sflag:s4] =	ssyncpa.u1 $0x0  }
0xd: {  	p0 =	por $0x0, $0x0;
	[sflag:s7] =	ssyncpa.u1 $0x0;
	s7 =	sor.u32 $0x1, s5  }
.LBB1_4:
0xe: {  	s16 =	sshll.u32 s13, $0x3;
	s17 =	sand.u32 $0x78, s13  }
0xf: {  	s30 =	sand.u32 $0x7E00, s13;
	s12 =	sshll.u32 s12, $0xF;
	s16 =	sand.u32 $0xC00, s16  }
0x10: {  	[tilespmem:s15+$0x810 ss:$0x81] =	vst.msk $0xffff, v2;
	s31 =	sand.u32 $0x7, s13;
	s16 =	sor.u32 s17, s16;
	s17 =	sadd.s32 s3, s30  }
0x11: {  	[tilespmem:s15+$0x1020 ss:$0x81] =	vst.msk $0xffff, v0;
	s13 =	sshll.u32 s31, $0x12;
	s12 =	sadd.s32 s12, s17;
	s16 =	sshrl.u32 s16, $0x3  }
0x12: {  	[tilespmem:s15+$0x0 ss:$0x81] =	vst.msk $0xffff, v1;
	s13 =	sor.u32 $0x400, s13;
	s12 =	sadd.s32 s16, s12  }
0x13: {  	[hbm4b:s12+s13] =	stream.strided.scatter [tilespmem:s14], [sflag:$0x2], $0x2000, s8, s13, $0x20;
	[tilespmem:$0x8080] =	vst v63  }
.LBB1_5:
0x14: {  	s14 =	sadd.s32 $0x1, s9  }
0x15: {  	s12 =	sadd.s32 $0x1000, s10;
	s16 =	smov.u32 s10;
	p2 =	sgt.s32 s14, $0xC7  }
0x16: {  	s16 =	smov.u32 @p2 s12  }
0x17: {  	s14 =	simm.s32 @p2 $0x0;
	p2 =	sgt.s32 s16, $0xFFF  }
0x18: {  	s16 =	smov.u32 @p2 s2;
	p2 =	sne.s32 s11, s7  }
.Ltmp1:
0x19: {  	p1 =	slt.u32 s11, $0x2;
	(pc) =	sbr.rel @!p2 .LBB1_6-.Ltmp1, $4  }
0x1a: {  	s15 =	simm.s32 @!p1 $0x2  }
0x1b: {  	s13 =	smov.u32 s10;
	p0 =	por !p0, !p0;
	_ =	swait.ge @!p1 [sflag:s15], $0x2000  }
0x1c: {  	s12 =	smov.u32 s9;
	[sflag:s15] =	ssyncset.done @!p1 $0x0;
	s9 =	smov.u32 s14  }
0x1d: {  	s11 =	sadd.s32 $0x1, s11;
	[sflag:s15] =	ssyncadd.s32 @!p1 $0xFFFFE000;
	s10 =	smov.u32 s16  }
.LBB1_1:
0x1e: {  	p1 =	sge.u32 s11, s5  }
0x1f: {  	s14 =	sand.u32 @!p1 $0x1FFFFFF, s9  }
0x20: {  	s15 =	smulhi.u32 @!p1 $0x147AE15, s14;
	_ =	sdelay $0x1  }
0x21: {  	s15 =	smul.u32 @!p1 $0xC8, s15  }
0x22: {  	s16 =	sxor.u32 @!p1 $0xFFFFFFFF, s11;
	s17 =	smul.u32 @!p1 $0xC80, s10  }
0x23: {  	s31 =	sadd.s32 $0xFFFFFFFF, s11;
	s16 =	sshll.u32 @!p1 s16, $0xD;
	s14 =	ssub.s32 @!p1 s14, s15  }
0x24: {  	s15 =	sand.u32 @!p1 $0x2000, s16;
	s16 =	sadd.s32 @!p1 s6, s17;
	s14 =	sshll.u32 @!p1 s14, $0x4  }
0x25: {  	s17 =	simm.s32 @!p1 $0x6400;
	s14 =	sadd.s32 @!p1 s14, s16;
	s16 =	simm.s32 @!p1 $0x40  }
0x26: {  	[tilespmem:s15], [sflag:$0x1] =	stream.strided.gather @!p1 [hbm4b:s14+s16], $0x2000, s17, s16, $0x38;
	[tilespmem:$0x8080] =	vst v63  }
0x27: {  	p1 =	sge.u32 s31, s5  }
.Ltmp2:
0x28: {  	_ = 	snop;
	(pc) =	sbr.rel @p1 .LBB1_5-.Ltmp2, $1  }
0x29: {  	_ =	sdelay $0x3  }
0x2a: {  	s14 =	simm.s32 $0x1  }
0x2b: {  	_ =	swait.ge [sflag:s4], $0x2000;
	s14 =	simm.s32 @!p0 $0x0  }
0x2c: {  	[sflag:s4] =	ssyncset.done $0x0;
	s15 =	sshll.u32 s14, $0xD  }
0x2d: {  	[sflag:s4] =	ssyncadd.s32 $0xFFFFE000;
	s18 =	sor.u32 $0x20, s15  }
0x2e: {  	s14 =	smul.u32 $0x8100, s14;
	v3 =	vld [tilespmem:s18+$0x10]  }
0x2f: {  	s30 =	sand.u32 $0x1, s11;
	v2 =	vld [tilespmem:s18+$0xFFFFFFF0]  }
0x30: {  	s15 =	smul.u32 $0x8100, s30;
	s14 =	sshrl.u32 s14, $0x2;
	v0 =	vld [tilespmem:s18+$0x0]  }
0x31: {  	v1 =	vld [tilespmem:s18+$0xFFFFFFE0];
	s16 =	sor.u32 $0x4000, s14  }
0x32: {  	s31 =	sshrl.u32 s15, $0x2;
	s15 =	sadd.s32 $0x0, s16  }
0x33: {  	s17 =	simm.s32 $0x4;
	s18 =	sadd.s32 $0x40, s18;
	s14 =	sor.u32 $0x4000, s31;
	[tilespmem:s15+$0x1830 ss:$0x81] =	vst.msk $0xffff, v3  }
.LBB1_3:
0x34: {  	v3 =	vld [tilespmem:s18+$0x10];
	p1 =	sne.s32 s17, $0x1FC;
	[tilespmem:s15+$0x810 ss:$0x81] =	vst.msk $0xffff, v2;
	s19 =	smov.u32 s17;
	s17 =	sadd.s32 $0x4, s17  }
.Ltmp3:
0x35: {  	v2 =	vld [tilespmem:s18+$0xFFFFFFF0];
	[tilespmem:s15+$0x1020 ss:$0x81] =	vst.msk $0xffff, v0;
	(pc) =	sbr.rel @p1 .LBB1_3-.Ltmp3, $4  }
0x36: {  	v0 =	vld [tilespmem:s18+$0x0];
	[tilespmem:s15+$0x0 ss:$0x81] =	vst.msk $0xffff, v1  }
0x37: {  	s15 =	sshra.s32 s19, $0x2;
	v1 =	vld [tilespmem:s18+$0xFFFFFFE0]  }
0x38: {  	s15 =	sadd.s32 s15, s16  }
0x39: {  	s18 =	sadd.s32 $0x40, s18;
	[tilespmem:s15+$0x1830 ss:$0x81] =	vst.msk $0xffff, v3  }
.Ltmp4:
0x3a: {  	_ = 	snop;
	(pc) =	sbr.rel .LBB1_4-.Ltmp4, $1  }
0x3b: {  	_ =	sdelay $0x3  }
.LBB1_6:
0x3c: {  	_ =	sfence.sel $0x180000  }
0x3d: {  	s2 =	simm.s32 $0x1;
	[bflag:$0x0] =	sbarrier.arrive $0xFFFF  }
0x3e: {  	s31 =	simm.s32 $0x2;
	[sflag:s2] =	ssyncpa.u1 $0x1  }
0x3f: {  	[sflag:s31] =	ssyncpa.u1 $0x1  }
0x40: {  	p0 =	sne.s32 s0, $0x0;
	_ =	strace $0x9000004D  }
0x41: {  	s0 =	sadd.s32 @!p0 $0x100000, s1;
	[bflag:$0x2] =	sbarrier.arrive $0xFFFF  }
0x42: {  	[sflag:s0] =	ssyncadd.tile.s32 @!p0 $0x1;
	_ =	shalt  }
.Lfunc_end1:
_tile_overlayer_lowered:
.L_overlay_start_2:
0x43: {  	(tag) =	ssettag $0x2  }
0x44: {  	s0 =	rddreg [dreg:$0x0];
	s2 =	stileid.u32  }
0x45: {  	s1 =	rddreg [dreg:$0x1];
	p0 =	sne.s32 s2, $0x0  }
0x46: {  	s3 =	rddreg [dreg:$0x2];
	[bflag:$0x3] =	sbarrier.arrive $0xFFFF;
	s2 =	simm.s32 @!p0 $0x1C01  }
0x47: {  	[timem:s3], [sflag:s2] =	dma.local @!p0 [hbm:s0], s1  }
0x48: {  	s0 =	simm.s32 @!p0 $0x1  }
0x49: {  	_ =	swait.ge @!p0 [sflag:s0], s1  }
0x4a: {  	s1 =	ssub.s32 @!p0 $0x0, s1;
	[sflag:s0] =	ssyncset.done @!p0 $0x0  }
0x4b: {  	[sflag:s0] =	ssyncadd.s32 @!p0 s1  }
0x4c: {  	[bflag:$0x3] =	sbarrier.arrive $0xFFFF  }
0x4d: {  	_ =	shalt  }

</sc_bundles>
